<compile_context>
chip_gen: v7x
topology: tpu7x:2x2x1
jax: 0.10.2.dev20260603
libtpu: 0.0.44.dev20260713+nightly
codegen_flags: <defaults>
</compile_context>

<pallas_src>
import functools

import jax
import jax.numpy as jnp
from jax import lax
from jax.experimental import pallas as pl
from jax.experimental.pallas import tpu as pltpu
from jax.experimental.pallas import tpu_sc as plsc

_LANES = 16


def _build_sc_kernel(num_nodes, embed_dim, batch, num_layers, num_walks,
                     slots_pad, num_workers):
  rows_per_worker = batch // num_workers
  ncg = embed_dim // _LANES
  half = rows_per_worker // 2

  mesh = plsc.VectorSubcoreMesh(core_axis_name="c", subcore_axis_name="s")

  @functools.partial(
      pl.kernel,
      mesh=mesh,
      out_type=jax.ShapeDtypeStruct((batch * embed_dim,), jnp.float32),
      compiler_params=pltpu.CompilerParams(use_tc_tiling_on_sc=False),
      scratch_types=[
          pltpu.VMEM((rows_per_worker * slots_pad,), jnp.int32),
          pltpu.VMEM((slots_pad, embed_dim), jnp.float32),
          pltpu.VMEM((slots_pad, embed_dim), jnp.float32),
          pltpu.VMEM((_LANES,), jnp.float32),
          pltpu.VMEM((embed_dim,), jnp.float32),
          pltpu.VMEM((embed_dim,), jnp.float32),
          pltpu.SemaphoreType.DMA,
          pltpu.SemaphoreType.DMA,
          pltpu.SemaphoreType.DMA,
          pltpu.SemaphoreType.DMA,
      ],
  )
  def gwarmer_kernel(emb_hbm, idx_hbm, w_hbm, out_hbm,
                     idx_v, buf0, buf1, w_v, out0, out1,
                     sem_g0, sem_g1, sem_o0, sem_o1):
    nc = 2
    wid = lax.axis_index("s") * nc + lax.axis_index("c")
    base_row = wid * rows_per_worker

    pltpu.sync_copy(
        idx_hbm.at[pl.ds(base_row * slots_pad, rows_per_worker * slots_pad)],
        idx_v)

    def shuffle(v, perm):
      return v.at[perm].get(mode="promise_in_bounds")

    def all_lanes_reduce(v, op):
      for sh in (8, 4, 2, 1):
        perm = (jnp.arange(_LANES, dtype=jnp.int32) + sh) % _LANES
        v = op(v, shuffle(v, perm))
      return v

    pltpu.sync_copy(w_hbm, w_v)
    wv = w_v[...]
    e = jnp.exp(wv - all_lanes_reduce(wv, jnp.maximum))
    probs = e / all_lanes_reduce(e, jnp.add)
    zero = jnp.zeros((_LANES,), jnp.float32)
    layer_w = [
        shuffle(probs, jnp.full((_LANES,), k, jnp.int32))
        for k in range(num_layers + 1)
    ]
    p0 = layer_w[0]
    walk_w = [w * (1.0 / num_walks) for w in layer_w[1:]]

    def gather_row(row, buf, sem):
      return pltpu.make_async_copy(
          emb_hbm.at[idx_v.at[pl.ds(row * slots_pad, slots_pad)]], buf, sem)

    def out_copy(row, out_buf, sem):
      return pltpu.make_async_copy(
          out_buf, out_hbm.at[pl.ds((base_row + row) * embed_dim, embed_dim)],
          sem)

    def compute_row(buf, out_buf):
      accs = [p0 * buf[0, pl.ds(_LANES * c, _LANES)] for c in range(ncg)]
      for k in range(num_layers):
        seg_base = 1 + num_walks * k

        def seg_body(j, carry, _seg_base=seg_base):
          return tuple(
              carry[c] + buf[_seg_base + j, pl.ds(_LANES * c, _LANES)]
              for c in range(ncg))

        seg = lax.fori_loop(0, num_walks, seg_body,
                            tuple(zero for _ in range(ncg)))
        accs = [a + walk_w[k] * s for a, s in zip(accs, seg)]
      for c in range(ncg):
        out_buf[pl.ds(_LANES * c, _LANES)] = accs[c]

    gather_row(0, buf0, sem_g0).start()

    def loop_body(r2, _):
      a = 2 * r2
      gather_row(a + 1, buf1, sem_g1).start()
      gather_row(a, buf0, sem_g0).wait()

      @pl.when(r2 > 0)
      def _():
        out_copy(0, out0, sem_o0).wait()

      compute_row(buf0, out0)
      out_copy(a, out0, sem_o0).start()

      @pl.when(r2 < half - 1)
      def _():
        gather_row(a + 2, buf0, sem_g0).start()

      gather_row(a + 1, buf1, sem_g1).wait()

      @pl.when(r2 > 0)
      def _():
        out_copy(0, out1, sem_o1).wait()

      compute_row(buf1, out1)
      out_copy(a + 1, out1, sem_o1).start()
      return 0

    lax.fori_loop(0, half, loop_body, 0)
    out_copy(0, out0, sem_o0).wait()
    out_copy(0, out1, sem_o1).wait()

  return gwarmer_kernel


def kernel(embeddings, walks, node_indices, user_weights):
  num_nodes, embed_dim = embeddings.shape
  batch, num_walks, kp1 = walks.shape
  num_layers = kp1 - 1
  num_slots = 1 + num_layers * num_walks
  slots_pad = -(-num_slots // 8) * 8
  num_workers = 32

  walk_idx = jnp.transpose(walks[:, :, 1:], (0, 2, 1)).reshape(
      batch, num_layers * num_walks)
  pad = jnp.zeros((batch, slots_pad - num_slots), jnp.int32)
  idx = jnp.concatenate([node_indices[:, None], walk_idx, pad], axis=1)
  idx_flat = idx.reshape(-1)

  w_pad = jnp.full((_LANES,), -1e30, jnp.float32).at[:kp1].set(user_weights)

  sc_kernel = _build_sc_kernel(num_nodes, embed_dim, batch, num_layers,
                               num_walks, slots_pad, num_workers)
  out_flat = sc_kernel(embeddings, idx_flat, w_pad)
  return out_flat.reshape(batch, embed_dim)

# --- scband reference (transcript-rebuilt; emitter-appended) ---
"""Pipeline reference for scband-gwarmer-88622355186325 (READ-ONLY COPY).

The authoritative reference and input builder live on the scoring server;
editing this copy changes nothing except your own understanding.
"""

import jax, jax.numpy as jnp
import numpy as np

NUM_NODES = 100000
EMBED_DIM = 256
NUM_LAYERS = 3
NUM_WALKS = 25
BATCH = 8192


def setup_inputs(seed: int = 0) -> dict:
    key = jax.random.key(seed)
    k1, k2, k3, k4 = jax.random.split(key, 4)
    embeddings = jax.random.normal(k1, (NUM_NODES, EMBED_DIM), dtype=jnp.float32)
    # walks[b, s, :] is a random walk of length NUM_LAYERS+1 starting at node_indices[b]
    walks = jax.random.randint(k2, (BATCH, NUM_WALKS, NUM_LAYERS + 1), 0, NUM_NODES, dtype=jnp.int32)
    node_indices = jax.random.randint(k3, (BATCH,), 0, NUM_NODES, dtype=jnp.int32)
    # learned self-adaptive layer weights (user_weights in the torch module; item_weights is unused in forward)
    user_weights = jnp.ones((NUM_LAYERS + 1,), dtype=jnp.float32)
    return {"embeddings": embeddings, "walks": walks, "node_indices": node_indices, "user_weights": user_weights}


def reference(embeddings, walks, node_indices, user_weights):
    # pool_walks: layer 0 is the node's own embedding
    layer0 = jnp.take(embeddings, node_indices, axis=0)  # [B, D]
    layers = [layer0]
    for k in range(1, NUM_LAYERS + 1):
        # walks all have full length NUM_LAYERS+1, so walk[k] is always valid
        nodes_k = walks[:, :, k]  # [B, S]
        emb_k = jnp.take(embeddings, nodes_k, axis=0)  # [B, S, D]
        layers.append(jnp.mean(emb_k, axis=1))  # mean over walks -> [B, D]
    layer_reprs = jnp.stack(layers, axis=1)  # [B, NUM_LAYERS+1, D]
    # self-adaptive weighting: softmax over layer weights, weighted sum over layers
    w = jax.nn.softmax(user_weights, axis=0)  # [NUM_LAYERS+1]
    weighted_reprs = jnp.sum(layer_reprs * w[None, :, None], axis=1)  # [B, D]
    return weighted_reprs

if __name__ == "__main__":
    import jax
    _d = setup_inputs()
    print(jax.jit(kernel)(*tuple(_d.values())))

</pallas_src>

<mosaic_0001>
#map = affine_map<(d0, d1) -> (0, 0)>
#map1 = affine_map<(d0, d1) -> (0)>
module attributes {stable_mosaic.version = 14 : i64} {
  func.func @gwarmer_kernel(%arg0: i32, %arg1: i32, %arg2: memref<100000x256xf32, #tpu.memory_space<hbm>>, %arg3: memref<655360xi32, #tpu.memory_space<hbm>>, %arg4: memref<16xf32, #tpu.memory_space<hbm>>, %arg5: memref<2097152xf32, #tpu.memory_space<hbm>>, %arg6: memref<20480xi32, #tpu.memory_space<vmem>>, %arg7: memref<80x256xf32, #tpu.memory_space<vmem>>, %arg8: memref<80x256xf32, #tpu.memory_space<vmem>>, %arg9: memref<16xf32, #tpu.memory_space<vmem>>, %arg10: memref<256xf32, #tpu.memory_space<vmem>>, %arg11: memref<256xf32, #tpu.memory_space<vmem>>, %arg12: memref<!tpu.dma_semaphore, #tpu.memory_space<semaphore_mem>>, %arg13: memref<!tpu.dma_semaphore, #tpu.memory_space<semaphore_mem>>, %arg14: memref<!tpu.dma_semaphore, #tpu.memory_space<semaphore_mem>>, %arg15: memref<!tpu.dma_semaphore, #tpu.memory_space<semaphore_mem>>) attributes {dimension_semantics = [#tpu.dimension_semantics<core_parallel>, #tpu.dimension_semantics<subcore_parallel>], iteration_bounds = array<i64: 2, 16>, scalar_prefetch = 0 : i64, scratch_operands = 10 : i64, tpu.core_type = #tpu.core_type<sc_vector_subcore>, window_params = [{transform_indices = #map}, {transform_indices = #map1}, {transform_indices = #map1}, {transform_indices = #map1}]} {
    %mul3A = arith.constant 2 : i32
    %mul3A_0 = arith.muli %arg1, %mul3A : i32
    %add3A = arith.addi %mul3A_0, %arg0 : i32
    %mul3A_1 = arith.constant 256 : i32
    %mul3A_2 = arith.muli %add3A, %mul3A_1 : i32
    %mul3A_3 = arith.constant 80 : i32
    %mul3A_4 = arith.muli %mul3A_2, %mul3A_3 : i32
    "tpu.region"() ({
      %run_scoped3A = tpu.sem_alloc : memref<!tpu.dma_semaphore, #tpu.memory_space<semaphore_mem>>
      %dma_start3A_372 = tpu.memref_slice %arg3[%mul3A_4] : memref<655360xi32, #tpu.memory_space<hbm>> -> memref<20480xi32, #tpu.memory_space<hbm>>
      %dma_start3A_373 = tpu.memref_slice %arg3[%mul3A_4] : memref<655360xi32, #tpu.memory_space<hbm>> -> memref<20480xi32, #tpu.memory_space<hbm>>
      tpu.enqueue_dma source(%dma_start3A_373 : memref<20480xi32, #tpu.memory_space<hbm>>) target(%arg6 : memref<20480xi32, #tpu.memory_space<vmem>>) target_semaphore(%run_scoped3A : memref<!tpu.dma_semaphore, #tpu.memory_space<semaphore_mem>>)
      %dma_wait3A_374 = tpu.memref_slice %arg3[%mul3A_4] : memref<655360xi32, #tpu.memory_space<hbm>> -> memref<20480xi32, #tpu.memory_space<hbm>>
      %dma_wait3A_375 = tpu.memref_slice %arg3[%mul3A_4] : memref<655360xi32, #tpu.memory_space<hbm>> -> memref<20480xi32, #tpu.memory_space<hbm>>
      tpu.wait_dma2 semaphore(%run_scoped3A : memref<!tpu.dma_semaphore, #tpu.memory_space<semaphore_mem>>) src(%dma_wait3A_375 : memref<20480xi32, #tpu.memory_space<hbm>>) dst(%arg6 : memref<20480xi32, #tpu.memory_space<vmem>>)
      tpu.yield
    }) : () -> ()
    "tpu.region"() ({
      %run_scoped3A = tpu.sem_alloc : memref<!tpu.dma_semaphore, #tpu.memory_space<semaphore_mem>>
      tpu.enqueue_dma source(%arg4 : memref<16xf32, #tpu.memory_space<hbm>>) target(%arg9 : memref<16xf32, #tpu.memory_space<vmem>>) target_semaphore(%run_scoped3A : memref<!tpu.dma_semaphore, #tpu.memory_space<semaphore_mem>>)
      tpu.wait_dma2 semaphore(%run_scoped3A : memref<!tpu.dma_semaphore, #tpu.memory_space<semaphore_mem>>) src(%arg4 : memref<16xf32, #tpu.memory_space<hbm>>) dst(%arg9 : memref<16xf32, #tpu.memory_space<vmem>>)
      tpu.yield
    }) : () -> ()
    %get3A = arith.constant 0 : index
    %get3A_5 = tpu.vector_load %arg9[%get3A] {strides = array<i32>} : memref<16xf32, #tpu.memory_space<vmem>>, vector<16xf32>,
    %get3A_6 = vector.shape_cast %get3A_5 : vector<16xf32> to vector<16xf32>
    %iota3A = tpu.iota {dimensions = array<i32: 0>} : vector<16xi32>
    %add3A_7 = arith.constant 8 : i32
    %add3A_8 = vector.broadcast %add3A_7 : i32 to vector<16xi32>
    %add3A_9 = arith.addi %iota3A, %add3A_8 : vector<16xi32>
    %jit3A = arith.constant 16 : i32
    %eq3A = arith.constant 0 : i32
    %eq3A_10 = arith.cmpi eq, %jit3A, %eq3A : i32
    %jit3A_11 = arith.constant 1 : i32
    %select_n3A = arith.select %eq3A_10, %jit3A_11, %jit3A : i32
    %rem3A = vector.broadcast %select_n3A : i32 to vector<16xi32>
    %rem3A_12 = arith.remsi %add3A_9, %rem3A : vector<16xi32>
    %ne3A = arith.constant 0 : i32
    %ne3A_13 = vector.broadcast %ne3A : i32 to vector<16xi32>
    %ne3A_14 = arith.cmpi ne, %rem3A_12, %ne3A_13 : vector<16xi32>
    %lt3A = arith.constant 0 : i32
    %lt3A_15 = vector.broadcast %lt3A : i32 to vector<16xi32>
    %lt3A_16 = arith.cmpi slt, %rem3A_12, %lt3A_15 : vector<16xi32>
    %lt3A_17 = arith.constant 0 : i32
    %lt3A_18 = arith.cmpi slt, %select_n3A, %lt3A_17 : i32
    %ne3A_19 = vector.broadcast %lt3A_18 : i1 to vector<16xi1>
    %ne3A_20 = vector.broadcast %ne3A_19 : vector<16xi1> to vector<16xi1>
    %ne3A_21 = arith.xori %lt3A_16, %ne3A_20 : vector<16xi1>
    %and3A = arith.andi %ne3A_21, %ne3A_14 : vector<16xi1>
    %add3A_22 = vector.broadcast %select_n3A : i32 to vector<16xi32>
    %add3A_23 = arith.addi %rem3A_12, %add3A_22 : vector<16xi32>
    %select_n3A_24 = arith.select %and3A, %add3A_23, %rem3A_12 : vector<16xi1>, vector<16xi32>
    %lt3A_25 = arith.constant 0 : i32
    %lt3A_26 = vector.broadcast %lt3A_25 : i32 to vector<16xi32>
    %lt3A_27 = arith.cmpi slt, %select_n3A_24, %lt3A_26 : vector<16xi32>
    %add3A_28 = arith.constant 16 : i32
    %add3A_29 = vector.broadcast %add3A_28 : i32 to vector<16xi32>
    %add3A_30 = arith.addi %select_n3A_24, %add3A_29 : vector<16xi32>
    %select_n3A_31 = arith.select %lt3A_27, %add3A_30, %select_n3A_24 : vector<16xi1>, vector<16xi32>
    %broadcast_in_dim3A = vector.shape_cast %select_n3A_31 : vector<16xi32> to vector<16x1xi32>
    %gather3A = vector.shape_cast %broadcast_in_dim3A : vector<16x1xi32> to vector<16xi32>
    %gather3A_32 = tpu.dynamic_gather %get3A_6[%gather3A] in [0] : vector<16xf32>, vector<16xi32> -> vector<16xf32>
    %max3A = arith.maximumf %get3A_6, %gather3A_32 : vector<16xf32>
    %iota3A_33 = tpu.iota {dimensions = array<i32: 0>} : vector<16xi32>
    %add3A_34 = arith.constant 4 : i32
    %add3A_35 = vector.broadcast %add3A_34 : i32 to vector<16xi32>
    %add3A_36 = arith.addi %iota3A_33, %add3A_35 : vector<16xi32>
    %jit3A_37 = arith.constant 16 : i32
    %eq3A_38 = arith.constant 0 : i32
    %eq3A_39 = arith.cmpi eq, %jit3A_37, %eq3A_38 : i32
    %jit3A_40 = arith.constant 1 : i32
    %select_n3A_41 = arith.select %eq3A_39, %jit3A_40, %jit3A_37 : i32
    %rem3A_42 = vector.broadcast %select_n3A_41 : i32 to vector<16xi32>
    %rem3A_43 = arith.remsi %add3A_36, %rem3A_42 : vector<16xi32>
    %ne3A_44 = arith.constant 0 : i32
    %ne3A_45 = vector.broadcast %ne3A_44 : i32 to vector<16xi32>
    %ne3A_46 = arith.cmpi ne, %rem3A_43, %ne3A_45 : vector<16xi32>
    %lt3A_47 = arith.constant 0 : i32
    %lt3A_48 = vector.broadcast %lt3A_47 : i32 to vector<16xi32>
    %lt3A_49 = arith.cmpi slt, %rem3A_43, %lt3A_48 : vector<16xi32>
    %lt3A_50 = arith.constant 0 : i32
    %lt3A_51 = arith.cmpi slt, %select_n3A_41, %lt3A_50 : i32
    %ne3A_52 = vector.broadcast %lt3A_51 : i1 to vector<16xi1>
    %ne3A_53 = vector.broadcast %ne3A_52 : vector<16xi1> to vector<16xi1>
    %ne3A_54 = arith.xori %lt3A_49, %ne3A_53 : vector<16xi1>
    %and3A_55 = arith.andi %ne3A_54, %ne3A_46 : vector<16xi1>
    %add3A_56 = vector.broadcast %select_n3A_41 : i32 to vector<16xi32>
    %add3A_57 = arith.addi %rem3A_43, %add3A_56 : vector<16xi32>
    %select_n3A_58 = arith.select %and3A_55, %add3A_57, %rem3A_43 : vector<16xi1>, vector<16xi32>
    %lt3A_59 = arith.constant 0 : i32
    %lt3A_60 = vector.broadcast %lt3A_59 : i32 to vector<16xi32>
    %lt3A_61 = arith.cmpi slt, %select_n3A_58, %lt3A_60 : vector<16xi32>
    %add3A_62 = arith.constant 16 : i32
    %add3A_63 = vector.broadcast %add3A_62 : i32 to vector<16xi32>
    %add3A_64 = arith.addi %select_n3A_58, %add3A_63 : vector<16xi32>
    %select_n3A_65 = arith.select %lt3A_61, %add3A_64, %select_n3A_58 : vector<16xi1>, vector<16xi32>
    %broadcast_in_dim3A_66 = vector.shape_cast %select_n3A_65 : vector<16xi32> to vector<16x1xi32>
    %gather3A_67 = vector.shape_cast %broadcast_in_dim3A_66 : vector<16x1xi32> to vector<16xi32>
    %gather3A_68 = tpu.dynamic_gather %max3A[%gather3A_67] in [0] : vector<16xf32>, vector<16xi32> -> vector<16xf32>
    %max3A_69 = arith.maximumf %max3A, %gather3A_68 : vector<16xf32>
    %iota3A_70 = tpu.iota {dimensions = array<i32: 0>} : vector<16xi32>
    %add3A_71 = arith.constant 2 : i32
    %add3A_72 = vector.broadcast %add3A_71 : i32 to vector<16xi32>
    %add3A_73 = arith.addi %iota3A_70, %add3A_72 : vector<16xi32>
    %jit3A_74 = arith.constant 16 : i32
    %eq3A_75 = arith.constant 0 : i32
    %eq3A_76 = arith.cmpi eq, %jit3A_74, %eq3A_75 : i32
    %jit3A_77 = arith.constant 1 : i32
    %select_n3A_78 = arith.select %eq3A_76, %jit3A_77, %jit3A_74 : i32
    %rem3A_79 = vector.broadcast %select_n3A_78 : i32 to vector<16xi32>
    %rem3A_80 = arith.remsi %add3A_73, %rem3A_79 : vector<16xi32>
    %ne3A_81 = arith.constant 0 : i32
    %ne3A_82 = vector.broadcast %ne3A_81 : i32 to vector<16xi32>
    %ne3A_83 = arith.cmpi ne, %rem3A_80, %ne3A_82 : vector<16xi32>
    %lt3A_84 = arith.constant 0 : i32
    %lt3A_85 = vector.broadcast %lt3A_84 : i32 to vector<16xi32>
    %lt3A_86 = arith.cmpi slt, %rem3A_80, %lt3A_85 : vector<16xi32>
    %lt3A_87 = arith.constant 0 : i32
    %lt3A_88 = arith.cmpi slt, %select_n3A_78, %lt3A_87 : i32
    %ne3A_89 = vector.broadcast %lt3A_88 : i1 to vector<16xi1>
    %ne3A_90 = vector.broadcast %ne3A_89 : vector<16xi1> to vector<16xi1>
    %ne3A_91 = arith.xori %lt3A_86, %ne3A_90 : vector<16xi1>
    %and3A_92 = arith.andi %ne3A_91, %ne3A_83 : vector<16xi1>
    %add3A_93 = vector.broadcast %select_n3A_78 : i32 to vector<16xi32>
    %add3A_94 = arith.addi %rem3A_80, %add3A_93 : vector<16xi32>
    %select_n3A_95 = arith.select %and3A_92, %add3A_94, %rem3A_80 : vector<16xi1>, vector<16xi32>
    %lt3A_96 = arith.constant 0 : i32
    %lt3A_97 = vector.broadcast %lt3A_96 : i32 to vector<16xi32>
    %lt3A_98 = arith.cmpi slt, %select_n3A_95, %lt3A_97 : vector<16xi32>
    %add3A_99 = arith.constant 16 : i32
    %add3A_100 = vector.broadcast %add3A_99 : i32 to vector<16xi32>
    %add3A_101 = arith.addi %select_n3A_95, %add3A_100 : vector<16xi32>
    %select_n3A_102 = arith.select %lt3A_98, %add3A_101, %select_n3A_95 : vector<16xi1>, vector<16xi32>
    %broadcast_in_dim3A_103 = vector.shape_cast %select_n3A_102 : vector<16xi32> to vector<16x1xi32>
    %gather3A_104 = vector.shape_cast %broadcast_in_dim3A_103 : vector<16x1xi32> to vector<16xi32>
    %gather3A_105 = tpu.dynamic_gather %max3A_69[%gather3A_104] in [0] : vector<16xf32>, vector<16xi32> -> vector<16xf32>
    %max3A_106 = arith.maximumf %max3A_69, %gather3A_105 : vector<16xf32>
    %iota3A_107 = tpu.iota {dimensions = array<i32: 0>} : vector<16xi32>
    %add3A_108 = arith.constant 1 : i32
    %add3A_109 = vector.broadcast %add3A_108 : i32 to vector<16xi32>
    %add3A_110 = arith.addi %iota3A_107, %add3A_109 : vector<16xi32>
    %jit3A_111 = arith.constant 16 : i32
    %eq3A_112 = arith.constant 0 : i32
    %eq3A_113 = arith.cmpi eq, %jit3A_111, %eq3A_112 : i32
    %jit3A_114 = arith.constant 1 : i32
    %select_n3A_115 = arith.select %eq3A_113, %jit3A_114, %jit3A_111 : i32
    %rem3A_116 = vector.broadcast %select_n3A_115 : i32 to vector<16xi32>
    %rem3A_117 = arith.remsi %add3A_110, %rem3A_116 : vector<16xi32>
    %ne3A_118 = arith.constant 0 : i32
    %ne3A_119 = vector.broadcast %ne3A_118 : i32 to vector<16xi32>
    %ne3A_120 = arith.cmpi ne, %rem3A_117, %ne3A_119 : vector<16xi32>
    %lt3A_121 = arith.constant 0 : i32
    %lt3A_122 = vector.broadcast %lt3A_121 : i32 to vector<16xi32>
    %lt3A_123 = arith.cmpi slt, %rem3A_117, %lt3A_122 : vector<16xi32>
    %lt3A_124 = arith.constant 0 : i32
    %lt3A_125 = arith.cmpi slt, %select_n3A_115, %lt3A_124 : i32
    %ne3A_126 = vector.broadcast %lt3A_125 : i1 to vector<16xi1>
    %ne3A_127 = vector.broadcast %ne3A_126 : vector<16xi1> to vector<16xi1>
    %ne3A_128 = arith.xori %lt3A_123, %ne3A_127 : vector<16xi1>
    %and3A_129 = arith.andi %ne3A_128, %ne3A_120 : vector<16xi1>
    %add3A_130 = vector.broadcast %select_n3A_115 : i32 to vector<16xi32>
    %add3A_131 = arith.addi %rem3A_117, %add3A_130 : vector<16xi32>
    %select_n3A_132 = arith.select %and3A_129, %add3A_131, %rem3A_117 : vector<16xi1>, vector<16xi32>
    %lt3A_133 = arith.constant 0 : i32
    %lt3A_134 = vector.broadcast %lt3A_133 : i32 to vector<16xi32>
    %lt3A_135 = arith.cmpi slt, %select_n3A_132, %lt3A_134 : vector<16xi32>
    %add3A_136 = arith.constant 16 : i32
    %add3A_137 = vector.broadcast %add3A_136 : i32 to vector<16xi32>
    %add3A_138 = arith.addi %select_n3A_132, %add3A_137 : vector<16xi32>
    %select_n3A_139 = arith.select %lt3A_135, %add3A_138, %select_n3A_132 : vector<16xi1>, vector<16xi32>
    %broadcast_in_dim3A_140 = vector.shape_cast %select_n3A_139 : vector<16xi32> to vector<16x1xi32>
    %gather3A_141 = vector.shape_cast %broadcast_in_dim3A_140 : vector<16x1xi32> to vector<16xi32>
    %gather3A_142 = tpu.dynamic_gather %max3A_106[%gather3A_141] in [0] : vector<16xf32>, vector<16xi32> -> vector<16xf32>
    %max3A_143 = arith.maximumf %max3A_106, %gather3A_142 : vector<16xf32>
    %sub3A = arith.subf %get3A_6, %max3A_143 : vector<16xf32>
    %exp3A = math.exp %sub3A : vector<16xf32>
    %iota3A_144 = tpu.iota {dimensions = array<i32: 0>} : vector<16xi32>
    %add3A_145 = arith.constant 8 : i32
    %add3A_146 = vector.broadcast %add3A_145 : i32 to vector<16xi32>
    %add3A_147 = arith.addi %iota3A_144, %add3A_146 : vector<16xi32>
    %jit3A_148 = arith.constant 16 : i32
    %eq3A_149 = arith.constant 0 : i32
    %eq3A_150 = arith.cmpi eq, %jit3A_148, %eq3A_149 : i32
    %jit3A_151 = arith.constant 1 : i32
    %select_n3A_152 = arith.select %eq3A_150, %jit3A_151, %jit3A_148 : i32
    %rem3A_153 = vector.broadcast %select_n3A_152 : i32 to vector<16xi32>
    %rem3A_154 = arith.remsi %add3A_147, %rem3A_153 : vector<16xi32>
    %ne3A_155 = arith.constant 0 : i32
    %ne3A_156 = vector.broadcast %ne3A_155 : i32 to vector<16xi32>
    %ne3A_157 = arith.cmpi ne, %rem3A_154, %ne3A_156 : vector<16xi32>
    %lt3A_158 = arith.constant 0 : i32
    %lt3A_159 = vector.broadcast %lt3A_158 : i32 to vector<16xi32>
    %lt3A_160 = arith.cmpi slt, %rem3A_154, %lt3A_159 : vector<16xi32>
    %lt3A_161 = arith.constant 0 : i32
    %lt3A_162 = arith.cmpi slt, %select_n3A_152, %lt3A_161 : i32
    %ne3A_163 = vector.broadcast %lt3A_162 : i1 to vector<16xi1>
    %ne3A_164 = vector.broadcast %ne3A_163 : vector<16xi1> to vector<16xi1>
    %ne3A_165 = arith.xori %lt3A_160, %ne3A_164 : vector<16xi1>
    %and3A_166 = arith.andi %ne3A_165, %ne3A_157 : vector<16xi1>
    %add3A_167 = vector.broadcast %select_n3A_152 : i32 to vector<16xi32>
    %add3A_168 = arith.addi %rem3A_154, %add3A_167 : vector<16xi32>
    %select_n3A_169 = arith.select %and3A_166, %add3A_168, %rem3A_154 : vector<16xi1>, vector<16xi32>
    %lt3A_170 = arith.constant 0 : i32
    %lt3A_171 = vector.broadcast %lt3A_170 : i32 to vector<16xi32>
    %lt3A_172 = arith.cmpi slt, %select_n3A_169, %lt3A_171 : vector<16xi32>
    %add3A_173 = arith.constant 16 : i32
    %add3A_174 = vector.broadcast %add3A_173 : i32 to vector<16xi32>
    %add3A_175 = arith.addi %select_n3A_169, %add3A_174 : vector<16xi32>
    %select_n3A_176 = arith.select %lt3A_172, %add3A_175, %select_n3A_169 : vector<16xi1>, vector<16xi32>
    %broadcast_in_dim3A_177 = vector.shape_cast %select_n3A_176 : vector<16xi32> to vector<16x1xi32>
    %gather3A_178 = vector.shape_cast %broadcast_in_dim3A_177 : vector<16x1xi32> to vector<16xi32>
    %gather3A_179 = tpu.dynamic_gather %exp3A[%gather3A_178] in [0] : vector<16xf32>, vector<16xi32> -> vector<16xf32>
    %add3A_180 = arith.addf %exp3A, %gather3A_179 : vector<16xf32>
    %iota3A_181 = tpu.iota {dimensions = array<i32: 0>} : vector<16xi32>
    %add3A_182 = arith.constant 4 : i32
    %add3A_183 = vector.broadcast %add3A_182 : i32 to vector<16xi32>
    %add3A_184 = arith.addi %iota3A_181, %add3A_183 : vector<16xi32>
    %jit3A_185 = arith.constant 16 : i32
    %eq3A_186 = arith.constant 0 : i32
    %eq3A_187 = arith.cmpi eq, %jit3A_185, %eq3A_186 : i32
    %jit3A_188 = arith.constant 1 : i32
    %select_n3A_189 = arith.select %eq3A_187, %jit3A_188, %jit3A_185 : i32
    %rem3A_190 = vector.broadcast %select_n3A_189 : i32 to vector<16xi32>
    %rem3A_191 = arith.remsi %add3A_184, %rem3A_190 : vector<16xi32>
    %ne3A_192 = arith.constant 0 : i32
    %ne3A_193 = vector.broadcast %ne3A_192 : i32 to vector<16xi32>
    %ne3A_194 = arith.cmpi ne, %rem3A_191, %ne3A_193 : vector<16xi32>
    %lt3A_195 = arith.constant 0 : i32
    %lt3A_196 = vector.broadcast %lt3A_195 : i32 to vector<16xi32>
    %lt3A_197 = arith.cmpi slt, %rem3A_191, %lt3A_196 : vector<16xi32>
    %lt3A_198 = arith.constant 0 : i32
    %lt3A_199 = arith.cmpi slt, %select_n3A_189, %lt3A_198 : i32
    %ne3A_200 = vector.broadcast %lt3A_199 : i1 to vector<16xi1>
    %ne3A_201 = vector.broadcast %ne3A_200 : vector<16xi1> to vector<16xi1>
    %ne3A_202 = arith.xori %lt3A_197, %ne3A_201 : vector<16xi1>
    %and3A_203 = arith.andi %ne3A_202, %ne3A_194 : vector<16xi1>
    %add3A_204 = vector.broadcast %select_n3A_189 : i32 to vector<16xi32>
    %add3A_205 = arith.addi %rem3A_191, %add3A_204 : vector<16xi32>
    %select_n3A_206 = arith.select %and3A_203, %add3A_205, %rem3A_191 : vector<16xi1>, vector<16xi32>
    %lt3A_207 = arith.constant 0 : i32
    %lt3A_208 = vector.broadcast %lt3A_207 : i32 to vector<16xi32>
    %lt3A_209 = arith.cmpi slt, %select_n3A_206, %lt3A_208 : vector<16xi32>
    %add3A_210 = arith.constant 16 : i32
    %add3A_211 = vector.broadcast %add3A_210 : i32 to vector<16xi32>
    %add3A_212 = arith.addi %select_n3A_206, %add3A_211 : vector<16xi32>
    %select_n3A_213 = arith.select %lt3A_209, %add3A_212, %select_n3A_206 : vector<16xi1>, vector<16xi32>
    %broadcast_in_dim3A_214 = vector.shape_cast %select_n3A_213 : vector<16xi32> to vector<16x1xi32>
    %gather3A_215 = vector.shape_cast %broadcast_in_dim3A_214 : vector<16x1xi32> to vector<16xi32>
    %gather3A_216 = tpu.dynamic_gather %add3A_180[%gather3A_215] in [0] : vector<16xf32>, vector<16xi32> -> vector<16xf32>
    %add3A_217 = arith.addf %add3A_180, %gather3A_216 : vector<16xf32>
    %iota3A_218 = tpu.iota {dimensions = array<i32: 0>} : vector<16xi32>
    %add3A_219 = arith.constant 2 : i32
    %add3A_220 = vector.broadcast %add3A_219 : i32 to vector<16xi32>
    %add3A_221 = arith.addi %iota3A_218, %add3A_220 : vector<16xi32>
    %jit3A_222 = arith.constant 16 : i32
    %eq3A_223 = arith.constant 0 : i32
    %eq3A_224 = arith.cmpi eq, %jit3A_222, %eq3A_223 : i32
    %jit3A_225 = arith.constant 1 : i32
    %select_n3A_226 = arith.select %eq3A_224, %jit3A_225, %jit3A_222 : i32
    %rem3A_227 = vector.broadcast %select_n3A_226 : i32 to vector<16xi32>
    %rem3A_228 = arith.remsi %add3A_221, %rem3A_227 : vector<16xi32>
    %ne3A_229 = arith.constant 0 : i32
    %ne3A_230 = vector.broadcast %ne3A_229 : i32 to vector<16xi32>
    %ne3A_231 = arith.cmpi ne, %rem3A_228, %ne3A_230 : vector<16xi32>
    %lt3A_232 = arith.constant 0 : i32
    %lt3A_233 = vector.broadcast %lt3A_232 : i32 to vector<16xi32>
    %lt3A_234 = arith.cmpi slt, %rem3A_228, %lt3A_233 : vector<16xi32>
    %lt3A_235 = arith.constant 0 : i32
    %lt3A_236 = arith.cmpi slt, %select_n3A_226, %lt3A_235 : i32
    %ne3A_237 = vector.broadcast %lt3A_236 : i1 to vector<16xi1>
    %ne3A_238 = vector.broadcast %ne3A_237 : vector<16xi1> to vector<16xi1>
    %ne3A_239 = arith.xori %lt3A_234, %ne3A_238 : vector<16xi1>
    %and3A_240 = arith.andi %ne3A_239, %ne3A_231 : vector<16xi1>
    %add3A_241 = vector.broadcast %select_n3A_226 : i32 to vector<16xi32>
    %add3A_242 = arith.addi %rem3A_228, %add3A_241 : vector<16xi32>
    %select_n3A_243 = arith.select %and3A_240, %add3A_242, %rem3A_228 : vector<16xi1>, vector<16xi32>
    %lt3A_244 = arith.constant 0 : i32
    %lt3A_245 = vector.broadcast %lt3A_244 : i32 to vector<16xi32>
    %lt3A_246 = arith.cmpi slt, %select_n3A_243, %lt3A_245 : vector<16xi32>
    %add3A_247 = arith.constant 16 : i32
    %add3A_248 = vector.broadcast %add3A_247 : i32 to vector<16xi32>
    %add3A_249 = arith.addi %select_n3A_243, %add3A_248 : vector<16xi32>
    %select_n3A_250 = arith.select %lt3A_246, %add3A_249, %select_n3A_243 : vector<16xi1>, vector<16xi32>
    %broadcast_in_dim3A_251 = vector.shape_cast %select_n3A_250 : vector<16xi32> to vector<16x1xi32>
    %gather3A_252 = vector.shape_cast %broadcast_in_dim3A_251 : vector<16x1xi32> to vector<16xi32>
    %gather3A_253 = tpu.dynamic_gather %add3A_217[%gather3A_252] in [0] : vector<16xf32>, vector<16xi32> -> vector<16xf32>
    %add3A_254 = arith.addf %add3A_217, %gather3A_253 : vector<16xf32>
    %iota3A_255 = tpu.iota {dimensions = array<i32: 0>} : vector<16xi32>
    %add3A_256 = arith.constant 1 : i32
    %add3A_257 = vector.broadcast %add3A_256 : i32 to vector<16xi32>
    %add3A_258 = arith.addi %iota3A_255, %add3A_257 : vector<16xi32>
    %jit3A_259 = arith.constant 16 : i32
    %eq3A_260 = arith.constant 0 : i32
    %eq3A_261 = arith.cmpi eq, %jit3A_259, %eq3A_260 : i32
    %jit3A_262 = arith.constant 1 : i32
    %select_n3A_263 = arith.select %eq3A_261, %jit3A_262, %jit3A_259 : i32
    %rem3A_264 = vector.broadcast %select_n3A_263 : i32 to vector<16xi32>
    %rem3A_265 = arith.remsi %add3A_258, %rem3A_264 : vector<16xi32>
    %ne3A_266 = arith.constant 0 : i32
    %ne3A_267 = vector.broadcast %ne3A_266 : i32 to vector<16xi32>
    %ne3A_268 = arith.cmpi ne, %rem3A_265, %ne3A_267 : vector<16xi32>
    %lt3A_269 = arith.constant 0 : i32
    %lt3A_270 = vector.broadcast %lt3A_269 : i32 to vector<16xi32>
    %lt3A_271 = arith.cmpi slt, %rem3A_265, %lt3A_270 : vector<16xi32>
    %lt3A_272 = arith.constant 0 : i32
    %lt3A_273 = arith.cmpi slt, %select_n3A_263, %lt3A_272 : i32
    %ne3A_274 = vector.broadcast %lt3A_273 : i1 to vector<16xi1>
    %ne3A_275 = vector.broadcast %ne3A_274 : vector<16xi1> to vector<16xi1>
    %ne3A_276 = arith.xori %lt3A_271, %ne3A_275 : vector<16xi1>
    %and3A_277 = arith.andi %ne3A_276, %ne3A_268 : vector<16xi1>
    %add3A_278 = vector.broadcast %select_n3A_263 : i32 to vector<16xi32>
    %add3A_279 = arith.addi %rem3A_265, %add3A_278 : vector<16xi32>
    %select_n3A_280 = arith.select %and3A_277, %add3A_279, %rem3A_265 : vector<16xi1>, vector<16xi32>
    %lt3A_281 = arith.constant 0 : i32
    %lt3A_282 = vector.broadcast %lt3A_281 : i32 to vector<16xi32>
    %lt3A_283 = arith.cmpi slt, %select_n3A_280, %lt3A_282 : vector<16xi32>
    %add3A_284 = arith.constant 16 : i32
    %add3A_285 = vector.broadcast %add3A_284 : i32 to vector<16xi32>
    %add3A_286 = arith.addi %select_n3A_280, %add3A_285 : vector<16xi32>
    %select_n3A_287 = arith.select %lt3A_283, %add3A_286, %select_n3A_280 : vector<16xi1>, vector<16xi32>
    %broadcast_in_dim3A_288 = vector.shape_cast %select_n3A_287 : vector<16xi32> to vector<16x1xi32>
    %gather3A_289 = vector.shape_cast %broadcast_in_dim3A_288 : vector<16x1xi32> to vector<16xi32>
    %gather3A_290 = tpu.dynamic_gather %add3A_254[%gather3A_289] in [0] : vector<16xf32>, vector<16xi32> -> vector<16xf32>
    %add3A_291 = arith.addf %add3A_254, %gather3A_290 : vector<16xf32>
    %div3A = arith.divf %exp3A, %add3A_291 : vector<16xf32>
    %broadcast_in_dim3A_292 = arith.constant 0.000000e+00 : f32
    %broadcast_in_dim3A_293 = vector.broadcast %broadcast_in_dim3A_292 : f32 to vector<16xf32>
    %broadcast_in_dim3A_294 = arith.constant 0 : i32
    %broadcast_in_dim3A_295 = vector.broadcast %broadcast_in_dim3A_294 : i32 to vector<16xi32>
    %lt3A_296 = arith.constant 0 : i32
    %lt3A_297 = vector.broadcast %lt3A_296 : i32 to vector<16xi32>
    %lt3A_298 = arith.cmpi slt, %broadcast_in_dim3A_295, %lt3A_297 : vector<16xi32>
    %add3A_299 = arith.constant 16 : i32
    %add3A_300 = vector.broadcast %add3A_299 : i32 to vector<16xi32>
    %add3A_301 = arith.addi %broadcast_in_dim3A_295, %add3A_300 : vector<16xi32>
    %select_n3A_302 = arith.select %lt3A_298, %add3A_301, %broadcast_in_dim3A_295 : vector<16xi1>, vector<16xi32>
    %broadcast_in_dim3A_303 = vector.shape_cast %select_n3A_302 : vector<16xi32> to vector<16x1xi32>
    %gather3A_304 = vector.shape_cast %broadcast_in_dim3A_303 : vector<16x1xi32> to vector<16xi32>
    %gather3A_305 = tpu.dynamic_gather %div3A[%gather3A_304] in [0] : vector<16xf32>, vector<16xi32> -> vector<16xf32>
    %broadcast_in_dim3A_306 = arith.constant 1 : i32
    %broadcast_in_dim3A_307 = vector.broadcast %broadcast_in_dim3A_306 : i32 to vector<16xi32>
    %lt3A_308 = arith.constant 0 : i32
    %lt3A_309 = vector.broadcast %lt3A_308 : i32 to vector<16xi32>
    %lt3A_310 = arith.cmpi slt, %broadcast_in_dim3A_307, %lt3A_309 : vector<16xi32>
    %add3A_311 = arith.constant 16 : i32
    %add3A_312 = vector.broadcast %add3A_311 : i32 to vector<16xi32>
    %add3A_313 = arith.addi %broadcast_in_dim3A_307, %add3A_312 : vector<16xi32>
    %select_n3A_314 = arith.select %lt3A_310, %add3A_313, %broadcast_in_dim3A_307 : vector<16xi1>, vector<16xi32>
    %broadcast_in_dim3A_315 = vector.shape_cast %select_n3A_314 : vector<16xi32> to vector<16x1xi32>
    %gather3A_316 = vector.shape_cast %broadcast_in_dim3A_315 : vector<16x1xi32> to vector<16xi32>
    %gather3A_317 = tpu.dynamic_gather %div3A[%gather3A_316] in [0] : vector<16xf32>, vector<16xi32> -> vector<16xf32>
    %broadcast_in_dim3A_318 = arith.constant 2 : i32
    %broadcast_in_dim3A_319 = vector.broadcast %broadcast_in_dim3A_318 : i32 to vector<16xi32>
    %lt3A_320 = arith.constant 0 : i32
    %lt3A_321 = vector.broadcast %lt3A_320 : i32 to vector<16xi32>
    %lt3A_322 = arith.cmpi slt, %broadcast_in_dim3A_319, %lt3A_321 : vector<16xi32>
    %add3A_323 = arith.constant 16 : i32
    %add3A_324 = vector.broadcast %add3A_323 : i32 to vector<16xi32>
    %add3A_325 = arith.addi %broadcast_in_dim3A_319, %add3A_324 : vector<16xi32>
    %select_n3A_326 = arith.select %lt3A_322, %add3A_325, %broadcast_in_dim3A_319 : vector<16xi1>, vector<16xi32>
    %broadcast_in_dim3A_327 = vector.shape_cast %select_n3A_326 : vector<16xi32> to vector<16x1xi32>
    %gather3A_328 = vector.shape_cast %broadcast_in_dim3A_327 : vector<16x1xi32> to vector<16xi32>
    %gather3A_329 = tpu.dynamic_gather %div3A[%gather3A_328] in [0] : vector<16xf32>, vector<16xi32> -> vector<16xf32>
    %broadcast_in_dim3A_330 = arith.constant 3 : i32
    %broadcast_in_dim3A_331 = vector.broadcast %broadcast_in_dim3A_330 : i32 to vector<16xi32>
    %lt3A_332 = arith.constant 0 : i32
    %lt3A_333 = vector.broadcast %lt3A_332 : i32 to vector<16xi32>
    %lt3A_334 = arith.cmpi slt, %broadcast_in_dim3A_331, %lt3A_333 : vector<16xi32>
    %add3A_335 = arith.constant 16 : i32
    %add3A_336 = vector.broadcast %add3A_335 : i32 to vector<16xi32>
    %add3A_337 = arith.addi %broadcast_in_dim3A_331, %add3A_336 : vector<16xi32>
    %select_n3A_338 = arith.select %lt3A_334, %add3A_337, %broadcast_in_dim3A_331 : vector<16xi1>, vector<16xi32>
    %broadcast_in_dim3A_339 = vector.shape_cast %select_n3A_338 : vector<16xi32> to vector<16x1xi32>
    %gather3A_340 = vector.shape_cast %broadcast_in_dim3A_339 : vector<16x1xi32> to vector<16xi32>
    %gather3A_341 = tpu.dynamic_gather %div3A[%gather3A_340] in [0] : vector<16xf32>, vector<16xi32> -> vector<16xf32>
    %mul3A_342 = arith.constant 4.000000e-02 : f32
    %mul3A_343 = vector.broadcast %mul3A_342 : f32 to vector<16xf32>
    %mul3A_344 = arith.mulf %gather3A_317, %mul3A_343 : vector<16xf32>
    %mul3A_345 = arith.constant 4.000000e-02 : f32
    %mul3A_346 = vector.broadcast %mul3A_345 : f32 to vector<16xf32>
    %mul3A_347 = arith.mulf %gather3A_329, %mul3A_346 : vector<16xf32>
    %mul3A_348 = arith.constant 4.000000e-02 : f32
    %mul3A_349 = vector.broadcast %mul3A_348 : f32 to vector<16xf32>
    %mul3A_350 = arith.mulf %gather3A_341, %mul3A_349 : vector<16xf32>
    %dma_start3A = arith.constant 0 : i32
    %dma_start3A_351 = tpu.memref_slice %arg6[%dma_start3A] : memref<20480xi32, #tpu.memory_space<vmem>> -> memref<80xi32, #tpu.memory_space<vmem>>
    %dma_start3A_352 = arith.constant 0 : i32
    %dma_start3A_353 = arith.constant 0 : i32
    %dma_start3A_354 = tpu.memref_slice %arg2[%dma_start3A_352, %dma_start3A_353] : memref<100000x256xf32, #tpu.memory_space<hbm>> -> memref<100000x256xf32, #tpu.memory_space<hbm>>
    tpu.enqueue_indirect_dma source(%dma_start3A_354 : memref<100000x256xf32, #tpu.memory_space<hbm>>) target(%arg7 : memref<80x256xf32, #tpu.memory_space<vmem>>) offsets(%dma_start3A_351 : memref<80xi32, #tpu.memory_space<vmem>>) semaphore(%arg12 : memref<!tpu.dma_semaphore, #tpu.memory_space<semaphore_mem>>)
    %scan3A = arith.constant 0 : i32
    %scan3A_355 = arith.constant 0 : i32
    %scan3A_356 = arith.constant 128 : i32
    %scan3A_357 = arith.addi %scan3A_355, %scan3A_356 : i32
    %scan3A_358 = arith.constant 1 : i32
    %scan3A_359 = scf.for %scan3A_372 = %scan3A_355 to %scan3A_357 step %scan3A_358 iter_args(%scan3A_373 = %scan3A) -> (i32)  : i32 {
      %mul3A_374 = arith.constant 2 : i32
      %mul3A_375 = arith.muli %mul3A_374, %scan3A_372 : i32
      %add3A_376 = arith.constant 1 : i32
      %add3A_377 = arith.addi %mul3A_375, %add3A_376 : i32
      %mul3A_378 = arith.constant 80 : i32
      %mul3A_379 = arith.muli %add3A_377, %mul3A_378 : i32
      %dma_start3A_380 = tpu.memref_slice %arg6[%mul3A_379] : memref<20480xi32, #tpu.memory_space<vmem>> -> memref<80xi32, #tpu.memory_space<vmem>>
      %dma_start3A_381 = arith.constant 0 : i32
      %dma_start3A_382 = arith.constant 0 : i32
      %dma_start3A_383 = tpu.memref_slice %arg2[%dma_start3A_381, %dma_start3A_382] : memref<100000x256xf32, #tpu.memory_space<hbm>> -> memref<100000x256xf32, #tpu.memory_space<hbm>>
      tpu.enqueue_indirect_dma source(%dma_start3A_383 : memref<100000x256xf32, #tpu.memory_space<hbm>>) target(%arg8 : memref<80x256xf32, #tpu.memory_space<vmem>>) offsets(%dma_start3A_380 : memref<80xi32, #tpu.memory_space<vmem>>) semaphore(%arg13 : memref<!tpu.dma_semaphore, #tpu.memory_space<semaphore_mem>>)
      %mul3A_384 = arith.constant 80 : i32
      %mul3A_385 = arith.muli %mul3A_375, %mul3A_384 : i32
      %dma_wait3A_386 = tpu.memref_slice %arg6[%mul3A_385] : memref<20480xi32, #tpu.memory_space<vmem>> -> memref<80xi32, #tpu.memory_space<vmem>>
      %dma_wait3A_387 = arith.constant 0 : i32
      %dma_wait3A_388 = arith.constant 0 : i32
      %dma_wait3A_389 = tpu.memref_slice %arg2[%dma_wait3A_387, %dma_wait3A_388] : memref<100000x256xf32, #tpu.memory_space<hbm>> -> memref<100000x256xf32, #tpu.memory_space<hbm>>
      tpu.wait_indirect_dma semaphore(%arg12 : memref<!tpu.dma_semaphore, #tpu.memory_space<semaphore_mem>>) src(%dma_wait3A_389 : memref<100000x256xf32, #tpu.memory_space<hbm>>) dst(%arg7 : memref<80x256xf32, #tpu.memory_space<vmem>>)
      %gt3A = arith.constant 0 : i32
      %gt3A_390 = arith.cmpi sgt, %scan3A_372, %gt3A : i32
      %convert_element_type3A = arith.extui %gt3A_390 : i1 to i32
      %cond3A = arith.constant 0 : i32
      %cond3A_391 = arith.cmpi ne, %convert_element_type3A, %cond3A : i32
      scf.if %cond3A_391 {
        %add3A_970 = arith.constant 0 : i32
        %add3A_971 = arith.addi %mul3A_2, %add3A_970 : i32
        %mul3A_972 = arith.constant 256 : i32
        %mul3A_973 = arith.muli %add3A_971, %mul3A_972 : i32
        %dma_wait3A_974 = tpu.memref_slice %arg5[%mul3A_973] : memref<2097152xf32, #tpu.memory_space<hbm>> -> memref<256xf32, #tpu.memory_space<hbm>>
        %dma_wait3A_975 = tpu.memref_slice %arg5[%mul3A_973] : memref<2097152xf32, #tpu.memory_space<hbm>> -> memref<256xf32, #tpu.memory_space<hbm>>
        tpu.wait_dma2 semaphore(%arg14 : memref<!tpu.dma_semaphore, #tpu.memory_space<semaphore_mem>>) src(%arg10 : memref<256xf32, #tpu.memory_space<vmem>>) dst(%dma_wait3A_975 : memref<256xf32, #tpu.memory_space<hbm>>)
      } else {
      }
      %get3A_392 = arith.constant 0 : i32
      %get3A_393 = arith.index_cast %get3A_392 : i32 to index
      %get3A_394 = arith.constant 0 : index
      %get3A_395 = tpu.vector_load %arg7[%get3A_393, %get3A_394] {strides = array<i32>} : memref<80x256xf32, #tpu.memory_space<vmem>>, vector<1x16xf32>,
      %get3A_396 = vector.shape_cast %get3A_395 : vector<1x16xf32> to vector<16xf32>
      %mul3A_397 = arith.mulf %gather3A_305, %get3A_396 : vector<16xf32>
      %get3A_398 = arith.constant 0 : i32
      %get3A_399 = arith.index_cast %get3A_398 : i32 to index
      %get3A_400 = arith.constant 16 : index
      %get3A_401 = tpu.vector_load %arg7[%get3A_399, %get3A_400] {strides = array<i32>} : memref<80x256xf32, #tpu.memory_space<vmem>>, vector<1x16xf32>,
      %get3A_402 = vector.shape_cast %get3A_401 : vector<1x16xf32> to vector<16xf32>
      %mul3A_403 = arith.mulf %gather3A_305, %get3A_402 : vector<16xf32>
      %get3A_404 = arith.constant 0 : i32
      %get3A_405 = arith.index_cast %get3A_404 : i32 to index
      %get3A_406 = arith.constant 32 : index
      %get3A_407 = tpu.vector_load %arg7[%get3A_405, %get3A_406] {strides = array<i32>} : memref<80x256xf32, #tpu.memory_space<vmem>>, vector<1x16xf32>,
      %get3A_408 = vector.shape_cast %get3A_407 : vector<1x16xf32> to vector<16xf32>
      %mul3A_409 = arith.mulf %gather3A_305, %get3A_408 : vector<16xf32>
      %get3A_410 = arith.constant 0 : i32
      %get3A_411 = arith.index_cast %get3A_410 : i32 to index
      %get3A_412 = arith.constant 48 : index
      %get3A_413 = tpu.vector_load %arg7[%get3A_411, %get3A_412] {strides = array<i32>} : memref<80x256xf32, #tpu.memory_space<vmem>>, vector<1x16xf32>,
      %get3A_414 = vector.shape_cast %get3A_413 : vector<1x16xf32> to vector<16xf32>
      %mul3A_415 = arith.mulf %gather3A_305, %get3A_414 : vector<16xf32>
      %get3A_416 = arith.constant 0 : i32
      %get3A_417 = arith.index_cast %get3A_416 : i32 to index
      %get3A_418 = arith.constant 64 : index
      %get3A_419 = tpu.vector_load %arg7[%get3A_417, %get3A_418] {strides = array<i32>} : memref<80x256xf32, #tpu.memory_space<vmem>>, vector<1x16xf32>,
      %get3A_420 = vector.shape_cast %get3A_419 : vector<1x16xf32> to vector<16xf32>
      %mul3A_421 = arith.mulf %gather3A_305, %get3A_420 : vector<16xf32>
      %get3A_422 = arith.constant 0 : i32
      %get3A_423 = arith.index_cast %get3A_422 : i32 to index
      %get3A_424 = arith.constant 80 : index
      %get3A_425 = tpu.vector_load %arg7[%get3A_423, %get3A_424] {strides = array<i32>} : memref<80x256xf32, #tpu.memory_space<vmem>>, vector<1x16xf32>,
      %get3A_426 = vector.shape_cast %get3A_425 : vector<1x16xf32> to vector<16xf32>
      %mul3A_427 = arith.mulf %gather3A_305, %get3A_426 : vector<16xf32>
      %get3A_428 = arith.constant 0 : i32
      %get3A_429 = arith.index_cast %get3A_428 : i32 to index
      %get3A_430 = arith.constant 96 : index
      %get3A_431 = tpu.vector_load %arg7[%get3A_429, %get3A_430] {strides = array<i32>} : memref<80x256xf32, #tpu.memory_space<vmem>>, vector<1x16xf32>,
      %get3A_432 = vector.shape_cast %get3A_431 : vector<1x16xf32> to vector<16xf32>
      %mul3A_433 = arith.mulf %gather3A_305, %get3A_432 : vector<16xf32>
      %get3A_434 = arith.constant 0 : i32
      %get3A_435 = arith.index_cast %get3A_434 : i32 to index
      %get3A_436 = arith.constant 112 : index
      %get3A_437 = tpu.vector_load %arg7[%get3A_435, %get3A_436] {strides = array<i32>} : memref<80x256xf32, #tpu.memory_space<vmem>>, vector<1x16xf32>,
      %get3A_438 = vector.shape_cast %get3A_437 : vector<1x16xf32> to vector<16xf32>
      %mul3A_439 = arith.mulf %gather3A_305, %get3A_438 : vector<16xf32>
      %get3A_440 = arith.constant 0 : i32
      %get3A_441 = arith.index_cast %get3A_440 : i32 to index
      %get3A_442 = arith.constant 128 : index
      %get3A_443 = tpu.vector_load %arg7[%get3A_441, %get3A_442] {strides = array<i32>} : memref<80x256xf32, #tpu.memory_space<vmem>>, vector<1x16xf32>,
      %get3A_444 = vector.shape_cast %get3A_443 : vector<1x16xf32> to vector<16xf32>
      %mul3A_445 = arith.mulf %gather3A_305, %get3A_444 : vector<16xf32>
      %get3A_446 = arith.constant 0 : i32
      %get3A_447 = arith.index_cast %get3A_446 : i32 to index
      %get3A_448 = arith.constant 144 : index
      %get3A_449 = tpu.vector_load %arg7[%get3A_447, %get3A_448] {strides = array<i32>} : memref<80x256xf32, #tpu.memory_space<vmem>>, vector<1x16xf32>,
      %get3A_450 = vector.shape_cast %get3A_449 : vector<1x16xf32> to vector<16xf32>
      %mul3A_451 = arith.mulf %gather3A_305, %get3A_450 : vector<16xf32>
      %get3A_452 = arith.constant 0 : i32
      %get3A_453 = arith.index_cast %get3A_452 : i32 to index
      %get3A_454 = arith.constant 160 : index
      %get3A_455 = tpu.vector_load %arg7[%get3A_453, %get3A_454] {strides = array<i32>} : memref<80x256xf32, #tpu.memory_space<vmem>>, vector<1x16xf32>,
      %get3A_456 = vector.shape_cast %get3A_455 : vector<1x16xf32> to vector<16xf32>
      %mul3A_457 = arith.mulf %gather3A_305, %get3A_456 : vector<16xf32>
      %get3A_458 = arith.constant 0 : i32
      %get3A_459 = arith.index_cast %get3A_458 : i32 to index
      %get3A_460 = arith.constant 176 : index
      %get3A_461 = tpu.vector_load %arg7[%get3A_459, %get3A_460] {strides = array<i32>} : memref<80x256xf32, #tpu.memory_space<vmem>>, vector<1x16xf32>,
      %get3A_462 = vector.shape_cast %get3A_461 : vector<1x16xf32> to vector<16xf32>
      %mul3A_463 = arith.mulf %gather3A_305, %get3A_462 : vector<16xf32>
      %get3A_464 = arith.constant 0 : i32
      %get3A_465 = arith.index_cast %get3A_464 : i32 to index
      %get3A_466 = arith.constant 192 : index
      %get3A_467 = tpu.vector_load %arg7[%get3A_465, %get3A_466] {strides = array<i32>} : memref<80x256xf32, #tpu.memory_space<vmem>>, vector<1x16xf32>,
      %get3A_468 = vector.shape_cast %get3A_467 : vector<1x16xf32> to vector<16xf32>
      %mul3A_469 = arith.mulf %gather3A_305, %get3A_468 : vector<16xf32>
      %get3A_470 = arith.constant 0 : i32
      %get3A_471 = arith.index_cast %get3A_470 : i32 to index
      %get3A_472 = arith.constant 208 : index
      %get3A_473 = tpu.vector_load %arg7[%get3A_471, %get3A_472] {strides = array<i32>} : memref<80x256xf32, #tpu.memory_space<vmem>>, vector<1x16xf32>,
      %get3A_474 = vector.shape_cast %get3A_473 : vector<1x16xf32> to vector<16xf32>
      %mul3A_475 = arith.mulf %gather3A_305, %get3A_474 : vector<16xf32>
      %get3A_476 = arith.constant 0 : i32
      %get3A_477 = arith.index_cast %get3A_476 : i32 to index
      %get3A_478 = arith.constant 224 : index
      %get3A_479 = tpu.vector_load %arg7[%get3A_477, %get3A_478] {strides = array<i32>} : memref<80x256xf32, #tpu.memory_space<vmem>>, vector<1x16xf32>,
      %get3A_480 = vector.shape_cast %get3A_479 : vector<1x16xf32> to vector<16xf32>
      %mul3A_481 = arith.mulf %gather3A_305, %get3A_480 : vector<16xf32>
      %get3A_482 = arith.constant 0 : i32
      %get3A_483 = arith.index_cast %get3A_482 : i32 to index
      %get3A_484 = arith.constant 240 : index
      %get3A_485 = tpu.vector_load %arg7[%get3A_483, %get3A_484] {strides = array<i32>} : memref<80x256xf32, #tpu.memory_space<vmem>>, vector<1x16xf32>,
      %get3A_486 = vector.shape_cast %get3A_485 : vector<1x16xf32> to vector<16xf32>
      %mul3A_487 = arith.mulf %gather3A_305, %get3A_486 : vector<16xf32>
      %scan3A_488 = arith.constant 0 : i32
      %scan3A_489 = arith.constant 25 : i32
      %scan3A_490 = arith.addi %scan3A_488, %scan3A_489 : i32
      %scan3A_491 = arith.constant 1 : i32
      %scan3A_492:16 = scf.for %scan3A_970 = %scan3A_488 to %scan3A_490 step %scan3A_491 iter_args(%scan3A_971 = %broadcast_in_dim3A_293, %scan3A_972 = %broadcast_in_dim3A_293, %scan3A_973 = %broadcast_in_dim3A_293, %scan3A_974 = %broadcast_in_dim3A_293, %scan3A_975 = %broadcast_in_dim3A_293, %scan3A_976 = %broadcast_in_dim3A_293, %scan3A_977 = %broadcast_in_dim3A_293, %scan3A_978 = %broadcast_in_dim3A_293, %scan3A_979 = %broadcast_in_dim3A_293, %scan3A_980 = %broadcast_in_dim3A_293, %scan3A_981 = %broadcast_in_dim3A_293, %scan3A_982 = %broadcast_in_dim3A_293, %scan3A_983 = %broadcast_in_dim3A_293, %scan3A_984 = %broadcast_in_dim3A_293, %scan3A_985 = %broadcast_in_dim3A_293, %scan3A_986 = %broadcast_in_dim3A_293) -> (vector<16xf32>, vector<16xf32>, vector<16xf32>, vector<16xf32>, vector<16xf32>, vector<16xf32>, vector<16xf32>, vector<16xf32>, vector<16xf32>, vector<16xf32>, vector<16xf32>, vector<16xf32>, vector<16xf32>, vector<16xf32>, vector<16xf32>, vector<16xf32>)  : i32 {
        %add3A_987 = arith.constant 1 : i32
        %add3A_988 = arith.addi %add3A_987, %scan3A_970 : i32
        %get3A_989 = arith.index_cast %add3A_988 : i32 to index
        %get3A_990 = arith.constant 0 : index
        %get3A_991 = tpu.vector_load %arg7[%get3A_989, %get3A_990] {strides = array<i32>} : memref<80x256xf32, #tpu.memory_space<vmem>>, vector<1x16xf32>,
        %get3A_992 = vector.shape_cast %get3A_991 : vector<1x16xf32> to vector<16xf32>
        %add3A_993 = arith.addf %scan3A_971, %get3A_992 : vector<16xf32>
        %add3A_994 = arith.constant 1 : i32
        %add3A_995 = arith.addi %add3A_994, %scan3A_970 : i32
        %get3A_996 = arith.index_cast %add3A_995 : i32 to index
        %get3A_997 = arith.constant 16 : index
        %get3A_998 = tpu.vector_load %arg7[%get3A_996, %get3A_997] {strides = array<i32>} : memref<80x256xf32, #tpu.memory_space<vmem>>, vector<1x16xf32>,
        %get3A_999 = vector.shape_cast %get3A_998 : vector<1x16xf32> to vector<16xf32>
        %add3A_1000 = arith.addf %scan3A_972, %get3A_999 : vector<16xf32>
        %add3A_1001 = arith.constant 1 : i32
        %add3A_1002 = arith.addi %add3A_1001, %scan3A_970 : i32
        %get3A_1003 = arith.index_cast %add3A_1002 : i32 to index
        %get3A_1004 = arith.constant 32 : index
        %get3A_1005 = tpu.vector_load %arg7[%get3A_1003, %get3A_1004] {strides = array<i32>} : memref<80x256xf32, #tpu.memory_space<vmem>>, vector<1x16xf32>,
        %get3A_1006 = vector.shape_cast %get3A_1005 : vector<1x16xf32> to vector<16xf32>
        %add3A_1007 = arith.addf %scan3A_973, %get3A_1006 : vector<16xf32>
        %add3A_1008 = arith.constant 1 : i32
        %add3A_1009 = arith.addi %add3A_1008, %scan3A_970 : i32
        %get3A_1010 = arith.index_cast %add3A_1009 : i32 to index
        %get3A_1011 = arith.constant 48 : index
        %get3A_1012 = tpu.vector_load %arg7[%get3A_1010, %get3A_1011] {strides = array<i32>} : memref<80x256xf32, #tpu.memory_space<vmem>>, vector<1x16xf32>,
        %get3A_1013 = vector.shape_cast %get3A_1012 : vector<1x16xf32> to vector<16xf32>
        %add3A_1014 = arith.addf %scan3A_974, %get3A_1013 : vector<16xf32>
        %add3A_1015 = arith.constant 1 : i32
        %add3A_1016 = arith.addi %add3A_1015, %scan3A_970 : i32
        %get3A_1017 = arith.index_cast %add3A_1016 : i32 to index
        %get3A_1018 = arith.constant 64 : index
        %get3A_1019 = tpu.vector_load %arg7[%get3A_1017, %get3A_1018] {strides = array<i32>} : memref<80x256xf32, #tpu.memory_space<vmem>>, vector<1x16xf32>,
        %get3A_1020 = vector.shape_cast %get3A_1019 : vector<1x16xf32> to vector<16xf32>
        %add3A_1021 = arith.addf %scan3A_975, %get3A_1020 : vector<16xf32>
        %add3A_1022 = arith.constant 1 : i32
        %add3A_1023 = arith.addi %add3A_1022, %scan3A_970 : i32
        %get3A_1024 = arith.index_cast %add3A_1023 : i32 to index
        %get3A_1025 = arith.constant 80 : index
        %get3A_1026 = tpu.vector_load %arg7[%get3A_1024, %get3A_1025] {strides = array<i32>} : memref<80x256xf32, #tpu.memory_space<vmem>>, vector<1x16xf32>,
        %get3A_1027 = vector.shape_cast %get3A_1026 : vector<1x16xf32> to vector<16xf32>
        %add3A_1028 = arith.addf %scan3A_976, %get3A_1027 : vector<16xf32>
        %add3A_1029 = arith.constant 1 : i32
        %add3A_1030 = arith.addi %add3A_1029, %scan3A_970 : i32
        %get3A_1031 = arith.index_cast %add3A_1030 : i32 to index
        %get3A_1032 = arith.constant 96 : index
        %get3A_1033 = tpu.vector_load %arg7[%get3A_1031, %get3A_1032] {strides = array<i32>} : memref<80x256xf32, #tpu.memory_space<vmem>>, vector<1x16xf32>,
        %get3A_1034 = vector.shape_cast %get3A_1033 : vector<1x16xf32> to vector<16xf32>
        %add3A_1035 = arith.addf %scan3A_977, %get3A_1034 : vector<16xf32>
        %add3A_1036 = arith.constant 1 : i32
        %add3A_1037 = arith.addi %add3A_1036, %scan3A_970 : i32
        %get3A_1038 = arith.index_cast %add3A_1037 : i32 to index
        %get3A_1039 = arith.constant 112 : index
        %get3A_1040 = tpu.vector_load %arg7[%get3A_1038, %get3A_1039] {strides = array<i32>} : memref<80x256xf32, #tpu.memory_space<vmem>>, vector<1x16xf32>,
        %get3A_1041 = vector.shape_cast %get3A_1040 : vector<1x16xf32> to vector<16xf32>
        %add3A_1042 = arith.addf %scan3A_978, %get3A_1041 : vector<16xf32>
        %add3A_1043 = arith.constant 1 : i32
        %add3A_1044 = arith.addi %add3A_1043, %scan3A_970 : i32
        %get3A_1045 = arith.index_cast %add3A_1044 : i32 to index
        %get3A_1046 = arith.constant 128 : index
        %get3A_1047 = tpu.vector_load %arg7[%get3A_1045, %get3A_1046] {strides = array<i32>} : memref<80x256xf32, #tpu.memory_space<vmem>>, vector<1x16xf32>,
        %get3A_1048 = vector.shape_cast %get3A_1047 : vector<1x16xf32> to vector<16xf32>
        %add3A_1049 = arith.addf %scan3A_979, %get3A_1048 : vector<16xf32>
        %add3A_1050 = arith.constant 1 : i32
        %add3A_1051 = arith.addi %add3A_1050, %scan3A_970 : i32
        %get3A_1052 = arith.index_cast %add3A_1051 : i32 to index
        %get3A_1053 = arith.constant 144 : index
        %get3A_1054 = tpu.vector_load %arg7[%get3A_1052, %get3A_1053] {strides = array<i32>} : memref<80x256xf32, #tpu.memory_space<vmem>>, vector<1x16xf32>,
        %get3A_1055 = vector.shape_cast %get3A_1054 : vector<1x16xf32> to vector<16xf32>
        %add3A_1056 = arith.addf %scan3A_980, %get3A_1055 : vector<16xf32>
        %add3A_1057 = arith.constant 1 : i32
        %add3A_1058 = arith.addi %add3A_1057, %scan3A_970 : i32
        %get3A_1059 = arith.index_cast %add3A_1058 : i32 to index
        %get3A_1060 = arith.constant 160 : index
        %get3A_1061 = tpu.vector_load %arg7[%get3A_1059, %get3A_1060] {strides = array<i32>} : memref<80x256xf32, #tpu.memory_space<vmem>>, vector<1x16xf32>,
        %get3A_1062 = vector.shape_cast %get3A_1061 : vector<1x16xf32> to vector<16xf32>
        %add3A_1063 = arith.addf %scan3A_981, %get3A_1062 : vector<16xf32>
        %add3A_1064 = arith.constant 1 : i32
        %add3A_1065 = arith.addi %add3A_1064, %scan3A_970 : i32
        %get3A_1066 = arith.index_cast %add3A_1065 : i32 to index
        %get3A_1067 = arith.constant 176 : index
        %get3A_1068 = tpu.vector_load %arg7[%get3A_1066, %get3A_1067] {strides = array<i32>} : memref<80x256xf32, #tpu.memory_space<vmem>>, vector<1x16xf32>,
        %get3A_1069 = vector.shape_cast %get3A_1068 : vector<1x16xf32> to vector<16xf32>
        %add3A_1070 = arith.addf %scan3A_982, %get3A_1069 : vector<16xf32>
        %add3A_1071 = arith.constant 1 : i32
        %add3A_1072 = arith.addi %add3A_1071, %scan3A_970 : i32
        %get3A_1073 = arith.index_cast %add3A_1072 : i32 to index
        %get3A_1074 = arith.constant 192 : index
        %get3A_1075 = tpu.vector_load %arg7[%get3A_1073, %get3A_1074] {strides = array<i32>} : memref<80x256xf32, #tpu.memory_space<vmem>>, vector<1x16xf32>,
        %get3A_1076 = vector.shape_cast %get3A_1075 : vector<1x16xf32> to vector<16xf32>
        %add3A_1077 = arith.addf %scan3A_983, %get3A_1076 : vector<16xf32>
        %add3A_1078 = arith.constant 1 : i32
        %add3A_1079 = arith.addi %add3A_1078, %scan3A_970 : i32
        %get3A_1080 = arith.index_cast %add3A_1079 : i32 to index
        %get3A_1081 = arith.constant 208 : index
        %get3A_1082 = tpu.vector_load %arg7[%get3A_1080, %get3A_1081] {strides = array<i32>} : memref<80x256xf32, #tpu.memory_space<vmem>>, vector<1x16xf32>,
        %get3A_1083 = vector.shape_cast %get3A_1082 : vector<1x16xf32> to vector<16xf32>
        %add3A_1084 = arith.addf %scan3A_984, %get3A_1083 : vector<16xf32>
        %add3A_1085 = arith.constant 1 : i32
        %add3A_1086 = arith.addi %add3A_1085, %scan3A_970 : i32
        %get3A_1087 = arith.index_cast %add3A_1086 : i32 to index
        %get3A_1088 = arith.constant 224 : index
        %get3A_1089 = tpu.vector_load %arg7[%get3A_1087, %get3A_1088] {strides = array<i32>} : memref<80x256xf32, #tpu.memory_space<vmem>>, vector<1x16xf32>,
        %get3A_1090 = vector.shape_cast %get3A_1089 : vector<1x16xf32> to vector<16xf32>
        %add3A_1091 = arith.addf %scan3A_985, %get3A_1090 : vector<16xf32>
        %add3A_1092 = arith.constant 1 : i32
        %add3A_1093 = arith.addi %add3A_1092, %scan3A_970 : i32
        %get3A_1094 = arith.index_cast %add3A_1093 : i32 to index
        %get3A_1095 = arith.constant 240 : index
        %get3A_1096 = tpu.vector_load %arg7[%get3A_1094, %get3A_1095] {strides = array<i32>} : memref<80x256xf32, #tpu.memory_space<vmem>>, vector<1x16xf32>,
        %get3A_1097 = vector.shape_cast %get3A_1096 : vector<1x16xf32> to vector<16xf32>
        %add3A_1098 = arith.addf %scan3A_986, %get3A_1097 : vector<16xf32>
        scf.yield %add3A_993, %add3A_1000, %add3A_1007, %add3A_1014, %add3A_1021, %add3A_1028, %add3A_1035, %add3A_1042, %add3A_1049, %add3A_1056, %add3A_1063, %add3A_1070, %add3A_1077, %add3A_1084, %add3A_1091, %add3A_1098 : vector<16xf32>, vector<16xf32>, vector<16xf32>, vector<16xf32>, vector<16xf32>, vector<16xf32>, vector<16xf32>, vector<16xf32>, vector<16xf32>, vector<16xf32>, vector<16xf32>, vector<16xf32>, vector<16xf32>, vector<16xf32>, vector<16xf32>, vector<16xf32>
      }
      %scan3A_493 = arith.constant 25 : i32
      %mul3A_494 = arith.mulf %mul3A_344, %scan3A_492#0 : vector<16xf32>
      %add3A_495 = arith.addf %mul3A_397, %mul3A_494 : vector<16xf32>
      %mul3A_496 = arith.mulf %mul3A_344, %scan3A_492#1 : vector<16xf32>
      %add3A_497 = arith.addf %mul3A_403, %mul3A_496 : vector<16xf32>
      %mul3A_498 = arith.mulf %mul3A_344, %scan3A_492#2 : vector<16xf32>
      %add3A_499 = arith.addf %mul3A_409, %mul3A_498 : vector<16xf32>
      %mul3A_500 = arith.mulf %mul3A_344, %scan3A_492#3 : vector<16xf32>
      %add3A_501 = arith.addf %mul3A_415, %mul3A_500 : vector<16xf32>
      %mul3A_502 = arith.mulf %mul3A_344, %scan3A_492#4 : vector<16xf32>
      %add3A_503 = arith.addf %mul3A_421, %mul3A_502 : vector<16xf32>
      %mul3A_504 = arith.mulf %mul3A_344, %scan3A_492#5 : vector<16xf32>
      %add3A_505 = arith.addf %mul3A_427, %mul3A_504 : vector<16xf32>
      %mul3A_506 = arith.mulf %mul3A_344, %scan3A_492#6 : vector<16xf32>
      %add3A_507 = arith.addf %mul3A_433, %mul3A_506 : vector<16xf32>
      %mul3A_508 = arith.mulf %mul3A_344, %scan3A_492#7 : vector<16xf32>
      %add3A_509 = arith.addf %mul3A_439, %mul3A_508 : vector<16xf32>
      %mul3A_510 = arith.mulf %mul3A_344, %scan3A_492#8 : vector<16xf32>
      %add3A_511 = arith.addf %mul3A_445, %mul3A_510 : vector<16xf32>
      %mul3A_512 = arith.mulf %mul3A_344, %scan3A_492#9 : vector<16xf32>
      %add3A_513 = arith.addf %mul3A_451, %mul3A_512 : vector<16xf32>
      %mul3A_514 = arith.mulf %mul3A_344, %scan3A_492#10 : vector<16xf32>
      %add3A_515 = arith.addf %mul3A_457, %mul3A_514 : vector<16xf32>
      %mul3A_516 = arith.mulf %mul3A_344, %scan3A_492#11 : vector<16xf32>
      %add3A_517 = arith.addf %mul3A_463, %mul3A_516 : vector<16xf32>
      %mul3A_518 = arith.mulf %mul3A_344, %scan3A_492#12 : vector<16xf32>
      %add3A_519 = arith.addf %mul3A_469, %mul3A_518 : vector<16xf32>
      %mul3A_520 = arith.mulf %mul3A_344, %scan3A_492#13 : vector<16xf32>
      %add3A_521 = arith.addf %mul3A_475, %mul3A_520 : vector<16xf32>
      %mul3A_522 = arith.mulf %mul3A_344, %scan3A_492#14 : vector<16xf32>
      %add3A_523 = arith.addf %mul3A_481, %mul3A_522 : vector<16xf32>
      %mul3A_524 = arith.mulf %mul3A_344, %scan3A_492#15 : vector<16xf32>
      %add3A_525 = arith.addf %mul3A_487, %mul3A_524 : vector<16xf32>
      %scan3A_526 = arith.constant 0 : i32
      %scan3A_527 = arith.constant 25 : i32
      %scan3A_528 = arith.addi %scan3A_526, %scan3A_527 : i32
      %scan3A_529 = arith.constant 1 : i32
      %scan3A_530:16 = scf.for %scan3A_970 = %scan3A_526 to %scan3A_528 step %scan3A_529 iter_args(%scan3A_971 = %broadcast_in_dim3A_293, %scan3A_972 = %broadcast_in_dim3A_293, %scan3A_973 = %broadcast_in_dim3A_293, %scan3A_974 = %broadcast_in_dim3A_293, %scan3A_975 = %broadcast_in_dim3A_293, %scan3A_976 = %broadcast_in_dim3A_293, %scan3A_977 = %broadcast_in_dim3A_293, %scan3A_978 = %broadcast_in_dim3A_293, %scan3A_979 = %broadcast_in_dim3A_293, %scan3A_980 = %broadcast_in_dim3A_293, %scan3A_981 = %broadcast_in_dim3A_293, %scan3A_982 = %broadcast_in_dim3A_293, %scan3A_983 = %broadcast_in_dim3A_293, %scan3A_984 = %broadcast_in_dim3A_293, %scan3A_985 = %broadcast_in_dim3A_293, %scan3A_986 = %broadcast_in_dim3A_293) -> (vector<16xf32>, vector<16xf32>, vector<16xf32>, vector<16xf32>, vector<16xf32>, vector<16xf32>, vector<16xf32>, vector<16xf32>, vector<16xf32>, vector<16xf32>, vector<16xf32>, vector<16xf32>, vector<16xf32>, vector<16xf32>, vector<16xf32>, vector<16xf32>)  : i32 {
        %add3A_987 = arith.constant 26 : i32
        %add3A_988 = arith.addi %add3A_987, %scan3A_970 : i32
        %get3A_989 = arith.index_cast %add3A_988 : i32 to index
        %get3A_990 = arith.constant 0 : index
        %get3A_991 = tpu.vector_load %arg7[%get3A_989, %get3A_990] {strides = array<i32>} : memref<80x256xf32, #tpu.memory_space<vmem>>, vector<1x16xf32>,
        %get3A_992 = vector.shape_cast %get3A_991 : vector<1x16xf32> to vector<16xf32>
        %add3A_993 = arith.addf %scan3A_971, %get3A_992 : vector<16xf32>
        %add3A_994 = arith.constant 26 : i32
        %add3A_995 = arith.addi %add3A_994, %scan3A_970 : i32
        %get3A_996 = arith.index_cast %add3A_995 : i32 to index
        %get3A_997 = arith.constant 16 : index
        %get3A_998 = tpu.vector_load %arg7[%get3A_996, %get3A_997] {strides = array<i32>} : memref<80x256xf32, #tpu.memory_space<vmem>>, vector<1x16xf32>,
        %get3A_999 = vector.shape_cast %get3A_998 : vector<1x16xf32> to vector<16xf32>
        %add3A_1000 = arith.addf %scan3A_972, %get3A_999 : vector<16xf32>
        %add3A_1001 = arith.constant 26 : i32
        %add3A_1002 = arith.addi %add3A_1001, %scan3A_970 : i32
        %get3A_1003 = arith.index_cast %add3A_1002 : i32 to index
        %get3A_1004 = arith.constant 32 : index
        %get3A_1005 = tpu.vector_load %arg7[%get3A_1003, %get3A_1004] {strides = array<i32>} : memref<80x256xf32, #tpu.memory_space<vmem>>, vector<1x16xf32>,
        %get3A_1006 = vector.shape_cast %get3A_1005 : vector<1x16xf32> to vector<16xf32>
        %add3A_1007 = arith.addf %scan3A_973, %get3A_1006 : vector<16xf32>
        %add3A_1008 = arith.constant 26 : i32
        %add3A_1009 = arith.addi %add3A_1008, %scan3A_970 : i32
        %get3A_1010 = arith.index_cast %add3A_1009 : i32 to index
        %get3A_1011 = arith.constant 48 : index
        %get3A_1012 = tpu.vector_load %arg7[%get3A_1010, %get3A_1011] {strides = array<i32>} : memref<80x256xf32, #tpu.memory_space<vmem>>, vector<1x16xf32>,
        %get3A_1013 = vector.shape_cast %get3A_1012 : vector<1x16xf32> to vector<16xf32>
        %add3A_1014 = arith.addf %scan3A_974, %get3A_1013 : vector<16xf32>
        %add3A_1015 = arith.constant 26 : i32
        %add3A_1016 = arith.addi %add3A_1015, %scan3A_970 : i32
        %get3A_1017 = arith.index_cast %add3A_1016 : i32 to index
        %get3A_1018 = arith.constant 64 : index
        %get3A_1019 = tpu.vector_load %arg7[%get3A_1017, %get3A_1018] {strides = array<i32>} : memref<80x256xf32, #tpu.memory_space<vmem>>, vector<1x16xf32>,
        %get3A_1020 = vector.shape_cast %get3A_1019 : vector<1x16xf32> to vector<16xf32>
        %add3A_1021 = arith.addf %scan3A_975, %get3A_1020 : vector<16xf32>
        %add3A_1022 = arith.constant 26 : i32
        %add3A_1023 = arith.addi %add3A_1022, %scan3A_970 : i32
        %get3A_1024 = arith.index_cast %add3A_1023 : i32 to index
        %get3A_1025 = arith.constant 80 : index
        %get3A_1026 = tpu.vector_load %arg7[%get3A_1024, %get3A_1025] {strides = array<i32>} : memref<80x256xf32, #tpu.memory_space<vmem>>, vector<1x16xf32>,
        %get3A_1027 = vector.shape_cast %get3A_1026 : vector<1x16xf32> to vector<16xf32>
        %add3A_1028 = arith.addf %scan3A_976, %get3A_1027 : vector<16xf32>
        %add3A_1029 = arith.constant 26 : i32
        %add3A_1030 = arith.addi %add3A_1029, %scan3A_970 : i32
        %get3A_1031 = arith.index_cast %add3A_1030 : i32 to index
        %get3A_1032 = arith.constant 96 : index
        %get3A_1033 = tpu.vector_load %arg7[%get3A_1031, %get3A_1032] {strides = array<i32>} : memref<80x256xf32, #tpu.memory_space<vmem>>, vector<1x16xf32>,
        %get3A_1034 = vector.shape_cast %get3A_1033 : vector<1x16xf32> to vector<16xf32>
        %add3A_1035 = arith.addf %scan3A_977, %get3A_1034 : vector<16xf32>
        %add3A_1036 = arith.constant 26 : i32
        %add3A_1037 = arith.addi %add3A_1036, %scan3A_970 : i32
        %get3A_1038 = arith.index_cast %add3A_1037 : i32 to index
        %get3A_1039 = arith.constant 112 : index
        %get3A_1040 = tpu.vector_load %arg7[%get3A_1038, %get3A_1039] {strides = array<i32>} : memref<80x256xf32, #tpu.memory_space<vmem>>, vector<1x16xf32>,
        %get3A_1041 = vector.shape_cast %get3A_1040 : vector<1x16xf32> to vector<16xf32>
        %add3A_1042 = arith.addf %scan3A_978, %get3A_1041 : vector<16xf32>
        %add3A_1043 = arith.constant 26 : i32
        %add3A_1044 = arith.addi %add3A_1043, %scan3A_970 : i32
        %get3A_1045 = arith.index_cast %add3A_1044 : i32 to index
        %get3A_1046 = arith.constant 128 : index
        %get3A_1047 = tpu.vector_load %arg7[%get3A_1045, %get3A_1046] {strides = array<i32>} : memref<80x256xf32, #tpu.memory_space<vmem>>, vector<1x16xf32>,
        %get3A_1048 = vector.shape_cast %get3A_1047 : vector<1x16xf32> to vector<16xf32>
        %add3A_1049 = arith.addf %scan3A_979, %get3A_1048 : vector<16xf32>
        %add3A_1050 = arith.constant 26 : i32
        %add3A_1051 = arith.addi %add3A_1050, %scan3A_970 : i32
        %get3A_1052 = arith.index_cast %add3A_1051 : i32 to index
        %get3A_1053 = arith.constant 144 : index
        %get3A_1054 = tpu.vector_load %arg7[%get3A_1052, %get3A_1053] {strides = array<i32>} : memref<80x256xf32, #tpu.memory_space<vmem>>, vector<1x16xf32>,
        %get3A_1055 = vector.shape_cast %get3A_1054 : vector<1x16xf32> to vector<16xf32>
        %add3A_1056 = arith.addf %scan3A_980, %get3A_1055 : vector<16xf32>
        %add3A_1057 = arith.constant 26 : i32
        %add3A_1058 = arith.addi %add3A_1057, %scan3A_970 : i32
        %get3A_1059 = arith.index_cast %add3A_1058 : i32 to index
        %get3A_1060 = arith.constant 160 : index
        %get3A_1061 = tpu.vector_load %arg7[%get3A_1059, %get3A_1060] {strides = array<i32>} : memref<80x256xf32, #tpu.memory_space<vmem>>, vector<1x16xf32>,
        %get3A_1062 = vector.shape_cast %get3A_1061 : vector<1x16xf32> to vector<16xf32>
        %add3A_1063 = arith.addf %scan3A_981, %get3A_1062 : vector<16xf32>
        %add3A_1064 = arith.constant 26 : i32
        %add3A_1065 = arith.addi %add3A_1064, %scan3A_970 : i32
        %get3A_1066 = arith.index_cast %add3A_1065 : i32 to index
        %get3A_1067 = arith.constant 176 : index
        %get3A_1068 = tpu.vector_load %arg7[%get3A_1066, %get3A_1067] {strides = array<i32>} : memref<80x256xf32, #tpu.memory_space<vmem>>, vector<1x16xf32>,
        %get3A_1069 = vector.shape_cast %get3A_1068 : vector<1x16xf32> to vector<16xf32>
        %add3A_1070 = arith.addf %scan3A_982, %get3A_1069 : vector<16xf32>
        %add3A_1071 = arith.constant 26 : i32
        %add3A_1072 = arith.addi %add3A_1071, %scan3A_970 : i32
        %get3A_1073 = arith.index_cast %add3A_1072 : i32 to index
        %get3A_1074 = arith.constant 192 : index
        %get3A_1075 = tpu.vector_load %arg7[%get3A_1073, %get3A_1074] {strides = array<i32>} : memref<80x256xf32, #tpu.memory_space<vmem>>, vector<1x16xf32>,
        %get3A_1076 = vector.shape_cast %get3A_1075 : vector<1x16xf32> to vector<16xf32>
        %add3A_1077 = arith.addf %scan3A_983, %get3A_1076 : vector<16xf32>
        %add3A_1078 = arith.constant 26 : i32
        %add3A_1079 = arith.addi %add3A_1078, %scan3A_970 : i32
        %get3A_1080 = arith.index_cast %add3A_1079 : i32 to index
        %get3A_1081 = arith.constant 208 : index
        %get3A_1082 = tpu.vector_load %arg7[%get3A_1080, %get3A_1081] {strides = array<i32>} : memref<80x256xf32, #tpu.memory_space<vmem>>, vector<1x16xf32>,
        %get3A_1083 = vector.shape_cast %get3A_1082 : vector<1x16xf32> to vector<16xf32>
        %add3A_1084 = arith.addf %scan3A_984, %get3A_1083 : vector<16xf32>
        %add3A_1085 = arith.constant 26 : i32
        %add3A_1086 = arith.addi %add3A_1085, %scan3A_970 : i32
        %get3A_1087 = arith.index_cast %add3A_1086 : i32 to index
        %get3A_1088 = arith.constant 224 : index
        %get3A_1089 = tpu.vector_load %arg7[%get3A_1087, %get3A_1088] {strides = array<i32>} : memref<80x256xf32, #tpu.memory_space<vmem>>, vector<1x16xf32>,
        %get3A_1090 = vector.shape_cast %get3A_1089 : vector<1x16xf32> to vector<16xf32>
        %add3A_1091 = arith.addf %scan3A_985, %get3A_1090 : vector<16xf32>
        %add3A_1092 = arith.constant 26 : i32
        %add3A_1093 = arith.addi %add3A_1092, %scan3A_970 : i32
        %get3A_1094 = arith.index_cast %add3A_1093 : i32 to index
        %get3A_1095 = arith.constant 240 : index
        %get3A_1096 = tpu.vector_load %arg7[%get3A_1094, %get3A_1095] {strides = array<i32>} : memref<80x256xf32, #tpu.memory_space<vmem>>, vector<1x16xf32>,
        %get3A_1097 = vector.shape_cast %get3A_1096 : vector<1x16xf32> to vector<16xf32>
        %add3A_1098 = arith.addf %scan3A_986, %get3A_1097 : vector<16xf32>
        scf.yield %add3A_993, %add3A_1000, %add3A_1007, %add3A_1014, %add3A_1021, %add3A_1028, %add3A_1035, %add3A_1042, %add3A_1049, %add3A_1056, %add3A_1063, %add3A_1070, %add3A_1077, %add3A_1084, %add3A_1091, %add3A_1098 : vector<16xf32>, vector<16xf32>, vector<16xf32>, vector<16xf32>, vector<16xf32>, vector<16xf32>, vector<16xf32>, vector<16xf32>, vector<16xf32>, vector<16xf32>, vector<16xf32>, vector<16xf32>, vector<16xf32>, vector<16xf32>, vector<16xf32>, vector<16xf32>
      }
      %scan3A_531 = arith.constant 25 : i32
      %mul3A_532 = arith.mulf %mul3A_347, %scan3A_530#0 : vector<16xf32>
      %add3A_533 = arith.addf %add3A_495, %mul3A_532 : vector<16xf32>
      %mul3A_534 = arith.mulf %mul3A_347, %scan3A_530#1 : vector<16xf32>
      %add3A_535 = arith.addf %add3A_497, %mul3A_534 : vector<16xf32>
      %mul3A_536 = arith.mulf %mul3A_347, %scan3A_530#2 : vector<16xf32>
      %add3A_537 = arith.addf %add3A_499, %mul3A_536 : vector<16xf32>
      %mul3A_538 = arith.mulf %mul3A_347, %scan3A_530#3 : vector<16xf32>
      %add3A_539 = arith.addf %add3A_501, %mul3A_538 : vector<16xf32>
      %mul3A_540 = arith.mulf %mul3A_347, %scan3A_530#4 : vector<16xf32>
      %add3A_541 = arith.addf %add3A_503, %mul3A_540 : vector<16xf32>
      %mul3A_542 = arith.mulf %mul3A_347, %scan3A_530#5 : vector<16xf32>
      %add3A_543 = arith.addf %add3A_505, %mul3A_542 : vector<16xf32>
      %mul3A_544 = arith.mulf %mul3A_347, %scan3A_530#6 : vector<16xf32>
      %add3A_545 = arith.addf %add3A_507, %mul3A_544 : vector<16xf32>
      %mul3A_546 = arith.mulf %mul3A_347, %scan3A_530#7 : vector<16xf32>
      %add3A_547 = arith.addf %add3A_509, %mul3A_546 : vector<16xf32>
      %mul3A_548 = arith.mulf %mul3A_347, %scan3A_530#8 : vector<16xf32>
      %add3A_549 = arith.addf %add3A_511, %mul3A_548 : vector<16xf32>
      %mul3A_550 = arith.mulf %mul3A_347, %scan3A_530#9 : vector<16xf32>
      %add3A_551 = arith.addf %add3A_513, %mul3A_550 : vector<16xf32>
      %mul3A_552 = arith.mulf %mul3A_347, %scan3A_530#10 : vector<16xf32>
      %add3A_553 = arith.addf %add3A_515, %mul3A_552 : vector<16xf32>
      %mul3A_554 = arith.mulf %mul3A_347, %scan3A_530#11 : vector<16xf32>
      %add3A_555 = arith.addf %add3A_517, %mul3A_554 : vector<16xf32>
      %mul3A_556 = arith.mulf %mul3A_347, %scan3A_530#12 : vector<16xf32>
      %add3A_557 = arith.addf %add3A_519, %mul3A_556 : vector<16xf32>
      %mul3A_558 = arith.mulf %mul3A_347, %scan3A_530#13 : vector<16xf32>
      %add3A_559 = arith.addf %add3A_521, %mul3A_558 : vector<16xf32>
      %mul3A_560 = arith.mulf %mul3A_347, %scan3A_530#14 : vector<16xf32>
      %add3A_561 = arith.addf %add3A_523, %mul3A_560 : vector<16xf32>
      %mul3A_562 = arith.mulf %mul3A_347, %scan3A_530#15 : vector<16xf32>
      %add3A_563 = arith.addf %add3A_525, %mul3A_562 : vector<16xf32>
      %scan3A_564 = arith.constant 0 : i32
      %scan3A_565 = arith.constant 25 : i32
      %scan3A_566 = arith.addi %scan3A_564, %scan3A_565 : i32
      %scan3A_567 = arith.constant 1 : i32
      %scan3A_568:16 = scf.for %scan3A_970 = %scan3A_564 to %scan3A_566 step %scan3A_567 iter_args(%scan3A_971 = %broadcast_in_dim3A_293, %scan3A_972 = %broadcast_in_dim3A_293, %scan3A_973 = %broadcast_in_dim3A_293, %scan3A_974 = %broadcast_in_dim3A_293, %scan3A_975 = %broadcast_in_dim3A_293, %scan3A_976 = %broadcast_in_dim3A_293, %scan3A_977 = %broadcast_in_dim3A_293, %scan3A_978 = %broadcast_in_dim3A_293, %scan3A_979 = %broadcast_in_dim3A_293, %scan3A_980 = %broadcast_in_dim3A_293, %scan3A_981 = %broadcast_in_dim3A_293, %scan3A_982 = %broadcast_in_dim3A_293, %scan3A_983 = %broadcast_in_dim3A_293, %scan3A_984 = %broadcast_in_dim3A_293, %scan3A_985 = %broadcast_in_dim3A_293, %scan3A_986 = %broadcast_in_dim3A_293) -> (vector<16xf32>, vector<16xf32>, vector<16xf32>, vector<16xf32>, vector<16xf32>, vector<16xf32>, vector<16xf32>, vector<16xf32>, vector<16xf32>, vector<16xf32>, vector<16xf32>, vector<16xf32>, vector<16xf32>, vector<16xf32>, vector<16xf32>, vector<16xf32>)  : i32 {
        %add3A_987 = arith.constant 51 : i32
        %add3A_988 = arith.addi %add3A_987, %scan3A_970 : i32
        %get3A_989 = arith.index_cast %add3A_988 : i32 to index
        %get3A_990 = arith.constant 0 : index
        %get3A_991 = tpu.vector_load %arg7[%get3A_989, %get3A_990] {strides = array<i32>} : memref<80x256xf32, #tpu.memory_space<vmem>>, vector<1x16xf32>,
        %get3A_992 = vector.shape_cast %get3A_991 : vector<1x16xf32> to vector<16xf32>
        %add3A_993 = arith.addf %scan3A_971, %get3A_992 : vector<16xf32>
        %add3A_994 = arith.constant 51 : i32
        %add3A_995 = arith.addi %add3A_994, %scan3A_970 : i32
        %get3A_996 = arith.index_cast %add3A_995 : i32 to index
        %get3A_997 = arith.constant 16 : index
        %get3A_998 = tpu.vector_load %arg7[%get3A_996, %get3A_997] {strides = array<i32>} : memref<80x256xf32, #tpu.memory_space<vmem>>, vector<1x16xf32>,
        %get3A_999 = vector.shape_cast %get3A_998 : vector<1x16xf32> to vector<16xf32>
        %add3A_1000 = arith.addf %scan3A_972, %get3A_999 : vector<16xf32>
        %add3A_1001 = arith.constant 51 : i32
        %add3A_1002 = arith.addi %add3A_1001, %scan3A_970 : i32
        %get3A_1003 = arith.index_cast %add3A_1002 : i32 to index
        %get3A_1004 = arith.constant 32 : index
        %get3A_1005 = tpu.vector_load %arg7[%get3A_1003, %get3A_1004] {strides = array<i32>} : memref<80x256xf32, #tpu.memory_space<vmem>>, vector<1x16xf32>,
        %get3A_1006 = vector.shape_cast %get3A_1005 : vector<1x16xf32> to vector<16xf32>
        %add3A_1007 = arith.addf %scan3A_973, %get3A_1006 : vector<16xf32>
        %add3A_1008 = arith.constant 51 : i32
        %add3A_1009 = arith.addi %add3A_1008, %scan3A_970 : i32
        %get3A_1010 = arith.index_cast %add3A_1009 : i32 to index
        %get3A_1011 = arith.constant 48 : index
        %get3A_1012 = tpu.vector_load %arg7[%get3A_1010, %get3A_1011] {strides = array<i32>} : memref<80x256xf32, #tpu.memory_space<vmem>>, vector<1x16xf32>,
        %get3A_1013 = vector.shape_cast %get3A_1012 : vector<1x16xf32> to vector<16xf32>
        %add3A_1014 = arith.addf %scan3A_974, %get3A_1013 : vector<16xf32>
        %add3A_1015 = arith.constant 51 : i32
        %add3A_1016 = arith.addi %add3A_1015, %scan3A_970 : i32
        %get3A_1017 = arith.index_cast %add3A_1016 : i32 to index
        %get3A_1018 = arith.constant 64 : index
        %get3A_1019 = tpu.vector_load %arg7[%get3A_1017, %get3A_1018] {strides = array<i32>} : memref<80x256xf32, #tpu.memory_space<vmem>>, vector<1x16xf32>,
        %get3A_1020 = vector.shape_cast %get3A_1019 : vector<1x16xf32> to vector<16xf32>
        %add3A_1021 = arith.addf %scan3A_975, %get3A_1020 : vector<16xf32>
        %add3A_1022 = arith.constant 51 : i32
        %add3A_1023 = arith.addi %add3A_1022, %scan3A_970 : i32
        %get3A_1024 = arith.index_cast %add3A_1023 : i32 to index
        %get3A_1025 = arith.constant 80 : index
        %get3A_1026 = tpu.vector_load %arg7[%get3A_1024, %get3A_1025] {strides = array<i32>} : memref<80x256xf32, #tpu.memory_space<vmem>>, vector<1x16xf32>,
        %get3A_1027 = vector.shape_cast %get3A_1026 : vector<1x16xf32> to vector<16xf32>
        %add3A_1028 = arith.addf %scan3A_976, %get3A_1027 : vector<16xf32>
        %add3A_1029 = arith.constant 51 : i32
        %add3A_1030 = arith.addi %add3A_1029, %scan3A_970 : i32
        %get3A_1031 = arith.index_cast %add3A_1030 : i32 to index
        %get3A_1032 = arith.constant 96 : index
        %get3A_1033 = tpu.vector_load %arg7[%get3A_1031, %get3A_1032] {strides = array<i32>} : memref<80x256xf32, #tpu.memory_space<vmem>>, vector<1x16xf32>,
        %get3A_1034 = vector.shape_cast %get3A_1033 : vector<1x16xf32> to vector<16xf32>
        %add3A_1035 = arith.addf %scan3A_977, %get3A_1034 : vector<16xf32>
        %add3A_1036 = arith.constant 51 : i32
        %add3A_1037 = arith.addi %add3A_1036, %scan3A_970 : i32
        %get3A_1038 = arith.index_cast %add3A_1037 : i32 to index
        %get3A_1039 = arith.constant 112 : index
        %get3A_1040 = tpu.vector_load %arg7[%get3A_1038, %get3A_1039] {strides = array<i32>} : memref<80x256xf32, #tpu.memory_space<vmem>>, vector<1x16xf32>,
        %get3A_1041 = vector.shape_cast %get3A_1040 : vector<1x16xf32> to vector<16xf32>
        %add3A_1042 = arith.addf %scan3A_978, %get3A_1041 : vector<16xf32>
        %add3A_1043 = arith.constant 51 : i32
        %add3A_1044 = arith.addi %add3A_1043, %scan3A_970 : i32
        %get3A_1045 = arith.index_cast %add3A_1044 : i32 to index
        %get3A_1046 = arith.constant 128 : index
        %get3A_1047 = tpu.vector_load %arg7[%get3A_1045, %get3A_1046] {strides = array<i32>} : memref<80x256xf32, #tpu.memory_space<vmem>>, vector<1x16xf32>,
        %get3A_1048 = vector.shape_cast %get3A_1047 : vector<1x16xf32> to vector<16xf32>
        %add3A_1049 = arith.addf %scan3A_979, %get3A_1048 : vector<16xf32>
        %add3A_1050 = arith.constant 51 : i32
        %add3A_1051 = arith.addi %add3A_1050, %scan3A_970 : i32
        %get3A_1052 = arith.index_cast %add3A_1051 : i32 to index
        %get3A_1053 = arith.constant 144 : index
        %get3A_1054 = tpu.vector_load %arg7[%get3A_1052, %get3A_1053] {strides = array<i32>} : memref<80x256xf32, #tpu.memory_space<vmem>>, vector<1x16xf32>,
        %get3A_1055 = vector.shape_cast %get3A_1054 : vector<1x16xf32> to vector<16xf32>
        %add3A_1056 = arith.addf %scan3A_980, %get3A_1055 : vector<16xf32>
        %add3A_1057 = arith.constant 51 : i32
        %add3A_1058 = arith.addi %add3A_1057, %scan3A_970 : i32
        %get3A_1059 = arith.index_cast %add3A_1058 : i32 to index
        %get3A_1060 = arith.constant 160 : index
        %get3A_1061 = tpu.vector_load %arg7[%get3A_1059, %get3A_1060] {strides = array<i32>} : memref<80x256xf32, #tpu.memory_space<vmem>>, vector<1x16xf32>,
        %get3A_1062 = vector.shape_cast %get3A_1061 : vector<1x16xf32> to vector<16xf32>
        %add3A_1063 = arith.addf %scan3A_981, %get3A_1062 : vector<16xf32>
        %add3A_1064 = arith.constant 51 : i32
        %add3A_1065 = arith.addi %add3A_1064, %scan3A_970 : i32
        %get3A_1066 = arith.index_cast %add3A_1065 : i32 to index
        %get3A_1067 = arith.constant 176 : index
        %get3A_1068 = tpu.vector_load %arg7[%get3A_1066, %get3A_1067] {strides = array<i32>} : memref<80x256xf32, #tpu.memory_space<vmem>>, vector<1x16xf32>,
        %get3A_1069 = vector.shape_cast %get3A_1068 : vector<1x16xf32> to vector<16xf32>
        %add3A_1070 = arith.addf %scan3A_982, %get3A_1069 : vector<16xf32>
        %add3A_1071 = arith.constant 51 : i32
        %add3A_1072 = arith.addi %add3A_1071, %scan3A_970 : i32
        %get3A_1073 = arith.index_cast %add3A_1072 : i32 to index
        %get3A_1074 = arith.constant 192 : index
        %get3A_1075 = tpu.vector_load %arg7[%get3A_1073, %get3A_1074] {strides = array<i32>} : memref<80x256xf32, #tpu.memory_space<vmem>>, vector<1x16xf32>,
        %get3A_1076 = vector.shape_cast %get3A_1075 : vector<1x16xf32> to vector<16xf32>
        %add3A_1077 = arith.addf %scan3A_983, %get3A_1076 : vector<16xf32>
        %add3A_1078 = arith.constant 51 : i32
        %add3A_1079 = arith.addi %add3A_1078, %scan3A_970 : i32
        %get3A_1080 = arith.index_cast %add3A_1079 : i32 to index
        %get3A_1081 = arith.constant 208 : index
        %get3A_1082 = tpu.vector_load %arg7[%get3A_1080, %get3A_1081] {strides = array<i32>} : memref<80x256xf32, #tpu.memory_space<vmem>>, vector<1x16xf32>,
        %get3A_1083 = vector.shape_cast %get3A_1082 : vector<1x16xf32> to vector<16xf32>
        %add3A_1084 = arith.addf %scan3A_984, %get3A_1083 : vector<16xf32>
        %add3A_1085 = arith.constant 51 : i32
        %add3A_1086 = arith.addi %add3A_1085, %scan3A_970 : i32
        %get3A_1087 = arith.index_cast %add3A_1086 : i32 to index
        %get3A_1088 = arith.constant 224 : index
        %get3A_1089 = tpu.vector_load %arg7[%get3A_1087, %get3A_1088] {strides = array<i32>} : memref<80x256xf32, #tpu.memory_space<vmem>>, vector<1x16xf32>,
        %get3A_1090 = vector.shape_cast %get3A_1089 : vector<1x16xf32> to vector<16xf32>
        %add3A_1091 = arith.addf %scan3A_985, %get3A_1090 : vector<16xf32>
        %add3A_1092 = arith.constant 51 : i32
        %add3A_1093 = arith.addi %add3A_1092, %scan3A_970 : i32
        %get3A_1094 = arith.index_cast %add3A_1093 : i32 to index
        %get3A_1095 = arith.constant 240 : index
        %get3A_1096 = tpu.vector_load %arg7[%get3A_1094, %get3A_1095] {strides = array<i32>} : memref<80x256xf32, #tpu.memory_space<vmem>>, vector<1x16xf32>,
        %get3A_1097 = vector.shape_cast %get3A_1096 : vector<1x16xf32> to vector<16xf32>
        %add3A_1098 = arith.addf %scan3A_986, %get3A_1097 : vector<16xf32>
        scf.yield %add3A_993, %add3A_1000, %add3A_1007, %add3A_1014, %add3A_1021, %add3A_1028, %add3A_1035, %add3A_1042, %add3A_1049, %add3A_1056, %add3A_1063, %add3A_1070, %add3A_1077, %add3A_1084, %add3A_1091, %add3A_1098 : vector<16xf32>, vector<16xf32>, vector<16xf32>, vector<16xf32>, vector<16xf32>, vector<16xf32>, vector<16xf32>, vector<16xf32>, vector<16xf32>, vector<16xf32>, vector<16xf32>, vector<16xf32>, vector<16xf32>, vector<16xf32>, vector<16xf32>, vector<16xf32>
      }
      %scan3A_569 = arith.constant 25 : i32
      %mul3A_570 = arith.mulf %mul3A_350, %scan3A_568#0 : vector<16xf32>
      %add3A_571 = arith.addf %add3A_533, %mul3A_570 : vector<16xf32>
      %mul3A_572 = arith.mulf %mul3A_350, %scan3A_568#1 : vector<16xf32>
      %add3A_573 = arith.addf %add3A_535, %mul3A_572 : vector<16xf32>
      %mul3A_574 = arith.mulf %mul3A_350, %scan3A_568#2 : vector<16xf32>
      %add3A_575 = arith.addf %add3A_537, %mul3A_574 : vector<16xf32>
      %mul3A_576 = arith.mulf %mul3A_350, %scan3A_568#3 : vector<16xf32>
      %add3A_577 = arith.addf %add3A_539, %mul3A_576 : vector<16xf32>
      %mul3A_578 = arith.mulf %mul3A_350, %scan3A_568#4 : vector<16xf32>
      %add3A_579 = arith.addf %add3A_541, %mul3A_578 : vector<16xf32>
      %mul3A_580 = arith.mulf %mul3A_350, %scan3A_568#5 : vector<16xf32>
      %add3A_581 = arith.addf %add3A_543, %mul3A_580 : vector<16xf32>
      %mul3A_582 = arith.mulf %mul3A_350, %scan3A_568#6 : vector<16xf32>
      %add3A_583 = arith.addf %add3A_545, %mul3A_582 : vector<16xf32>
      %mul3A_584 = arith.mulf %mul3A_350, %scan3A_568#7 : vector<16xf32>
      %add3A_585 = arith.addf %add3A_547, %mul3A_584 : vector<16xf32>
      %mul3A_586 = arith.mulf %mul3A_350, %scan3A_568#8 : vector<16xf32>
      %add3A_587 = arith.addf %add3A_549, %mul3A_586 : vector<16xf32>
      %mul3A_588 = arith.mulf %mul3A_350, %scan3A_568#9 : vector<16xf32>
      %add3A_589 = arith.addf %add3A_551, %mul3A_588 : vector<16xf32>
      %mul3A_590 = arith.mulf %mul3A_350, %scan3A_568#10 : vector<16xf32>
      %add3A_591 = arith.addf %add3A_553, %mul3A_590 : vector<16xf32>
      %mul3A_592 = arith.mulf %mul3A_350, %scan3A_568#11 : vector<16xf32>
      %add3A_593 = arith.addf %add3A_555, %mul3A_592 : vector<16xf32>
      %mul3A_594 = arith.mulf %mul3A_350, %scan3A_568#12 : vector<16xf32>
      %add3A_595 = arith.addf %add3A_557, %mul3A_594 : vector<16xf32>
      %mul3A_596 = arith.mulf %mul3A_350, %scan3A_568#13 : vector<16xf32>
      %add3A_597 = arith.addf %add3A_559, %mul3A_596 : vector<16xf32>
      %mul3A_598 = arith.mulf %mul3A_350, %scan3A_568#14 : vector<16xf32>
      %add3A_599 = arith.addf %add3A_561, %mul3A_598 : vector<16xf32>
      %mul3A_600 = arith.mulf %mul3A_350, %scan3A_568#15 : vector<16xf32>
      %add3A_601 = arith.addf %add3A_563, %mul3A_600 : vector<16xf32>
      %swap3A = arith.constant 0 : index
      %swap3A_602 = tpu.vector_load %arg10[%swap3A] {strides = array<i32>} : memref<256xf32, #tpu.memory_space<vmem>>, vector<16xf32>,
      %swap3A_603 = vector.shape_cast %swap3A_602 : vector<16xf32> to vector<16xf32>
      %swap3A_604 = vector.shape_cast %add3A_571 : vector<16xf32> to vector<16xf32>
      tpu.vector_store %arg10[%swap3A], %swap3A_604 {strides = array<i32>} : memref<256xf32, #tpu.memory_space<vmem>>, vector<16xf32>,
      %swap3A_605 = arith.constant 16 : index
      %swap3A_606 = tpu.vector_load %arg10[%swap3A_605] {strides = array<i32>} : memref<256xf32, #tpu.memory_space<vmem>>, vector<16xf32>,
      %swap3A_607 = vector.shape_cast %swap3A_606 : vector<16xf32> to vector<16xf32>
      %swap3A_608 = vector.shape_cast %add3A_573 : vector<16xf32> to vector<16xf32>
      tpu.vector_store %arg10[%swap3A_605], %swap3A_608 {strides = array<i32>} : memref<256xf32, #tpu.memory_space<vmem>>, vector<16xf32>,
      %swap3A_609 = arith.constant 32 : index
      %swap3A_610 = tpu.vector_load %arg10[%swap3A_609] {strides = array<i32>} : memref<256xf32, #tpu.memory_space<vmem>>, vector<16xf32>,
      %swap3A_611 = vector.shape_cast %swap3A_610 : vector<16xf32> to vector<16xf32>
      %swap3A_612 = vector.shape_cast %add3A_575 : vector<16xf32> to vector<16xf32>
      tpu.vector_store %arg10[%swap3A_609], %swap3A_612 {strides = array<i32>} : memref<256xf32, #tpu.memory_space<vmem>>, vector<16xf32>,
      %swap3A_613 = arith.constant 48 : index
      %swap3A_614 = tpu.vector_load %arg10[%swap3A_613] {strides = array<i32>} : memref<256xf32, #tpu.memory_space<vmem>>, vector<16xf32>,
      %swap3A_615 = vector.shape_cast %swap3A_614 : vector<16xf32> to vector<16xf32>
      %swap3A_616 = vector.shape_cast %add3A_577 : vector<16xf32> to vector<16xf32>
      tpu.vector_store %arg10[%swap3A_613], %swap3A_616 {strides = array<i32>} : memref<256xf32, #tpu.memory_space<vmem>>, vector<16xf32>,
      %swap3A_617 = arith.constant 64 : index
      %swap3A_618 = tpu.vector_load %arg10[%swap3A_617] {strides = array<i32>} : memref<256xf32, #tpu.memory_space<vmem>>, vector<16xf32>,
      %swap3A_619 = vector.shape_cast %swap3A_618 : vector<16xf32> to vector<16xf32>
      %swap3A_620 = vector.shape_cast %add3A_579 : vector<16xf32> to vector<16xf32>
      tpu.vector_store %arg10[%swap3A_617], %swap3A_620 {strides = array<i32>} : memref<256xf32, #tpu.memory_space<vmem>>, vector<16xf32>,
      %swap3A_621 = arith.constant 80 : index
      %swap3A_622 = tpu.vector_load %arg10[%swap3A_621] {strides = array<i32>} : memref<256xf32, #tpu.memory_space<vmem>>, vector<16xf32>,
      %swap3A_623 = vector.shape_cast %swap3A_622 : vector<16xf32> to vector<16xf32>
      %swap3A_624 = vector.shape_cast %add3A_581 : vector<16xf32> to vector<16xf32>
      tpu.vector_store %arg10[%swap3A_621], %swap3A_624 {strides = array<i32>} : memref<256xf32, #tpu.memory_space<vmem>>, vector<16xf32>,
      %swap3A_625 = arith.constant 96 : index
      %swap3A_626 = tpu.vector_load %arg10[%swap3A_625] {strides = array<i32>} : memref<256xf32, #tpu.memory_space<vmem>>, vector<16xf32>,
      %swap3A_627 = vector.shape_cast %swap3A_626 : vector<16xf32> to vector<16xf32>
      %swap3A_628 = vector.shape_cast %add3A_583 : vector<16xf32> to vector<16xf32>
      tpu.vector_store %arg10[%swap3A_625], %swap3A_628 {strides = array<i32>} : memref<256xf32, #tpu.memory_space<vmem>>, vector<16xf32>,
      %swap3A_629 = arith.constant 112 : index
      %swap3A_630 = tpu.vector_load %arg10[%swap3A_629] {strides = array<i32>} : memref<256xf32, #tpu.memory_space<vmem>>, vector<16xf32>,
      %swap3A_631 = vector.shape_cast %swap3A_630 : vector<16xf32> to vector<16xf32>
      %swap3A_632 = vector.shape_cast %add3A_585 : vector<16xf32> to vector<16xf32>
      tpu.vector_store %arg10[%swap3A_629], %swap3A_632 {strides = array<i32>} : memref<256xf32, #tpu.memory_space<vmem>>, vector<16xf32>,
      %swap3A_633 = arith.constant 128 : index
      %swap3A_634 = tpu.vector_load %arg10[%swap3A_633] {strides = array<i32>} : memref<256xf32, #tpu.memory_space<vmem>>, vector<16xf32>,
      %swap3A_635 = vector.shape_cast %swap3A_634 : vector<16xf32> to vector<16xf32>
      %swap3A_636 = vector.shape_cast %add3A_587 : vector<16xf32> to vector<16xf32>
      tpu.vector_store %arg10[%swap3A_633], %swap3A_636 {strides = array<i32>} : memref<256xf32, #tpu.memory_space<vmem>>, vector<16xf32>,
      %swap3A_637 = arith.constant 144 : index
      %swap3A_638 = tpu.vector_load %arg10[%swap3A_637] {strides = array<i32>} : memref<256xf32, #tpu.memory_space<vmem>>, vector<16xf32>,
      %swap3A_639 = vector.shape_cast %swap3A_638 : vector<16xf32> to vector<16xf32>
      %swap3A_640 = vector.shape_cast %add3A_589 : vector<16xf32> to vector<16xf32>
      tpu.vector_store %arg10[%swap3A_637], %swap3A_640 {strides = array<i32>} : memref<256xf32, #tpu.memory_space<vmem>>, vector<16xf32>,
      %swap3A_641 = arith.constant 160 : index
      %swap3A_642 = tpu.vector_load %arg10[%swap3A_641] {strides = array<i32>} : memref<256xf32, #tpu.memory_space<vmem>>, vector<16xf32>,
      %swap3A_643 = vector.shape_cast %swap3A_642 : vector<16xf32> to vector<16xf32>
      %swap3A_644 = vector.shape_cast %add3A_591 : vector<16xf32> to vector<16xf32>
      tpu.vector_store %arg10[%swap3A_641], %swap3A_644 {strides = array<i32>} : memref<256xf32, #tpu.memory_space<vmem>>, vector<16xf32>,
      %swap3A_645 = arith.constant 176 : index
      %swap3A_646 = tpu.vector_load %arg10[%swap3A_645] {strides = array<i32>} : memref<256xf32, #tpu.memory_space<vmem>>, vector<16xf32>,
      %swap3A_647 = vector.shape_cast %swap3A_646 : vector<16xf32> to vector<16xf32>
      %swap3A_648 = vector.shape_cast %add3A_593 : vector<16xf32> to vector<16xf32>
      tpu.vector_store %arg10[%swap3A_645], %swap3A_648 {strides = array<i32>} : memref<256xf32, #tpu.memory_space<vmem>>, vector<16xf32>,
      %swap3A_649 = arith.constant 192 : index
      %swap3A_650 = tpu.vector_load %arg10[%swap3A_649] {strides = array<i32>} : memref<256xf32, #tpu.memory_space<vmem>>, vector<16xf32>,
      %swap3A_651 = vector.shape_cast %swap3A_650 : vector<16xf32> to vector<16xf32>
      %swap3A_652 = vector.shape_cast %add3A_595 : vector<16xf32> to vector<16xf32>
      tpu.vector_store %arg10[%swap3A_649], %swap3A_652 {strides = array<i32>} : memref<256xf32, #tpu.memory_space<vmem>>, vector<16xf32>,
      %swap3A_653 = arith.constant 208 : index
      %swap3A_654 = tpu.vector_load %arg10[%swap3A_653] {strides = array<i32>} : memref<256xf32, #tpu.memory_space<vmem>>, vector<16xf32>,
      %swap3A_655 = vector.shape_cast %swap3A_654 : vector<16xf32> to vector<16xf32>
      %swap3A_656 = vector.shape_cast %add3A_597 : vector<16xf32> to vector<16xf32>
      tpu.vector_store %arg10[%swap3A_653], %swap3A_656 {strides = array<i32>} : memref<256xf32, #tpu.memory_space<vmem>>, vector<16xf32>,
      %swap3A_657 = arith.constant 224 : index
      %swap3A_658 = tpu.vector_load %arg10[%swap3A_657] {strides = array<i32>} : memref<256xf32, #tpu.memory_space<vmem>>, vector<16xf32>,
      %swap3A_659 = vector.shape_cast %swap3A_658 : vector<16xf32> to vector<16xf32>
      %swap3A_660 = vector.shape_cast %add3A_599 : vector<16xf32> to vector<16xf32>
      tpu.vector_store %arg10[%swap3A_657], %swap3A_660 {strides = array<i32>} : memref<256xf32, #tpu.memory_space<vmem>>, vector<16xf32>,
      %swap3A_661 = arith.constant 240 : index
      %swap3A_662 = tpu.vector_load %arg10[%swap3A_661] {strides = array<i32>} : memref<256xf32, #tpu.memory_space<vmem>>, vector<16xf32>,
      %swap3A_663 = vector.shape_cast %swap3A_662 : vector<16xf32> to vector<16xf32>
      %swap3A_664 = vector.shape_cast %add3A_601 : vector<16xf32> to vector<16xf32>
      tpu.vector_store %arg10[%swap3A_661], %swap3A_664 {strides = array<i32>} : memref<256xf32, #tpu.memory_space<vmem>>, vector<16xf32>,
      %add3A_665 = arith.addi %mul3A_2, %mul3A_375 : i32
      %mul3A_666 = arith.constant 256 : i32
      %mul3A_667 = arith.muli %add3A_665, %mul3A_666 : i32
      %dma_start3A_668 = tpu.memref_slice %arg5[%mul3A_667] : memref<2097152xf32, #tpu.memory_space<hbm>> -> memref<256xf32, #tpu.memory_space<hbm>>
      %dma_start3A_669 = tpu.memref_slice %arg5[%mul3A_667] : memref<2097152xf32, #tpu.memory_space<hbm>> -> memref<256xf32, #tpu.memory_space<hbm>>
      tpu.enqueue_dma source(%arg10 : memref<256xf32, #tpu.memory_space<vmem>>) target(%dma_start3A_669 : memref<256xf32, #tpu.memory_space<hbm>>) target_semaphore(%arg14 : memref<!tpu.dma_semaphore, #tpu.memory_space<semaphore_mem>>)
      %lt3A_670 = arith.constant 127 : i32
      %lt3A_671 = arith.cmpi slt, %scan3A_372, %lt3A_670 : i32
      %convert_element_type3A_672 = arith.extui %lt3A_671 : i1 to i32
      %cond3A_673 = arith.constant 0 : i32
      %cond3A_674 = arith.cmpi ne, %convert_element_type3A_672, %cond3A_673 : i32
      scf.if %cond3A_674 {
        %add3A_970 = arith.constant 2 : i32
        %add3A_971 = arith.addi %mul3A_375, %add3A_970 : i32
        %mul3A_972 = arith.constant 80 : i32
        %mul3A_973 = arith.muli %add3A_971, %mul3A_972 : i32
        %dma_start3A_974 = tpu.memref_slice %arg6[%mul3A_973] : memref<20480xi32, #tpu.memory_space<vmem>> -> memref<80xi32, #tpu.memory_space<vmem>>
        %dma_start3A_975 = arith.constant 0 : i32
        %dma_start3A_976 = arith.constant 0 : i32
        %dma_start3A_977 = tpu.memref_slice %arg2[%dma_start3A_975, %dma_start3A_976] : memref<100000x256xf32, #tpu.memory_space<hbm>> -> memref<100000x256xf32, #tpu.memory_space<hbm>>
        tpu.enqueue_indirect_dma source(%dma_start3A_977 : memref<100000x256xf32, #tpu.memory_space<hbm>>) target(%arg7 : memref<80x256xf32, #tpu.memory_space<vmem>>) offsets(%dma_start3A_974 : memref<80xi32, #tpu.memory_space<vmem>>) semaphore(%arg12 : memref<!tpu.dma_semaphore, #tpu.memory_space<semaphore_mem>>)
      } else {
      }
      %add3A_675 = arith.constant 1 : i32
      %add3A_676 = arith.addi %mul3A_375, %add3A_675 : i32
      %mul3A_677 = arith.constant 80 : i32
      %mul3A_678 = arith.muli %add3A_676, %mul3A_677 : i32
      %dma_wait3A_679 = tpu.memref_slice %arg6[%mul3A_678] : memref<20480xi32, #tpu.memory_space<vmem>> -> memref<80xi32, #tpu.memory_space<vmem>>
      %dma_wait3A_680 = arith.constant 0 : i32
      %dma_wait3A_681 = arith.constant 0 : i32
      %dma_wait3A_682 = tpu.memref_slice %arg2[%dma_wait3A_680, %dma_wait3A_681] : memref<100000x256xf32, #tpu.memory_space<hbm>> -> memref<100000x256xf32, #tpu.memory_space<hbm>>
      tpu.wait_indirect_dma semaphore(%arg13 : memref<!tpu.dma_semaphore, #tpu.memory_space<semaphore_mem>>) src(%dma_wait3A_682 : memref<100000x256xf32, #tpu.memory_space<hbm>>) dst(%arg8 : memref<80x256xf32, #tpu.memory_space<vmem>>)
      %gt3A_683 = arith.constant 0 : i32
      %gt3A_684 = arith.cmpi sgt, %scan3A_372, %gt3A_683 : i32
      %convert_element_type3A_685 = arith.extui %gt3A_684 : i1 to i32
      %cond3A_686 = arith.constant 0 : i32
      %cond3A_687 = arith.cmpi ne, %convert_element_type3A_685, %cond3A_686 : i32
      scf.if %cond3A_687 {
        %add3A_970 = arith.constant 0 : i32
        %add3A_971 = arith.addi %mul3A_2, %add3A_970 : i32
        %mul3A_972 = arith.constant 256 : i32
        %mul3A_973 = arith.muli %add3A_971, %mul3A_972 : i32
        %dma_wait3A_974 = tpu.memref_slice %arg5[%mul3A_973] : memref<2097152xf32, #tpu.memory_space<hbm>> -> memref<256xf32, #tpu.memory_space<hbm>>
        %dma_wait3A_975 = tpu.memref_slice %arg5[%mul3A_973] : memref<2097152xf32, #tpu.memory_space<hbm>> -> memref<256xf32, #tpu.memory_space<hbm>>
        tpu.wait_dma2 semaphore(%arg15 : memref<!tpu.dma_semaphore, #tpu.memory_space<semaphore_mem>>) src(%arg11 : memref<256xf32, #tpu.memory_space<vmem>>) dst(%dma_wait3A_975 : memref<256xf32, #tpu.memory_space<hbm>>)
      } else {
      }
      %get3A_688 = arith.constant 0 : i32
      %get3A_689 = arith.index_cast %get3A_688 : i32 to index
      %get3A_690 = arith.constant 0 : index
      %get3A_691 = tpu.vector_load %arg8[%get3A_689, %get3A_690] {strides = array<i32>} : memref<80x256xf32, #tpu.memory_space<vmem>>, vector<1x16xf32>,
      %get3A_692 = vector.shape_cast %get3A_691 : vector<1x16xf32> to vector<16xf32>
      %mul3A_693 = arith.mulf %gather3A_305, %get3A_692 : vector<16xf32>
      %get3A_694 = arith.constant 0 : i32
      %get3A_695 = arith.index_cast %get3A_694 : i32 to index
      %get3A_696 = arith.constant 16 : index
      %get3A_697 = tpu.vector_load %arg8[%get3A_695, %get3A_696] {strides = array<i32>} : memref<80x256xf32, #tpu.memory_space<vmem>>, vector<1x16xf32>,
      %get3A_698 = vector.shape_cast %get3A_697 : vector<1x16xf32> to vector<16xf32>
      %mul3A_699 = arith.mulf %gather3A_305, %get3A_698 : vector<16xf32>
      %get3A_700 = arith.constant 0 : i32
      %get3A_701 = arith.index_cast %get3A_700 : i32 to index
      %get3A_702 = arith.constant 32 : index
      %get3A_703 = tpu.vector_load %arg8[%get3A_701, %get3A_702] {strides = array<i32>} : memref<80x256xf32, #tpu.memory_space<vmem>>, vector<1x16xf32>,
      %get3A_704 = vector.shape_cast %get3A_703 : vector<1x16xf32> to vector<16xf32>
      %mul3A_705 = arith.mulf %gather3A_305, %get3A_704 : vector<16xf32>
      %get3A_706 = arith.constant 0 : i32
      %get3A_707 = arith.index_cast %get3A_706 : i32 to index
      %get3A_708 = arith.constant 48 : index
      %get3A_709 = tpu.vector_load %arg8[%get3A_707, %get3A_708] {strides = array<i32>} : memref<80x256xf32, #tpu.memory_space<vmem>>, vector<1x16xf32>,
      %get3A_710 = vector.shape_cast %get3A_709 : vector<1x16xf32> to vector<16xf32>
      %mul3A_711 = arith.mulf %gather3A_305, %get3A_710 : vector<16xf32>
      %get3A_712 = arith.constant 0 : i32
      %get3A_713 = arith.index_cast %get3A_712 : i32 to index
      %get3A_714 = arith.constant 64 : index
      %get3A_715 = tpu.vector_load %arg8[%get3A_713, %get3A_714] {strides = array<i32>} : memref<80x256xf32, #tpu.memory_space<vmem>>, vector<1x16xf32>,
      %get3A_716 = vector.shape_cast %get3A_715 : vector<1x16xf32> to vector<16xf32>
      %mul3A_717 = arith.mulf %gather3A_305, %get3A_716 : vector<16xf32>
      %get3A_718 = arith.constant 0 : i32
      %get3A_719 = arith.index_cast %get3A_718 : i32 to index
      %get3A_720 = arith.constant 80 : index
      %get3A_721 = tpu.vector_load %arg8[%get3A_719, %get3A_720] {strides = array<i32>} : memref<80x256xf32, #tpu.memory_space<vmem>>, vector<1x16xf32>,
      %get3A_722 = vector.shape_cast %get3A_721 : vector<1x16xf32> to vector<16xf32>
      %mul3A_723 = arith.mulf %gather3A_305, %get3A_722 : vector<16xf32>
      %get3A_724 = arith.constant 0 : i32
      %get3A_725 = arith.index_cast %get3A_724 : i32 to index
      %get3A_726 = arith.constant 96 : index
      %get3A_727 = tpu.vector_load %arg8[%get3A_725, %get3A_726] {strides = array<i32>} : memref<80x256xf32, #tpu.memory_space<vmem>>, vector<1x16xf32>,
      %get3A_728 = vector.shape_cast %get3A_727 : vector<1x16xf32> to vector<16xf32>
      %mul3A_729 = arith.mulf %gather3A_305, %get3A_728 : vector<16xf32>
      %get3A_730 = arith.constant 0 : i32
      %get3A_731 = arith.index_cast %get3A_730 : i32 to index
      %get3A_732 = arith.constant 112 : index
      %get3A_733 = tpu.vector_load %arg8[%get3A_731, %get3A_732] {strides = array<i32>} : memref<80x256xf32, #tpu.memory_space<vmem>>, vector<1x16xf32>,
      %get3A_734 = vector.shape_cast %get3A_733 : vector<1x16xf32> to vector<16xf32>
      %mul3A_735 = arith.mulf %gather3A_305, %get3A_734 : vector<16xf32>
      %get3A_736 = arith.constant 0 : i32
      %get3A_737 = arith.index_cast %get3A_736 : i32 to index
      %get3A_738 = arith.constant 128 : index
      %get3A_739 = tpu.vector_load %arg8[%get3A_737, %get3A_738] {strides = array<i32>} : memref<80x256xf32, #tpu.memory_space<vmem>>, vector<1x16xf32>,
      %get3A_740 = vector.shape_cast %get3A_739 : vector<1x16xf32> to vector<16xf32>
      %mul3A_741 = arith.mulf %gather3A_305, %get3A_740 : vector<16xf32>
      %get3A_742 = arith.constant 0 : i32
      %get3A_743 = arith.index_cast %get3A_742 : i32 to index
      %get3A_744 = arith.constant 144 : index
      %get3A_745 = tpu.vector_load %arg8[%get3A_743, %get3A_744] {strides = array<i32>} : memref<80x256xf32, #tpu.memory_space<vmem>>, vector<1x16xf32>,
      %get3A_746 = vector.shape_cast %get3A_745 : vector<1x16xf32> to vector<16xf32>
      %mul3A_747 = arith.mulf %gather3A_305, %get3A_746 : vector<16xf32>
      %get3A_748 = arith.constant 0 : i32
      %get3A_749 = arith.index_cast %get3A_748 : i32 to index
      %get3A_750 = arith.constant 160 : index
      %get3A_751 = tpu.vector_load %arg8[%get3A_749, %get3A_750] {strides = array<i32>} : memref<80x256xf32, #tpu.memory_space<vmem>>, vector<1x16xf32>,
      %get3A_752 = vector.shape_cast %get3A_751 : vector<1x16xf32> to vector<16xf32>
      %mul3A_753 = arith.mulf %gather3A_305, %get3A_752 : vector<16xf32>
      %get3A_754 = arith.constant 0 : i32
      %get3A_755 = arith.index_cast %get3A_754 : i32 to index
      %get3A_756 = arith.constant 176 : index
      %get3A_757 = tpu.vector_load %arg8[%get3A_755, %get3A_756] {strides = array<i32>} : memref<80x256xf32, #tpu.memory_space<vmem>>, vector<1x16xf32>,
      %get3A_758 = vector.shape_cast %get3A_757 : vector<1x16xf32> to vector<16xf32>
      %mul3A_759 = arith.mulf %gather3A_305, %get3A_758 : vector<16xf32>
      %get3A_760 = arith.constant 0 : i32
      %get3A_761 = arith.index_cast %get3A_760 : i32 to index
      %get3A_762 = arith.constant 192 : index
      %get3A_763 = tpu.vector_load %arg8[%get3A_761, %get3A_762] {strides = array<i32>} : memref<80x256xf32, #tpu.memory_space<vmem>>, vector<1x16xf32>,
      %get3A_764 = vector.shape_cast %get3A_763 : vector<1x16xf32> to vector<16xf32>
      %mul3A_765 = arith.mulf %gather3A_305, %get3A_764 : vector<16xf32>
      %get3A_766 = arith.constant 0 : i32
      %get3A_767 = arith.index_cast %get3A_766 : i32 to index
      %get3A_768 = arith.constant 208 : index
      %get3A_769 = tpu.vector_load %arg8[%get3A_767, %get3A_768] {strides = array<i32>} : memref<80x256xf32, #tpu.memory_space<vmem>>, vector<1x16xf32>,
      %get3A_770 = vector.shape_cast %get3A_769 : vector<1x16xf32> to vector<16xf32>
      %mul3A_771 = arith.mulf %gather3A_305, %get3A_770 : vector<16xf32>
      %get3A_772 = arith.constant 0 : i32
      %get3A_773 = arith.index_cast %get3A_772 : i32 to index
      %get3A_774 = arith.constant 224 : index
      %get3A_775 = tpu.vector_load %arg8[%get3A_773, %get3A_774] {strides = array<i32>} : memref<80x256xf32, #tpu.memory_space<vmem>>, vector<1x16xf32>,
      %get3A_776 = vector.shape_cast %get3A_775 : vector<1x16xf32> to vector<16xf32>
      %mul3A_777 = arith.mulf %gather3A_305, %get3A_776 : vector<16xf32>
      %get3A_778 = arith.constant 0 : i32
      %get3A_779 = arith.index_cast %get3A_778 : i32 to index
      %get3A_780 = arith.constant 240 : index
      %get3A_781 = tpu.vector_load %arg8[%get3A_779, %get3A_780] {strides = array<i32>} : memref<80x256xf32, #tpu.memory_space<vmem>>, vector<1x16xf32>,
      %get3A_782 = vector.shape_cast %get3A_781 : vector<1x16xf32> to vector<16xf32>
      %mul3A_783 = arith.mulf %gather3A_305, %get3A_782 : vector<16xf32>
      %scan3A_784 = arith.constant 0 : i32
      %scan3A_785 = arith.constant 25 : i32
      %scan3A_786 = arith.addi %scan3A_784, %scan3A_785 : i32
      %scan3A_787 = arith.constant 1 : i32
      %scan3A_788:16 = scf.for %scan3A_970 = %scan3A_784 to %scan3A_786 step %scan3A_787 iter_args(%scan3A_971 = %broadcast_in_dim3A_293, %scan3A_972 = %broadcast_in_dim3A_293, %scan3A_973 = %broadcast_in_dim3A_293, %scan3A_974 = %broadcast_in_dim3A_293, %scan3A_975 = %broadcast_in_dim3A_293, %scan3A_976 = %broadcast_in_dim3A_293, %scan3A_977 = %broadcast_in_dim3A_293, %scan3A_978 = %broadcast_in_dim3A_293, %scan3A_979 = %broadcast_in_dim3A_293, %scan3A_980 = %broadcast_in_dim3A_293, %scan3A_981 = %broadcast_in_dim3A_293, %scan3A_982 = %broadcast_in_dim3A_293, %scan3A_983 = %broadcast_in_dim3A_293, %scan3A_984 = %broadcast_in_dim3A_293, %scan3A_985 = %broadcast_in_dim3A_293, %scan3A_986 = %broadcast_in_dim3A_293) -> (vector<16xf32>, vector<16xf32>, vector<16xf32>, vector<16xf32>, vector<16xf32>, vector<16xf32>, vector<16xf32>, vector<16xf32>, vector<16xf32>, vector<16xf32>, vector<16xf32>, vector<16xf32>, vector<16xf32>, vector<16xf32>, vector<16xf32>, vector<16xf32>)  : i32 {
        %add3A_987 = arith.constant 1 : i32
        %add3A_988 = arith.addi %add3A_987, %scan3A_970 : i32
        %get3A_989 = arith.index_cast %add3A_988 : i32 to index
        %get3A_990 = arith.constant 0 : index
        %get3A_991 = tpu.vector_load %arg8[%get3A_989, %get3A_990] {strides = array<i32>} : memref<80x256xf32, #tpu.memory_space<vmem>>, vector<1x16xf32>,
        %get3A_992 = vector.shape_cast %get3A_991 : vector<1x16xf32> to vector<16xf32>
        %add3A_993 = arith.addf %scan3A_971, %get3A_992 : vector<16xf32>
        %add3A_994 = arith.constant 1 : i32
        %add3A_995 = arith.addi %add3A_994, %scan3A_970 : i32
        %get3A_996 = arith.index_cast %add3A_995 : i32 to index
        %get3A_997 = arith.constant 16 : index
        %get3A_998 = tpu.vector_load %arg8[%get3A_996, %get3A_997] {strides = array<i32>} : memref<80x256xf32, #tpu.memory_space<vmem>>, vector<1x16xf32>,
        %get3A_999 = vector.shape_cast %get3A_998 : vector<1x16xf32> to vector<16xf32>
        %add3A_1000 = arith.addf %scan3A_972, %get3A_999 : vector<16xf32>
        %add3A_1001 = arith.constant 1 : i32
        %add3A_1002 = arith.addi %add3A_1001, %scan3A_970 : i32
        %get3A_1003 = arith.index_cast %add3A_1002 : i32 to index
        %get3A_1004 = arith.constant 32 : index
        %get3A_1005 = tpu.vector_load %arg8[%get3A_1003, %get3A_1004] {strides = array<i32>} : memref<80x256xf32, #tpu.memory_space<vmem>>, vector<1x16xf32>,
        %get3A_1006 = vector.shape_cast %get3A_1005 : vector<1x16xf32> to vector<16xf32>
        %add3A_1007 = arith.addf %scan3A_973, %get3A_1006 : vector<16xf32>
        %add3A_1008 = arith.constant 1 : i32
        %add3A_1009 = arith.addi %add3A_1008, %scan3A_970 : i32
        %get3A_1010 = arith.index_cast %add3A_1009 : i32 to index
        %get3A_1011 = arith.constant 48 : index
        %get3A_1012 = tpu.vector_load %arg8[%get3A_1010, %get3A_1011] {strides = array<i32>} : memref<80x256xf32, #tpu.memory_space<vmem>>, vector<1x16xf32>,
        %get3A_1013 = vector.shape_cast %get3A_1012 : vector<1x16xf32> to vector<16xf32>
        %add3A_1014 = arith.addf %scan3A_974, %get3A_1013 : vector<16xf32>
        %add3A_1015 = arith.constant 1 : i32
        %add3A_1016 = arith.addi %add3A_1015, %scan3A_970 : i32
        %get3A_1017 = arith.index_cast %add3A_1016 : i32 to index
        %get3A_1018 = arith.constant 64 : index
        %get3A_1019 = tpu.vector_load %arg8[%get3A_1017, %get3A_1018] {strides = array<i32>} : memref<80x256xf32, #tpu.memory_space<vmem>>, vector<1x16xf32>,
        %get3A_1020 = vector.shape_cast %get3A_1019 : vector<1x16xf32> to vector<16xf32>
        %add3A_1021 = arith.addf %scan3A_975, %get3A_1020 : vector<16xf32>
        %add3A_1022 = arith.constant 1 : i32
        %add3A_1023 = arith.addi %add3A_1022, %scan3A_970 : i32
        %get3A_1024 = arith.index_cast %add3A_1023 : i32 to index
        %get3A_1025 = arith.constant 80 : index
        %get3A_1026 = tpu.vector_load %arg8[%get3A_1024, %get3A_1025] {strides = array<i32>} : memref<80x256xf32, #tpu.memory_space<vmem>>, vector<1x16xf32>,
        %get3A_1027 = vector.shape_cast %get3A_1026 : vector<1x16xf32> to vector<16xf32>
        %add3A_1028 = arith.addf %scan3A_976, %get3A_1027 : vector<16xf32>
        %add3A_1029 = arith.constant 1 : i32
        %add3A_1030 = arith.addi %add3A_1029, %scan3A_970 : i32
        %get3A_1031 = arith.index_cast %add3A_1030 : i32 to index
        %get3A_1032 = arith.constant 96 : index
        %get3A_1033 = tpu.vector_load %arg8[%get3A_1031, %get3A_1032] {strides = array<i32>} : memref<80x256xf32, #tpu.memory_space<vmem>>, vector<1x16xf32>,
        %get3A_1034 = vector.shape_cast %get3A_1033 : vector<1x16xf32> to vector<16xf32>
        %add3A_1035 = arith.addf %scan3A_977, %get3A_1034 : vector<16xf32>
        %add3A_1036 = arith.constant 1 : i32
        %add3A_1037 = arith.addi %add3A_1036, %scan3A_970 : i32
        %get3A_1038 = arith.index_cast %add3A_1037 : i32 to index
        %get3A_1039 = arith.constant 112 : index
        %get3A_1040 = tpu.vector_load %arg8[%get3A_1038, %get3A_1039] {strides = array<i32>} : memref<80x256xf32, #tpu.memory_space<vmem>>, vector<1x16xf32>,
        %get3A_1041 = vector.shape_cast %get3A_1040 : vector<1x16xf32> to vector<16xf32>
        %add3A_1042 = arith.addf %scan3A_978, %get3A_1041 : vector<16xf32>
        %add3A_1043 = arith.constant 1 : i32
        %add3A_1044 = arith.addi %add3A_1043, %scan3A_970 : i32
        %get3A_1045 = arith.index_cast %add3A_1044 : i32 to index
        %get3A_1046 = arith.constant 128 : index
        %get3A_1047 = tpu.vector_load %arg8[%get3A_1045, %get3A_1046] {strides = array<i32>} : memref<80x256xf32, #tpu.memory_space<vmem>>, vector<1x16xf32>,
        %get3A_1048 = vector.shape_cast %get3A_1047 : vector<1x16xf32> to vector<16xf32>
        %add3A_1049 = arith.addf %scan3A_979, %get3A_1048 : vector<16xf32>
        %add3A_1050 = arith.constant 1 : i32
        %add3A_1051 = arith.addi %add3A_1050, %scan3A_970 : i32
        %get3A_1052 = arith.index_cast %add3A_1051 : i32 to index
        %get3A_1053 = arith.constant 144 : index
        %get3A_1054 = tpu.vector_load %arg8[%get3A_1052, %get3A_1053] {strides = array<i32>} : memref<80x256xf32, #tpu.memory_space<vmem>>, vector<1x16xf32>,
        %get3A_1055 = vector.shape_cast %get3A_1054 : vector<1x16xf32> to vector<16xf32>
        %add3A_1056 = arith.addf %scan3A_980, %get3A_1055 : vector<16xf32>
        %add3A_1057 = arith.constant 1 : i32
        %add3A_1058 = arith.addi %add3A_1057, %scan3A_970 : i32
        %get3A_1059 = arith.index_cast %add3A_1058 : i32 to index
        %get3A_1060 = arith.constant 160 : index
        %get3A_1061 = tpu.vector_load %arg8[%get3A_1059, %get3A_1060] {strides = array<i32>} : memref<80x256xf32, #tpu.memory_space<vmem>>, vector<1x16xf32>,
        %get3A_1062 = vector.shape_cast %get3A_1061 : vector<1x16xf32> to vector<16xf32>
        %add3A_1063 = arith.addf %scan3A_981, %get3A_1062 : vector<16xf32>
        %add3A_1064 = arith.constant 1 : i32
        %add3A_1065 = arith.addi %add3A_1064, %scan3A_970 : i32
        %get3A_1066 = arith.index_cast %add3A_1065 : i32 to index
        %get3A_1067 = arith.constant 176 : index
        %get3A_1068 = tpu.vector_load %arg8[%get3A_1066, %get3A_1067] {strides = array<i32>} : memref<80x256xf32, #tpu.memory_space<vmem>>, vector<1x16xf32>,
        %get3A_1069 = vector.shape_cast %get3A_1068 : vector<1x16xf32> to vector<16xf32>
        %add3A_1070 = arith.addf %scan3A_982, %get3A_1069 : vector<16xf32>
        %add3A_1071 = arith.constant 1 : i32
        %add3A_1072 = arith.addi %add3A_1071, %scan3A_970 : i32
        %get3A_1073 = arith.index_cast %add3A_1072 : i32 to index
        %get3A_1074 = arith.constant 192 : index
        %get3A_1075 = tpu.vector_load %arg8[%get3A_1073, %get3A_1074] {strides = array<i32>} : memref<80x256xf32, #tpu.memory_space<vmem>>, vector<1x16xf32>,
        %get3A_1076 = vector.shape_cast %get3A_1075 : vector<1x16xf32> to vector<16xf32>
        %add3A_1077 = arith.addf %scan3A_983, %get3A_1076 : vector<16xf32>
        %add3A_1078 = arith.constant 1 : i32
        %add3A_1079 = arith.addi %add3A_1078, %scan3A_970 : i32
        %get3A_1080 = arith.index_cast %add3A_1079 : i32 to index
        %get3A_1081 = arith.constant 208 : index
        %get3A_1082 = tpu.vector_load %arg8[%get3A_1080, %get3A_1081] {strides = array<i32>} : memref<80x256xf32, #tpu.memory_space<vmem>>, vector<1x16xf32>,
        %get3A_1083 = vector.shape_cast %get3A_1082 : vector<1x16xf32> to vector<16xf32>
        %add3A_1084 = arith.addf %scan3A_984, %get3A_1083 : vector<16xf32>
        %add3A_1085 = arith.constant 1 : i32
        %add3A_1086 = arith.addi %add3A_1085, %scan3A_970 : i32
        %get3A_1087 = arith.index_cast %add3A_1086 : i32 to index
        %get3A_1088 = arith.constant 224 : index
        %get3A_1089 = tpu.vector_load %arg8[%get3A_1087, %get3A_1088] {strides = array<i32>} : memref<80x256xf32, #tpu.memory_space<vmem>>, vector<1x16xf32>,
        %get3A_1090 = vector.shape_cast %get3A_1089 : vector<1x16xf32> to vector<16xf32>
        %add3A_1091 = arith.addf %scan3A_985, %get3A_1090 : vector<16xf32>
        %add3A_1092 = arith.constant 1 : i32
        %add3A_1093 = arith.addi %add3A_1092, %scan3A_970 : i32
        %get3A_1094 = arith.index_cast %add3A_1093 : i32 to index
        %get3A_1095 = arith.constant 240 : index
        %get3A_1096 = tpu.vector_load %arg8[%get3A_1094, %get3A_1095] {strides = array<i32>} : memref<80x256xf32, #tpu.memory_space<vmem>>, vector<1x16xf32>,
        %get3A_1097 = vector.shape_cast %get3A_1096 : vector<1x16xf32> to vector<16xf32>
        %add3A_1098 = arith.addf %scan3A_986, %get3A_1097 : vector<16xf32>
        scf.yield %add3A_993, %add3A_1000, %add3A_1007, %add3A_1014, %add3A_1021, %add3A_1028, %add3A_1035, %add3A_1042, %add3A_1049, %add3A_1056, %add3A_1063, %add3A_1070, %add3A_1077, %add3A_1084, %add3A_1091, %add3A_1098 : vector<16xf32>, vector<16xf32>, vector<16xf32>, vector<16xf32>, vector<16xf32>, vector<16xf32>, vector<16xf32>, vector<16xf32>, vector<16xf32>, vector<16xf32>, vector<16xf32>, vector<16xf32>, vector<16xf32>, vector<16xf32>, vector<16xf32>, vector<16xf32>
      }
      %scan3A_789 = arith.constant 25 : i32
      %mul3A_790 = arith.mulf %mul3A_344, %scan3A_788#0 : vector<16xf32>
      %add3A_791 = arith.addf %mul3A_693, %mul3A_790 : vector<16xf32>
      %mul3A_792 = arith.mulf %mul3A_344, %scan3A_788#1 : vector<16xf32>
      %add3A_793 = arith.addf %mul3A_699, %mul3A_792 : vector<16xf32>
      %mul3A_794 = arith.mulf %mul3A_344, %scan3A_788#2 : vector<16xf32>
      %add3A_795 = arith.addf %mul3A_705, %mul3A_794 : vector<16xf32>
      %mul3A_796 = arith.mulf %mul3A_344, %scan3A_788#3 : vector<16xf32>
      %add3A_797 = arith.addf %mul3A_711, %mul3A_796 : vector<16xf32>
      %mul3A_798 = arith.mulf %mul3A_344, %scan3A_788#4 : vector<16xf32>
      %add3A_799 = arith.addf %mul3A_717, %mul3A_798 : vector<16xf32>
      %mul3A_800 = arith.mulf %mul3A_344, %scan3A_788#5 : vector<16xf32>
      %add3A_801 = arith.addf %mul3A_723, %mul3A_800 : vector<16xf32>
      %mul3A_802 = arith.mulf %mul3A_344, %scan3A_788#6 : vector<16xf32>
      %add3A_803 = arith.addf %mul3A_729, %mul3A_802 : vector<16xf32>
      %mul3A_804 = arith.mulf %mul3A_344, %scan3A_788#7 : vector<16xf32>
      %add3A_805 = arith.addf %mul3A_735, %mul3A_804 : vector<16xf32>
      %mul3A_806 = arith.mulf %mul3A_344, %scan3A_788#8 : vector<16xf32>
      %add3A_807 = arith.addf %mul3A_741, %mul3A_806 : vector<16xf32>
      %mul3A_808 = arith.mulf %mul3A_344, %scan3A_788#9 : vector<16xf32>
      %add3A_809 = arith.addf %mul3A_747, %mul3A_808 : vector<16xf32>
      %mul3A_810 = arith.mulf %mul3A_344, %scan3A_788#10 : vector<16xf32>
      %add3A_811 = arith.addf %mul3A_753, %mul3A_810 : vector<16xf32>
      %mul3A_812 = arith.mulf %mul3A_344, %scan3A_788#11 : vector<16xf32>
      %add3A_813 = arith.addf %mul3A_759, %mul3A_812 : vector<16xf32>
      %mul3A_814 = arith.mulf %mul3A_344, %scan3A_788#12 : vector<16xf32>
      %add3A_815 = arith.addf %mul3A_765, %mul3A_814 : vector<16xf32>
      %mul3A_816 = arith.mulf %mul3A_344, %scan3A_788#13 : vector<16xf32>
      %add3A_817 = arith.addf %mul3A_771, %mul3A_816 : vector<16xf32>
      %mul3A_818 = arith.mulf %mul3A_344, %scan3A_788#14 : vector<16xf32>
      %add3A_819 = arith.addf %mul3A_777, %mul3A_818 : vector<16xf32>
      %mul3A_820 = arith.mulf %mul3A_344, %scan3A_788#15 : vector<16xf32>
      %add3A_821 = arith.addf %mul3A_783, %mul3A_820 : vector<16xf32>
      %scan3A_822 = arith.constant 0 : i32
      %scan3A_823 = arith.constant 25 : i32
      %scan3A_824 = arith.addi %scan3A_822, %scan3A_823 : i32
      %scan3A_825 = arith.constant 1 : i32
      %scan3A_826:16 = scf.for %scan3A_970 = %scan3A_822 to %scan3A_824 step %scan3A_825 iter_args(%scan3A_971 = %broadcast_in_dim3A_293, %scan3A_972 = %broadcast_in_dim3A_293, %scan3A_973 = %broadcast_in_dim3A_293, %scan3A_974 = %broadcast_in_dim3A_293, %scan3A_975 = %broadcast_in_dim3A_293, %scan3A_976 = %broadcast_in_dim3A_293, %scan3A_977 = %broadcast_in_dim3A_293, %scan3A_978 = %broadcast_in_dim3A_293, %scan3A_979 = %broadcast_in_dim3A_293, %scan3A_980 = %broadcast_in_dim3A_293, %scan3A_981 = %broadcast_in_dim3A_293, %scan3A_982 = %broadcast_in_dim3A_293, %scan3A_983 = %broadcast_in_dim3A_293, %scan3A_984 = %broadcast_in_dim3A_293, %scan3A_985 = %broadcast_in_dim3A_293, %scan3A_986 = %broadcast_in_dim3A_293) -> (vector<16xf32>, vector<16xf32>, vector<16xf32>, vector<16xf32>, vector<16xf32>, vector<16xf32>, vector<16xf32>, vector<16xf32>, vector<16xf32>, vector<16xf32>, vector<16xf32>, vector<16xf32>, vector<16xf32>, vector<16xf32>, vector<16xf32>, vector<16xf32>)  : i32 {
        %add3A_987 = arith.constant 26 : i32
        %add3A_988 = arith.addi %add3A_987, %scan3A_970 : i32
        %get3A_989 = arith.index_cast %add3A_988 : i32 to index
        %get3A_990 = arith.constant 0 : index
        %get3A_991 = tpu.vector_load %arg8[%get3A_989, %get3A_990] {strides = array<i32>} : memref<80x256xf32, #tpu.memory_space<vmem>>, vector<1x16xf32>,
        %get3A_992 = vector.shape_cast %get3A_991 : vector<1x16xf32> to vector<16xf32>
        %add3A_993 = arith.addf %scan3A_971, %get3A_992 : vector<16xf32>
        %add3A_994 = arith.constant 26 : i32
        %add3A_995 = arith.addi %add3A_994, %scan3A_970 : i32
        %get3A_996 = arith.index_cast %add3A_995 : i32 to index
        %get3A_997 = arith.constant 16 : index
        %get3A_998 = tpu.vector_load %arg8[%get3A_996, %get3A_997] {strides = array<i32>} : memref<80x256xf32, #tpu.memory_space<vmem>>, vector<1x16xf32>,
        %get3A_999 = vector.shape_cast %get3A_998 : vector<1x16xf32> to vector<16xf32>
        %add3A_1000 = arith.addf %scan3A_972, %get3A_999 : vector<16xf32>
        %add3A_1001 = arith.constant 26 : i32
        %add3A_1002 = arith.addi %add3A_1001, %scan3A_970 : i32
        %get3A_1003 = arith.index_cast %add3A_1002 : i32 to index
        %get3A_1004 = arith.constant 32 : index
        %get3A_1005 = tpu.vector_load %arg8[%get3A_1003, %get3A_1004] {strides = array<i32>} : memref<80x256xf32, #tpu.memory_space<vmem>>, vector<1x16xf32>,
        %get3A_1006 = vector.shape_cast %get3A_1005 : vector<1x16xf32> to vector<16xf32>
        %add3A_1007 = arith.addf %scan3A_973, %get3A_1006 : vector<16xf32>
        %add3A_1008 = arith.constant 26 : i32
        %add3A_1009 = arith.addi %add3A_1008, %scan3A_970 : i32
        %get3A_1010 = arith.index_cast %add3A_1009 : i32 to index
        %get3A_1011 = arith.constant 48 : index
        %get3A_1012 = tpu.vector_load %arg8[%get3A_1010, %get3A_1011] {strides = array<i32>} : memref<80x256xf32, #tpu.memory_space<vmem>>, vector<1x16xf32>,
        %get3A_1013 = vector.shape_cast %get3A_1012 : vector<1x16xf32> to vector<16xf32>
        %add3A_1014 = arith.addf %scan3A_974, %get3A_1013 : vector<16xf32>
        %add3A_1015 = arith.constant 26 : i32
        %add3A_1016 = arith.addi %add3A_1015, %scan3A_970 : i32
        %get3A_1017 = arith.index_cast %add3A_1016 : i32 to index
        %get3A_1018 = arith.constant 64 : index
        %get3A_1019 = tpu.vector_load %arg8[%get3A_1017, %get3A_1018] {strides = array<i32>} : memref<80x256xf32, #tpu.memory_space<vmem>>, vector<1x16xf32>,
        %get3A_1020 = vector.shape_cast %get3A_1019 : vector<1x16xf32> to vector<16xf32>
        %add3A_1021 = arith.addf %scan3A_975, %get3A_1020 : vector<16xf32>
        %add3A_1022 = arith.constant 26 : i32
        %add3A_1023 = arith.addi %add3A_1022, %scan3A_970 : i32
        %get3A_1024 = arith.index_cast %add3A_1023 : i32 to index
        %get3A_1025 = arith.constant 80 : index
        %get3A_1026 = tpu.vector_load %arg8[%get3A_1024, %get3A_1025] {strides = array<i32>} : memref<80x256xf32, #tpu.memory_space<vmem>>, vector<1x16xf32>,
        %get3A_1027 = vector.shape_cast %get3A_1026 : vector<1x16xf32> to vector<16xf32>
        %add3A_1028 = arith.addf %scan3A_976, %get3A_1027 : vector<16xf32>
        %add3A_1029 = arith.constant 26 : i32
        %add3A_1030 = arith.addi %add3A_1029, %scan3A_970 : i32
        %get3A_1031 = arith.index_cast %add3A_1030 : i32 to index
        %get3A_1032 = arith.constant 96 : index
        %get3A_1033 = tpu.vector_load %arg8[%get3A_1031, %get3A_1032] {strides = array<i32>} : memref<80x256xf32, #tpu.memory_space<vmem>>, vector<1x16xf32>,
        %get3A_1034 = vector.shape_cast %get3A_1033 : vector<1x16xf32> to vector<16xf32>
        %add3A_1035 = arith.addf %scan3A_977, %get3A_1034 : vector<16xf32>
        %add3A_1036 = arith.constant 26 : i32
        %add3A_1037 = arith.addi %add3A_1036, %scan3A_970 : i32
        %get3A_1038 = arith.index_cast %add3A_1037 : i32 to index
        %get3A_1039 = arith.constant 112 : index
        %get3A_1040 = tpu.vector_load %arg8[%get3A_1038, %get3A_1039] {strides = array<i32>} : memref<80x256xf32, #tpu.memory_space<vmem>>, vector<1x16xf32>,
        %get3A_1041 = vector.shape_cast %get3A_1040 : vector<1x16xf32> to vector<16xf32>
        %add3A_1042 = arith.addf %scan3A_978, %get3A_1041 : vector<16xf32>
        %add3A_1043 = arith.constant 26 : i32
        %add3A_1044 = arith.addi %add3A_1043, %scan3A_970 : i32
        %get3A_1045 = arith.index_cast %add3A_1044 : i32 to index
        %get3A_1046 = arith.constant 128 : index
        %get3A_1047 = tpu.vector_load %arg8[%get3A_1045, %get3A_1046] {strides = array<i32>} : memref<80x256xf32, #tpu.memory_space<vmem>>, vector<1x16xf32>,
        %get3A_1048 = vector.shape_cast %get3A_1047 : vector<1x16xf32> to vector<16xf32>
        %add3A_1049 = arith.addf %scan3A_979, %get3A_1048 : vector<16xf32>
        %add3A_1050 = arith.constant 26 : i32
        %add3A_1051 = arith.addi %add3A_1050, %scan3A_970 : i32
        %get3A_1052 = arith.index_cast %add3A_1051 : i32 to index
        %get3A_1053 = arith.constant 144 : index
        %get3A_1054 = tpu.vector_load %arg8[%get3A_1052, %get3A_1053] {strides = array<i32>} : memref<80x256xf32, #tpu.memory_space<vmem>>, vector<1x16xf32>,
        %get3A_1055 = vector.shape_cast %get3A_1054 : vector<1x16xf32> to vector<16xf32>
        %add3A_1056 = arith.addf %scan3A_980, %get3A_1055 : vector<16xf32>
        %add3A_1057 = arith.constant 26 : i32
        %add3A_1058 = arith.addi %add3A_1057, %scan3A_970 : i32
        %get3A_1059 = arith.index_cast %add3A_1058 : i32 to index
        %get3A_1060 = arith.constant 160 : index
        %get3A_1061 = tpu.vector_load %arg8[%get3A_1059, %get3A_1060] {strides = array<i32>} : memref<80x256xf32, #tpu.memory_space<vmem>>, vector<1x16xf32>,
        %get3A_1062 = vector.shape_cast %get3A_1061 : vector<1x16xf32> to vector<16xf32>
        %add3A_1063 = arith.addf %scan3A_981, %get3A_1062 : vector<16xf32>
        %add3A_1064 = arith.constant 26 : i32
        %add3A_1065 = arith.addi %add3A_1064, %scan3A_970 : i32
        %get3A_1066 = arith.index_cast %add3A_1065 : i32 to index
        %get3A_1067 = arith.constant 176 : index
        %get3A_1068 = tpu.vector_load %arg8[%get3A_1066, %get3A_1067] {strides = array<i32>} : memref<80x256xf32, #tpu.memory_space<vmem>>, vector<1x16xf32>,
        %get3A_1069 = vector.shape_cast %get3A_1068 : vector<1x16xf32> to vector<16xf32>
        %add3A_1070 = arith.addf %scan3A_982, %get3A_1069 : vector<16xf32>
        %add3A_1071 = arith.constant 26 : i32
        %add3A_1072 = arith.addi %add3A_1071, %scan3A_970 : i32
        %get3A_1073 = arith.index_cast %add3A_1072 : i32 to index
        %get3A_1074 = arith.constant 192 : index
        %get3A_1075 = tpu.vector_load %arg8[%get3A_1073, %get3A_1074] {strides = array<i32>} : memref<80x256xf32, #tpu.memory_space<vmem>>, vector<1x16xf32>,
        %get3A_1076 = vector.shape_cast %get3A_1075 : vector<1x16xf32> to vector<16xf32>
        %add3A_1077 = arith.addf %scan3A_983, %get3A_1076 : vector<16xf32>
        %add3A_1078 = arith.constant 26 : i32
        %add3A_1079 = arith.addi %add3A_1078, %scan3A_970 : i32
        %get3A_1080 = arith.index_cast %add3A_1079 : i32 to index
        %get3A_1081 = arith.constant 208 : index
        %get3A_1082 = tpu.vector_load %arg8[%get3A_1080, %get3A_1081] {strides = array<i32>} : memref<80x256xf32, #tpu.memory_space<vmem>>, vector<1x16xf32>,
        %get3A_1083 = vector.shape_cast %get3A_1082 : vector<1x16xf32> to vector<16xf32>
        %add3A_1084 = arith.addf %scan3A_984, %get3A_1083 : vector<16xf32>
        %add3A_1085 = arith.constant 26 : i32
        %add3A_1086 = arith.addi %add3A_1085, %scan3A_970 : i32
        %get3A_1087 = arith.index_cast %add3A_1086 : i32 to index
        %get3A_1088 = arith.constant 224 : index
        %get3A_1089 = tpu.vector_load %arg8[%get3A_1087, %get3A_1088] {strides = array<i32>} : memref<80x256xf32, #tpu.memory_space<vmem>>, vector<1x16xf32>,
        %get3A_1090 = vector.shape_cast %get3A_1089 : vector<1x16xf32> to vector<16xf32>
        %add3A_1091 = arith.addf %scan3A_985, %get3A_1090 : vector<16xf32>
        %add3A_1092 = arith.constant 26 : i32
        %add3A_1093 = arith.addi %add3A_1092, %scan3A_970 : i32
        %get3A_1094 = arith.index_cast %add3A_1093 : i32 to index
        %get3A_1095 = arith.constant 240 : index
        %get3A_1096 = tpu.vector_load %arg8[%get3A_1094, %get3A_1095] {strides = array<i32>} : memref<80x256xf32, #tpu.memory_space<vmem>>, vector<1x16xf32>,
        %get3A_1097 = vector.shape_cast %get3A_1096 : vector<1x16xf32> to vector<16xf32>
        %add3A_1098 = arith.addf %scan3A_986, %get3A_1097 : vector<16xf32>
        scf.yield %add3A_993, %add3A_1000, %add3A_1007, %add3A_1014, %add3A_1021, %add3A_1028, %add3A_1035, %add3A_1042, %add3A_1049, %add3A_1056, %add3A_1063, %add3A_1070, %add3A_1077, %add3A_1084, %add3A_1091, %add3A_1098 : vector<16xf32>, vector<16xf32>, vector<16xf32>, vector<16xf32>, vector<16xf32>, vector<16xf32>, vector<16xf32>, vector<16xf32>, vector<16xf32>, vector<16xf32>, vector<16xf32>, vector<16xf32>, vector<16xf32>, vector<16xf32>, vector<16xf32>, vector<16xf32>
      }
      %scan3A_827 = arith.constant 25 : i32
      %mul3A_828 = arith.mulf %mul3A_347, %scan3A_826#0 : vector<16xf32>
      %add3A_829 = arith.addf %add3A_791, %mul3A_828 : vector<16xf32>
      %mul3A_830 = arith.mulf %mul3A_347, %scan3A_826#1 : vector<16xf32>
      %add3A_831 = arith.addf %add3A_793, %mul3A_830 : vector<16xf32>
      %mul3A_832 = arith.mulf %mul3A_347, %scan3A_826#2 : vector<16xf32>
      %add3A_833 = arith.addf %add3A_795, %mul3A_832 : vector<16xf32>
      %mul3A_834 = arith.mulf %mul3A_347, %scan3A_826#3 : vector<16xf32>
      %add3A_835 = arith.addf %add3A_797, %mul3A_834 : vector<16xf32>
      %mul3A_836 = arith.mulf %mul3A_347, %scan3A_826#4 : vector<16xf32>
      %add3A_837 = arith.addf %add3A_799, %mul3A_836 : vector<16xf32>
      %mul3A_838 = arith.mulf %mul3A_347, %scan3A_826#5 : vector<16xf32>
      %add3A_839 = arith.addf %add3A_801, %mul3A_838 : vector<16xf32>
      %mul3A_840 = arith.mulf %mul3A_347, %scan3A_826#6 : vector<16xf32>
      %add3A_841 = arith.addf %add3A_803, %mul3A_840 : vector<16xf32>
      %mul3A_842 = arith.mulf %mul3A_347, %scan3A_826#7 : vector<16xf32>
      %add3A_843 = arith.addf %add3A_805, %mul3A_842 : vector<16xf32>
      %mul3A_844 = arith.mulf %mul3A_347, %scan3A_826#8 : vector<16xf32>
      %add3A_845 = arith.addf %add3A_807, %mul3A_844 : vector<16xf32>
      %mul3A_846 = arith.mulf %mul3A_347, %scan3A_826#9 : vector<16xf32>
      %add3A_847 = arith.addf %add3A_809, %mul3A_846 : vector<16xf32>
      %mul3A_848 = arith.mulf %mul3A_347, %scan3A_826#10 : vector<16xf32>
      %add3A_849 = arith.addf %add3A_811, %mul3A_848 : vector<16xf32>
      %mul3A_850 = arith.mulf %mul3A_347, %scan3A_826#11 : vector<16xf32>
      %add3A_851 = arith.addf %add3A_813, %mul3A_850 : vector<16xf32>
      %mul3A_852 = arith.mulf %mul3A_347, %scan3A_826#12 : vector<16xf32>
      %add3A_853 = arith.addf %add3A_815, %mul3A_852 : vector<16xf32>
      %mul3A_854 = arith.mulf %mul3A_347, %scan3A_826#13 : vector<16xf32>
      %add3A_855 = arith.addf %add3A_817, %mul3A_854 : vector<16xf32>
      %mul3A_856 = arith.mulf %mul3A_347, %scan3A_826#14 : vector<16xf32>
      %add3A_857 = arith.addf %add3A_819, %mul3A_856 : vector<16xf32>
      %mul3A_858 = arith.mulf %mul3A_347, %scan3A_826#15 : vector<16xf32>
      %add3A_859 = arith.addf %add3A_821, %mul3A_858 : vector<16xf32>
      %scan3A_860 = arith.constant 0 : i32
      %scan3A_861 = arith.constant 25 : i32
      %scan3A_862 = arith.addi %scan3A_860, %scan3A_861 : i32
      %scan3A_863 = arith.constant 1 : i32
      %scan3A_864:16 = scf.for %scan3A_970 = %scan3A_860 to %scan3A_862 step %scan3A_863 iter_args(%scan3A_971 = %broadcast_in_dim3A_293, %scan3A_972 = %broadcast_in_dim3A_293, %scan3A_973 = %broadcast_in_dim3A_293, %scan3A_974 = %broadcast_in_dim3A_293, %scan3A_975 = %broadcast_in_dim3A_293, %scan3A_976 = %broadcast_in_dim3A_293, %scan3A_977 = %broadcast_in_dim3A_293, %scan3A_978 = %broadcast_in_dim3A_293, %scan3A_979 = %broadcast_in_dim3A_293, %scan3A_980 = %broadcast_in_dim3A_293, %scan3A_981 = %broadcast_in_dim3A_293, %scan3A_982 = %broadcast_in_dim3A_293, %scan3A_983 = %broadcast_in_dim3A_293, %scan3A_984 = %broadcast_in_dim3A_293, %scan3A_985 = %broadcast_in_dim3A_293, %scan3A_986 = %broadcast_in_dim3A_293) -> (vector<16xf32>, vector<16xf32>, vector<16xf32>, vector<16xf32>, vector<16xf32>, vector<16xf32>, vector<16xf32>, vector<16xf32>, vector<16xf32>, vector<16xf32>, vector<16xf32>, vector<16xf32>, vector<16xf32>, vector<16xf32>, vector<16xf32>, vector<16xf32>)  : i32 {
        %add3A_987 = arith.constant 51 : i32
        %add3A_988 = arith.addi %add3A_987, %scan3A_970 : i32
        %get3A_989 = arith.index_cast %add3A_988 : i32 to index
        %get3A_990 = arith.constant 0 : index
        %get3A_991 = tpu.vector_load %arg8[%get3A_989, %get3A_990] {strides = array<i32>} : memref<80x256xf32, #tpu.memory_space<vmem>>, vector<1x16xf32>,
        %get3A_992 = vector.shape_cast %get3A_991 : vector<1x16xf32> to vector<16xf32>
        %add3A_993 = arith.addf %scan3A_971, %get3A_992 : vector<16xf32>
        %add3A_994 = arith.constant 51 : i32
        %add3A_995 = arith.addi %add3A_994, %scan3A_970 : i32
        %get3A_996 = arith.index_cast %add3A_995 : i32 to index
        %get3A_997 = arith.constant 16 : index
        %get3A_998 = tpu.vector_load %arg8[%get3A_996, %get3A_997] {strides = array<i32>} : memref<80x256xf32, #tpu.memory_space<vmem>>, vector<1x16xf32>,
        %get3A_999 = vector.shape_cast %get3A_998 : vector<1x16xf32> to vector<16xf32>
        %add3A_1000 = arith.addf %scan3A_972, %get3A_999 : vector<16xf32>
        %add3A_1001 = arith.constant 51 : i32
        %add3A_1002 = arith.addi %add3A_1001, %scan3A_970 : i32
        %get3A_1003 = arith.index_cast %add3A_1002 : i32 to index
        %get3A_1004 = arith.constant 32 : index
        %get3A_1005 = tpu.vector_load %arg8[%get3A_1003, %get3A_1004] {strides = array<i32>} : memref<80x256xf32, #tpu.memory_space<vmem>>, vector<1x16xf32>,
        %get3A_1006 = vector.shape_cast %get3A_1005 : vector<1x16xf32> to vector<16xf32>
        %add3A_1007 = arith.addf %scan3A_973, %get3A_1006 : vector<16xf32>
        %add3A_1008 = arith.constant 51 : i32
        %add3A_1009 = arith.addi %add3A_1008, %scan3A_970 : i32
        %get3A_1010 = arith.index_cast %add3A_1009 : i32 to index
        %get3A_1011 = arith.constant 48 : index
        %get3A_1012 = tpu.vector_load %arg8[%get3A_1010, %get3A_1011] {strides = array<i32>} : memref<80x256xf32, #tpu.memory_space<vmem>>, vector<1x16xf32>,
        %get3A_1013 = vector.shape_cast %get3A_1012 : vector<1x16xf32> to vector<16xf32>
        %add3A_1014 = arith.addf %scan3A_974, %get3A_1013 : vector<16xf32>
        %add3A_1015 = arith.constant 51 : i32
        %add3A_1016 = arith.addi %add3A_1015, %scan3A_970 : i32
        %get3A_1017 = arith.index_cast %add3A_1016 : i32 to index
        %get3A_1018 = arith.constant 64 : index
        %get3A_1019 = tpu.vector_load %arg8[%get3A_1017, %get3A_1018] {strides = array<i32>} : memref<80x256xf32, #tpu.memory_space<vmem>>, vector<1x16xf32>,
        %get3A_1020 = vector.shape_cast %get3A_1019 : vector<1x16xf32> to vector<16xf32>
        %add3A_1021 = arith.addf %scan3A_975, %get3A_1020 : vector<16xf32>
        %add3A_1022 = arith.constant 51 : i32
        %add3A_1023 = arith.addi %add3A_1022, %scan3A_970 : i32
        %get3A_1024 = arith.index_cast %add3A_1023 : i32 to index
        %get3A_1025 = arith.constant 80 : index
        %get3A_1026 = tpu.vector_load %arg8[%get3A_1024, %get3A_1025] {strides = array<i32>} : memref<80x256xf32, #tpu.memory_space<vmem>>, vector<1x16xf32>,
        %get3A_1027 = vector.shape_cast %get3A_1026 : vector<1x16xf32> to vector<16xf32>
        %add3A_1028 = arith.addf %scan3A_976, %get3A_1027 : vector<16xf32>
        %add3A_1029 = arith.constant 51 : i32
        %add3A_1030 = arith.addi %add3A_1029, %scan3A_970 : i32
        %get3A_1031 = arith.index_cast %add3A_1030 : i32 to index
        %get3A_1032 = arith.constant 96 : index
        %get3A_1033 = tpu.vector_load %arg8[%get3A_1031, %get3A_1032] {strides = array<i32>} : memref<80x256xf32, #tpu.memory_space<vmem>>, vector<1x16xf32>,
        %get3A_1034 = vector.shape_cast %get3A_1033 : vector<1x16xf32> to vector<16xf32>
        %add3A_1035 = arith.addf %scan3A_977, %get3A_1034 : vector<16xf32>
        %add3A_1036 = arith.constant 51 : i32
        %add3A_1037 = arith.addi %add3A_1036, %scan3A_970 : i32
        %get3A_1038 = arith.index_cast %add3A_1037 : i32 to index
        %get3A_1039 = arith.constant 112 : index
        %get3A_1040 = tpu.vector_load %arg8[%get3A_1038, %get3A_1039] {strides = array<i32>} : memref<80x256xf32, #tpu.memory_space<vmem>>, vector<1x16xf32>,
        %get3A_1041 = vector.shape_cast %get3A_1040 : vector<1x16xf32> to vector<16xf32>
        %add3A_1042 = arith.addf %scan3A_978, %get3A_1041 : vector<16xf32>
        %add3A_1043 = arith.constant 51 : i32
        %add3A_1044 = arith.addi %add3A_1043, %scan3A_970 : i32
        %get3A_1045 = arith.index_cast %add3A_1044 : i32 to index
        %get3A_1046 = arith.constant 128 : index
        %get3A_1047 = tpu.vector_load %arg8[%get3A_1045, %get3A_1046] {strides = array<i32>} : memref<80x256xf32, #tpu.memory_space<vmem>>, vector<1x16xf32>,
        %get3A_1048 = vector.shape_cast %get3A_1047 : vector<1x16xf32> to vector<16xf32>
        %add3A_1049 = arith.addf %scan3A_979, %get3A_1048 : vector<16xf32>
        %add3A_1050 = arith.constant 51 : i32
        %add3A_1051 = arith.addi %add3A_1050, %scan3A_970 : i32
        %get3A_1052 = arith.index_cast %add3A_1051 : i32 to index
        %get3A_1053 = arith.constant 144 : index
        %get3A_1054 = tpu.vector_load %arg8[%get3A_1052, %get3A_1053] {strides = array<i32>} : memref<80x256xf32, #tpu.memory_space<vmem>>, vector<1x16xf32>,
        %get3A_1055 = vector.shape_cast %get3A_1054 : vector<1x16xf32> to vector<16xf32>
        %add3A_1056 = arith.addf %scan3A_980, %get3A_1055 : vector<16xf32>
        %add3A_1057 = arith.constant 51 : i32
        %add3A_1058 = arith.addi %add3A_1057, %scan3A_970 : i32
        %get3A_1059 = arith.index_cast %add3A_1058 : i32 to index
        %get3A_1060 = arith.constant 160 : index
        %get3A_1061 = tpu.vector_load %arg8[%get3A_1059, %get3A_1060] {strides = array<i32>} : memref<80x256xf32, #tpu.memory_space<vmem>>, vector<1x16xf32>,
        %get3A_1062 = vector.shape_cast %get3A_1061 : vector<1x16xf32> to vector<16xf32>
        %add3A_1063 = arith.addf %scan3A_981, %get3A_1062 : vector<16xf32>
        %add3A_1064 = arith.constant 51 : i32
        %add3A_1065 = arith.addi %add3A_1064, %scan3A_970 : i32
        %get3A_1066 = arith.index_cast %add3A_1065 : i32 to index
        %get3A_1067 = arith.constant 176 : index
        %get3A_1068 = tpu.vector_load %arg8[%get3A_1066, %get3A_1067] {strides = array<i32>} : memref<80x256xf32, #tpu.memory_space<vmem>>, vector<1x16xf32>,
        %get3A_1069 = vector.shape_cast %get3A_1068 : vector<1x16xf32> to vector<16xf32>
        %add3A_1070 = arith.addf %scan3A_982, %get3A_1069 : vector<16xf32>
        %add3A_1071 = arith.constant 51 : i32
        %add3A_1072 = arith.addi %add3A_1071, %scan3A_970 : i32
        %get3A_1073 = arith.index_cast %add3A_1072 : i32 to index
        %get3A_1074 = arith.constant 192 : index
        %get3A_1075 = tpu.vector_load %arg8[%get3A_1073, %get3A_1074] {strides = array<i32>} : memref<80x256xf32, #tpu.memory_space<vmem>>, vector<1x16xf32>,
        %get3A_1076 = vector.shape_cast %get3A_1075 : vector<1x16xf32> to vector<16xf32>
        %add3A_1077 = arith.addf %scan3A_983, %get3A_1076 : vector<16xf32>
        %add3A_1078 = arith.constant 51 : i32
        %add3A_1079 = arith.addi %add3A_1078, %scan3A_970 : i32
        %get3A_1080 = arith.index_cast %add3A_1079 : i32 to index
        %get3A_1081 = arith.constant 208 : index
        %get3A_1082 = tpu.vector_load %arg8[%get3A_1080, %get3A_1081] {strides = array<i32>} : memref<80x256xf32, #tpu.memory_space<vmem>>, vector<1x16xf32>,
        %get3A_1083 = vector.shape_cast %get3A_1082 : vector<1x16xf32> to vector<16xf32>
        %add3A_1084 = arith.addf %scan3A_984, %get3A_1083 : vector<16xf32>
        %add3A_1085 = arith.constant 51 : i32
        %add3A_1086 = arith.addi %add3A_1085, %scan3A_970 : i32
        %get3A_1087 = arith.index_cast %add3A_1086 : i32 to index
        %get3A_1088 = arith.constant 224 : index
        %get3A_1089 = tpu.vector_load %arg8[%get3A_1087, %get3A_1088] {strides = array<i32>} : memref<80x256xf32, #tpu.memory_space<vmem>>, vector<1x16xf32>,
        %get3A_1090 = vector.shape_cast %get3A_1089 : vector<1x16xf32> to vector<16xf32>
        %add3A_1091 = arith.addf %scan3A_985, %get3A_1090 : vector<16xf32>
        %add3A_1092 = arith.constant 51 : i32
        %add3A_1093 = arith.addi %add3A_1092, %scan3A_970 : i32
        %get3A_1094 = arith.index_cast %add3A_1093 : i32 to index
        %get3A_1095 = arith.constant 240 : index
        %get3A_1096 = tpu.vector_load %arg8[%get3A_1094, %get3A_1095] {strides = array<i32>} : memref<80x256xf32, #tpu.memory_space<vmem>>, vector<1x16xf32>,
        %get3A_1097 = vector.shape_cast %get3A_1096 : vector<1x16xf32> to vector<16xf32>
        %add3A_1098 = arith.addf %scan3A_986, %get3A_1097 : vector<16xf32>
        scf.yield %add3A_993, %add3A_1000, %add3A_1007, %add3A_1014, %add3A_1021, %add3A_1028, %add3A_1035, %add3A_1042, %add3A_1049, %add3A_1056, %add3A_1063, %add3A_1070, %add3A_1077, %add3A_1084, %add3A_1091, %add3A_1098 : vector<16xf32>, vector<16xf32>, vector<16xf32>, vector<16xf32>, vector<16xf32>, vector<16xf32>, vector<16xf32>, vector<16xf32>, vector<16xf32>, vector<16xf32>, vector<16xf32>, vector<16xf32>, vector<16xf32>, vector<16xf32>, vector<16xf32>, vector<16xf32>
      }
      %scan3A_865 = arith.constant 25 : i32
      %mul3A_866 = arith.mulf %mul3A_350, %scan3A_864#0 : vector<16xf32>
      %add3A_867 = arith.addf %add3A_829, %mul3A_866 : vector<16xf32>
      %mul3A_868 = arith.mulf %mul3A_350, %scan3A_864#1 : vector<16xf32>
      %add3A_869 = arith.addf %add3A_831, %mul3A_868 : vector<16xf32>
      %mul3A_870 = arith.mulf %mul3A_350, %scan3A_864#2 : vector<16xf32>
      %add3A_871 = arith.addf %add3A_833, %mul3A_870 : vector<16xf32>
      %mul3A_872 = arith.mulf %mul3A_350, %scan3A_864#3 : vector<16xf32>
      %add3A_873 = arith.addf %add3A_835, %mul3A_872 : vector<16xf32>
      %mul3A_874 = arith.mulf %mul3A_350, %scan3A_864#4 : vector<16xf32>
      %add3A_875 = arith.addf %add3A_837, %mul3A_874 : vector<16xf32>
      %mul3A_876 = arith.mulf %mul3A_350, %scan3A_864#5 : vector<16xf32>
      %add3A_877 = arith.addf %add3A_839, %mul3A_876 : vector<16xf32>
      %mul3A_878 = arith.mulf %mul3A_350, %scan3A_864#6 : vector<16xf32>
      %add3A_879 = arith.addf %add3A_841, %mul3A_878 : vector<16xf32>
      %mul3A_880 = arith.mulf %mul3A_350, %scan3A_864#7 : vector<16xf32>
      %add3A_881 = arith.addf %add3A_843, %mul3A_880 : vector<16xf32>
      %mul3A_882 = arith.mulf %mul3A_350, %scan3A_864#8 : vector<16xf32>
      %add3A_883 = arith.addf %add3A_845, %mul3A_882 : vector<16xf32>
      %mul3A_884 = arith.mulf %mul3A_350, %scan3A_864#9 : vector<16xf32>
      %add3A_885 = arith.addf %add3A_847, %mul3A_884 : vector<16xf32>
      %mul3A_886 = arith.mulf %mul3A_350, %scan3A_864#10 : vector<16xf32>
      %add3A_887 = arith.addf %add3A_849, %mul3A_886 : vector<16xf32>
      %mul3A_888 = arith.mulf %mul3A_350, %scan3A_864#11 : vector<16xf32>
      %add3A_889 = arith.addf %add3A_851, %mul3A_888 : vector<16xf32>
      %mul3A_890 = arith.mulf %mul3A_350, %scan3A_864#12 : vector<16xf32>
      %add3A_891 = arith.addf %add3A_853, %mul3A_890 : vector<16xf32>
      %mul3A_892 = arith.mulf %mul3A_350, %scan3A_864#13 : vector<16xf32>
      %add3A_893 = arith.addf %add3A_855, %mul3A_892 : vector<16xf32>
      %mul3A_894 = arith.mulf %mul3A_350, %scan3A_864#14 : vector<16xf32>
      %add3A_895 = arith.addf %add3A_857, %mul3A_894 : vector<16xf32>
      %mul3A_896 = arith.mulf %mul3A_350, %scan3A_864#15 : vector<16xf32>
      %add3A_897 = arith.addf %add3A_859, %mul3A_896 : vector<16xf32>
      %swap3A_898 = arith.constant 0 : index
      %swap3A_899 = tpu.vector_load %arg11[%swap3A_898] {strides = array<i32>} : memref<256xf32, #tpu.memory_space<vmem>>, vector<16xf32>,
      %swap3A_900 = vector.shape_cast %swap3A_899 : vector<16xf32> to vector<16xf32>
      %swap3A_901 = vector.shape_cast %add3A_867 : vector<16xf32> to vector<16xf32>
      tpu.vector_store %arg11[%swap3A_898], %swap3A_901 {strides = array<i32>} : memref<256xf32, #tpu.memory_space<vmem>>, vector<16xf32>,
      %swap3A_902 = arith.constant 16 : index
      %swap3A_903 = tpu.vector_load %arg11[%swap3A_902] {strides = array<i32>} : memref<256xf32, #tpu.memory_space<vmem>>, vector<16xf32>,
      %swap3A_904 = vector.shape_cast %swap3A_903 : vector<16xf32> to vector<16xf32>
      %swap3A_905 = vector.shape_cast %add3A_869 : vector<16xf32> to vector<16xf32>
      tpu.vector_store %arg11[%swap3A_902], %swap3A_905 {strides = array<i32>} : memref<256xf32, #tpu.memory_space<vmem>>, vector<16xf32>,
      %swap3A_906 = arith.constant 32 : index
      %swap3A_907 = tpu.vector_load %arg11[%swap3A_906] {strides = array<i32>} : memref<256xf32, #tpu.memory_space<vmem>>, vector<16xf32>,
      %swap3A_908 = vector.shape_cast %swap3A_907 : vector<16xf32> to vector<16xf32>
      %swap3A_909 = vector.shape_cast %add3A_871 : vector<16xf32> to vector<16xf32>
      tpu.vector_store %arg11[%swap3A_906], %swap3A_909 {strides = array<i32>} : memref<256xf32, #tpu.memory_space<vmem>>, vector<16xf32>,
      %swap3A_910 = arith.constant 48 : index
      %swap3A_911 = tpu.vector_load %arg11[%swap3A_910] {strides = array<i32>} : memref<256xf32, #tpu.memory_space<vmem>>, vector<16xf32>,
      %swap3A_912 = vector.shape_cast %swap3A_911 : vector<16xf32> to vector<16xf32>
      %swap3A_913 = vector.shape_cast %add3A_873 : vector<16xf32> to vector<16xf32>
      tpu.vector_store %arg11[%swap3A_910], %swap3A_913 {strides = array<i32>} : memref<256xf32, #tpu.memory_space<vmem>>, vector<16xf32>,
      %swap3A_914 = arith.constant 64 : index
      %swap3A_915 = tpu.vector_load %arg11[%swap3A_914] {strides = array<i32>} : memref<256xf32, #tpu.memory_space<vmem>>, vector<16xf32>,
      %swap3A_916 = vector.shape_cast %swap3A_915 : vector<16xf32> to vector<16xf32>
      %swap3A_917 = vector.shape_cast %add3A_875 : vector<16xf32> to vector<16xf32>
      tpu.vector_store %arg11[%swap3A_914], %swap3A_917 {strides = array<i32>} : memref<256xf32, #tpu.memory_space<vmem>>, vector<16xf32>,
      %swap3A_918 = arith.constant 80 : index
      %swap3A_919 = tpu.vector_load %arg11[%swap3A_918] {strides = array<i32>} : memref<256xf32, #tpu.memory_space<vmem>>, vector<16xf32>,
      %swap3A_920 = vector.shape_cast %swap3A_919 : vector<16xf32> to vector<16xf32>
      %swap3A_921 = vector.shape_cast %add3A_877 : vector<16xf32> to vector<16xf32>
      tpu.vector_store %arg11[%swap3A_918], %swap3A_921 {strides = array<i32>} : memref<256xf32, #tpu.memory_space<vmem>>, vector<16xf32>,
      %swap3A_922 = arith.constant 96 : index
      %swap3A_923 = tpu.vector_load %arg11[%swap3A_922] {strides = array<i32>} : memref<256xf32, #tpu.memory_space<vmem>>, vector<16xf32>,
      %swap3A_924 = vector.shape_cast %swap3A_923 : vector<16xf32> to vector<16xf32>
      %swap3A_925 = vector.shape_cast %add3A_879 : vector<16xf32> to vector<16xf32>
      tpu.vector_store %arg11[%swap3A_922], %swap3A_925 {strides = array<i32>} : memref<256xf32, #tpu.memory_space<vmem>>, vector<16xf32>,
      %swap3A_926 = arith.constant 112 : index
      %swap3A_927 = tpu.vector_load %arg11[%swap3A_926] {strides = array<i32>} : memref<256xf32, #tpu.memory_space<vmem>>, vector<16xf32>,
      %swap3A_928 = vector.shape_cast %swap3A_927 : vector<16xf32> to vector<16xf32>
      %swap3A_929 = vector.shape_cast %add3A_881 : vector<16xf32> to vector<16xf32>
      tpu.vector_store %arg11[%swap3A_926], %swap3A_929 {strides = array<i32>} : memref<256xf32, #tpu.memory_space<vmem>>, vector<16xf32>,
      %swap3A_930 = arith.constant 128 : index
      %swap3A_931 = tpu.vector_load %arg11[%swap3A_930] {strides = array<i32>} : memref<256xf32, #tpu.memory_space<vmem>>, vector<16xf32>,
      %swap3A_932 = vector.shape_cast %swap3A_931 : vector<16xf32> to vector<16xf32>
      %swap3A_933 = vector.shape_cast %add3A_883 : vector<16xf32> to vector<16xf32>
      tpu.vector_store %arg11[%swap3A_930], %swap3A_933 {strides = array<i32>} : memref<256xf32, #tpu.memory_space<vmem>>, vector<16xf32>,
      %swap3A_934 = arith.constant 144 : index
      %swap3A_935 = tpu.vector_load %arg11[%swap3A_934] {strides = array<i32>} : memref<256xf32, #tpu.memory_space<vmem>>, vector<16xf32>,
      %swap3A_936 = vector.shape_cast %swap3A_935 : vector<16xf32> to vector<16xf32>
      %swap3A_937 = vector.shape_cast %add3A_885 : vector<16xf32> to vector<16xf32>
      tpu.vector_store %arg11[%swap3A_934], %swap3A_937 {strides = array<i32>} : memref<256xf32, #tpu.memory_space<vmem>>, vector<16xf32>,
      %swap3A_938 = arith.constant 160 : index
      %swap3A_939 = tpu.vector_load %arg11[%swap3A_938] {strides = array<i32>} : memref<256xf32, #tpu.memory_space<vmem>>, vector<16xf32>,
      %swap3A_940 = vector.shape_cast %swap3A_939 : vector<16xf32> to vector<16xf32>
      %swap3A_941 = vector.shape_cast %add3A_887 : vector<16xf32> to vector<16xf32>
      tpu.vector_store %arg11[%swap3A_938], %swap3A_941 {strides = array<i32>} : memref<256xf32, #tpu.memory_space<vmem>>, vector<16xf32>,
      %swap3A_942 = arith.constant 176 : index
      %swap3A_943 = tpu.vector_load %arg11[%swap3A_942] {strides = array<i32>} : memref<256xf32, #tpu.memory_space<vmem>>, vector<16xf32>,
      %swap3A_944 = vector.shape_cast %swap3A_943 : vector<16xf32> to vector<16xf32>
      %swap3A_945 = vector.shape_cast %add3A_889 : vector<16xf32> to vector<16xf32>
      tpu.vector_store %arg11[%swap3A_942], %swap3A_945 {strides = array<i32>} : memref<256xf32, #tpu.memory_space<vmem>>, vector<16xf32>,
      %swap3A_946 = arith.constant 192 : index
      %swap3A_947 = tpu.vector_load %arg11[%swap3A_946] {strides = array<i32>} : memref<256xf32, #tpu.memory_space<vmem>>, vector<16xf32>,
      %swap3A_948 = vector.shape_cast %swap3A_947 : vector<16xf32> to vector<16xf32>
      %swap3A_949 = vector.shape_cast %add3A_891 : vector<16xf32> to vector<16xf32>
      tpu.vector_store %arg11[%swap3A_946], %swap3A_949 {strides = array<i32>} : memref<256xf32, #tpu.memory_space<vmem>>, vector<16xf32>,
      %swap3A_950 = arith.constant 208 : index
      %swap3A_951 = tpu.vector_load %arg11[%swap3A_950] {strides = array<i32>} : memref<256xf32, #tpu.memory_space<vmem>>, vector<16xf32>,
      %swap3A_952 = vector.shape_cast %swap3A_951 : vector<16xf32> to vector<16xf32>
      %swap3A_953 = vector.shape_cast %add3A_893 : vector<16xf32> to vector<16xf32>
      tpu.vector_store %arg11[%swap3A_950], %swap3A_953 {strides = array<i32>} : memref<256xf32, #tpu.memory_space<vmem>>, vector<16xf32>,
      %swap3A_954 = arith.constant 224 : index
      %swap3A_955 = tpu.vector_load %arg11[%swap3A_954] {strides = array<i32>} : memref<256xf32, #tpu.memory_space<vmem>>, vector<16xf32>,
      %swap3A_956 = vector.shape_cast %swap3A_955 : vector<16xf32> to vector<16xf32>
      %swap3A_957 = vector.shape_cast %add3A_895 : vector<16xf32> to vector<16xf32>
      tpu.vector_store %arg11[%swap3A_954], %swap3A_957 {strides = array<i32>} : memref<256xf32, #tpu.memory_space<vmem>>, vector<16xf32>,
      %swap3A_958 = arith.constant 240 : index
      %swap3A_959 = tpu.vector_load %arg11[%swap3A_958] {strides = array<i32>} : memref<256xf32, #tpu.memory_space<vmem>>, vector<16xf32>,
      %swap3A_960 = vector.shape_cast %swap3A_959 : vector<16xf32> to vector<16xf32>
      %swap3A_961 = vector.shape_cast %add3A_897 : vector<16xf32> to vector<16xf32>
      tpu.vector_store %arg11[%swap3A_958], %swap3A_961 {strides = array<i32>} : memref<256xf32, #tpu.memory_space<vmem>>, vector<16xf32>,
      %add3A_962 = arith.constant 1 : i32
      %add3A_963 = arith.addi %mul3A_375, %add3A_962 : i32
      %add3A_964 = arith.addi %mul3A_2, %add3A_963 : i32
      %mul3A_965 = arith.constant 256 : i32
      %mul3A_966 = arith.muli %add3A_964, %mul3A_965 : i32
      %dma_start3A_967 = tpu.memref_slice %arg5[%mul3A_966] : memref<2097152xf32, #tpu.memory_space<hbm>> -> memref<256xf32, #tpu.memory_space<hbm>>
      %dma_start3A_968 = tpu.memref_slice %arg5[%mul3A_966] : memref<2097152xf32, #tpu.memory_space<hbm>> -> memref<256xf32, #tpu.memory_space<hbm>>
      tpu.enqueue_dma source(%arg11 : memref<256xf32, #tpu.memory_space<vmem>>) target(%dma_start3A_968 : memref<256xf32, #tpu.memory_space<hbm>>) target_semaphore(%arg15 : memref<!tpu.dma_semaphore, #tpu.memory_space<semaphore_mem>>)
      %scan3A_969 = arith.constant 0 : i32
      scf.yield %scan3A_969 : i32
    }
    %scan3A_360 = arith.constant 128 : i32
    %add3A_361 = arith.constant 0 : i32
    %add3A_362 = arith.addi %mul3A_2, %add3A_361 : i32
    %mul3A_363 = arith.constant 256 : i32
    %mul3A_364 = arith.muli %add3A_362, %mul3A_363 : i32
    %dma_wait3A = tpu.memref_slice %arg5[%mul3A_364] : memref<2097152xf32, #tpu.memory_space<hbm>> -> memref<256xf32, #tpu.memory_space<hbm>>
    %dma_wait3A_365 = tpu.memref_slice %arg5[%mul3A_364] : memref<2097152xf32, #tpu.memory_space<hbm>> -> memref<256xf32, #tpu.memory_space<hbm>>
    tpu.wait_dma2 semaphore(%arg14 : memref<!tpu.dma_semaphore, #tpu.memory_space<semaphore_mem>>) src(%arg10 : memref<256xf32, #tpu.memory_space<vmem>>) dst(%dma_wait3A_365 : memref<256xf32, #tpu.memory_space<hbm>>)
    %add3A_366 = arith.constant 0 : i32
    %add3A_367 = arith.addi %mul3A_2, %add3A_366 : i32
    %mul3A_368 = arith.constant 256 : i32
    %mul3A_369 = arith.muli %add3A_367, %mul3A_368 : i32
    %dma_wait3A_370 = tpu.memref_slice %arg5[%mul3A_369] : memref<2097152xf32, #tpu.memory_space<hbm>> -> memref<256xf32, #tpu.memory_space<hbm>>
    %dma_wait3A_371 = tpu.memref_slice %arg5[%mul3A_369] : memref<2097152xf32, #tpu.memory_space<hbm>> -> memref<256xf32, #tpu.memory_space<hbm>>
    tpu.wait_dma2 semaphore(%arg15 : memref<!tpu.dma_semaphore, #tpu.memory_space<semaphore_mem>>) src(%arg11 : memref<256xf32, #tpu.memory_space<vmem>>) dst(%dma_wait3A_371 : memref<256xf32, #tpu.memory_space<hbm>>)
    return
  }
}

</mosaic_0001>

<sc_bundles>
// kernel: kernel.3.cloned.1.call-start
scs
__scs_entry_jumppad:
0x0: {  	(pc) =	sbr.rel $0x88, $3  }
0x1: {  	(tag) =	ssettag $0x0;
	lr =	simm.s32 $0x1  }
0x2: {  	[smem:$0x3F9D] =	sst lr;
	_ =	strace $0xD0000000  }
0x3: {  	_ = 	snop  }
0x4: {  	_ = 	snop  }
0x5: {  	_ = 	snop  }
0x6: {  	_ = 	snop  }
0x7: {  	_ = 	snop  }
__scs_overlays_trampoline_lowered:
0x8: {  	[smem:$0x3FAC] =	sst s0  }
0x9: {  	[smem:$0x3FAD] =	sst s1  }
0xa: {  	[smem:$0x3FAE] =	sst s2  }
0xb: {  	[smem:$0x3FAF] =	sst s3  }
0xc: {  	[smem:$0x3FB0] =	sst s4  }
0xd: {  	[smem:$0x3FB1] =	sst s5  }
0xe: {  	[smem:$0x3FB2] =	sst s6  }
0xf: {  	[smem:$0x3FB3] =	sst s7  }
0x10: {  	[smem:$0x3FB4] =	sst s8  }
0x11: {  	[smem:$0x3FB5] =	sst s9;
	s0 =	simm.s32 @!p0 $0x0  }
0x12: {  	s1 =	sld [smem:$0x3F9B];
	s0 =	simm.s32 @p0 $0x1  }
0x13: {  	[smem:$0x3FB6] =	sst s0;
	s0 =	simm.s32 @!p1 $0x0  }
0x14: {  	s2 =	sld [smem:$0x3F9A];
	s0 =	simm.s32 @p1 $0x1  }
0x15: {  	[smem:$0x3FB7] =	sst s0;
	s0 =	simm.s32 @!p2 $0x0  }
0x16: {  	s3 =	sld [smem:$0x3FDB];
	s0 =	simm.s32 @p2 $0x1  }
0x17: {  	s4 =	simm.s32 $0x1BF5;
	[smem:$0x3FB9] =	sst s0  }
0x18: {  	s0 =	sld [smem:$0x3F9C];
	_ =	swait.ge [sflag:s4], $0x0  }
0x19: {  	s7 =	sld [smem:$0x3F9D]  }
0x1a: {  	s8 =	sadd.s32 $0xFFFFE003, lr  }
0x1b: {  	s9 =	sadd.s32 $0xFFFFFEF7, lr;
	s5 =	simm.s32 $0xFFFFFFFF;
	p2 =	slt.u32 s8, $0xFFFFF086  }
0x1c: {  	p1 =	slt.u32 s9, $0xF7A;
	s5 =	simm.s32 @!p2 $0x0  }
0x1d: {  	s5 =	simm.s32 @p1 $0x1;
	p0 =	seq.s32 s7, s2  }
0x1e: {  	s7 =	smul.u32 @!p0 $0xF7A, s2;
	p2 =	seq.s32 @!p0 s5, $0x0  }
0x1f: {  	s9 =	smul.u32 $0xF7A, s1;
	s8 =	simm.s32 @!p0 $0x1BF5;
	p2 =	por !p2, p0  }
0x20: {  	[sflag:s8] =	ssyncset.s32 @!p0 $0xFFFFF086;
	s6 =	sadd.s32 @!p0 s3, s7;
	s7 =	simm.s32 @!p0 $0x108  }
0x21: {  	s3 =	sadd.s32 s3, s9;
	s6 =	sadd.s32 @!p0 $0x88, s6;
	s7 =	simm.s32 @p2 $0x1082  }
0x22: {  	[simem:s7], [sflag:s8] =	dma.local @!p0 [hbm:s6], $0xF7A  }
0x23: {  	s9 =	sor.u32 $0xD0000000, s2;
	s6 =	simm.s32 $0x108;
	_ =	swait.ge @!p0 [sflag:s8], $0x0  }
0x24: {  	s3 =	sadd.s32 $0x88, s3;
	s6 =	simm.s32 @!p1 $0x1082;
	[sflag:s4] =	ssyncset.s32 $0xFFFFF086  }
0x25: {  	[simem:s6], [sflag:s4] =	dma.local [hbm:s3], $0xF7A  }
0x26: {  	[smem:$0x3F9D] =	sst s1;
	(tag) =	ssettag s2;
	_ =	strace s9  }
0x27: {  	s1 =	sld [smem:$0x3FAD]  }
0x28: {  	s2 =	sld [smem:$0x3FAE]  }
0x29: {  	s4 =	sld [smem:$0x3FB0]  }
0x2a: {  	p0 =	seq.s32 s5, $0x0;
	s5 =	sld [smem:$0x3FB1]  }
0x2b: {  	s6 =	sld [smem:$0x3FB2]  }
0x2c: {  	s7 =	sld [smem:$0x3FB3]  }
0x2d: {  	s3 =	simm.s32 $0x108;
	s8 =	sld [smem:$0x3FB4]  }
0x2e: {  	s3 =	simm.s32 @!p0 $0x1082;
	s9 =	sld [smem:$0x3FB5]  }
0x2f: {  	lr =	sadd.s32 s0, s3;
	s0 =	sld [smem:$0x3FAC]  }
0x30: {  	s3 =	sld [smem:$0x3FAF]  }
0x31: {  	[smem:$0x3FB8] =	sst s10  }
0x32: {  	s10 =	sld [smem:$0x3FB6];
	_ =	sdelay $0x3  }
0x33: {  	p0 =	seq.s32 s10, $0x1;
	s10 =	sld [smem:$0x3FB8];
	_ =	sdelay $0x3  }
0x34: {  	[smem:$0x3FB8] =	sst s10  }
0x35: {  	s10 =	sld [smem:$0x3FB7];
	_ =	sdelay $0x3  }
0x36: {  	p1 =	seq.s32 s10, $0x1;
	s10 =	sld [smem:$0x3FB8];
	_ =	sdelay $0x3  }
0x37: {  	[smem:$0x3FB8] =	sst s10  }
0x38: {  	s10 =	sld [smem:$0x3FB9]  }
0x39: {  	_ = 	snop;
	(pc) =	sbr.ind lr, $3  }
0x3a: {  	_ = 	snop  }
0x3b: {  	_ = 	snop  }
0x3c: {  	p2 =	seq.s32 s10, $0x1;
	s10 =	sld [smem:$0x3FB8]  }
0x3d: {  	_ =	shalt  }
0x3e: {  	_ =	shalt  }
0x3f: {  	_ =	shalt  }
0x40: {  	_ =	shalt  }
0x41: {  	_ =	shalt  }
0x42: {  	_ =	shalt  }
0x43: {  	_ =	shalt  }
0x44: {  	_ =	shalt  }
0x45: {  	_ =	shalt  }
0x46: {  	_ =	shalt  }
0x47: {  	_ =	shalt  }
0x48: {  	_ =	shalt  }
0x49: {  	_ =	shalt  }
0x4a: {  	_ =	shalt  }
0x4b: {  	_ =	shalt  }
0x4c: {  	_ =	shalt  }
0x4d: {  	_ =	shalt  }
0x4e: {  	_ =	shalt  }
0x4f: {  	_ =	shalt  }
0x50: {  	_ =	shalt  }
0x51: {  	_ =	shalt  }
0x52: {  	_ =	shalt  }
0x53: {  	_ =	shalt  }
0x54: {  	_ =	shalt  }
0x55: {  	_ =	shalt  }
0x56: {  	_ =	shalt  }
0x57: {  	_ =	shalt  }
0x58: {  	_ =	shalt  }
0x59: {  	_ =	shalt  }
0x5a: {  	_ =	shalt  }
0x5b: {  	_ =	shalt  }
0x5c: {  	_ =	shalt  }
0x5d: {  	_ =	shalt  }
0x5e: {  	_ =	shalt  }
0x5f: {  	_ =	shalt  }
0x60: {  	_ =	shalt  }
0x61: {  	_ =	shalt  }
0x62: {  	_ =	shalt  }
0x63: {  	_ =	shalt  }
0x64: {  	_ =	shalt  }
0x65: {  	_ =	shalt  }
0x66: {  	_ =	shalt  }
0x67: {  	_ =	shalt  }
0x68: {  	_ =	shalt  }
0x69: {  	_ =	shalt  }
0x6a: {  	_ =	shalt  }
0x6b: {  	_ =	shalt  }
0x6c: {  	_ =	shalt  }
0x6d: {  	_ =	shalt  }
0x6e: {  	_ =	shalt  }
0x6f: {  	_ =	shalt  }
0x70: {  	_ =	shalt  }
0x71: {  	_ =	shalt  }
0x72: {  	_ =	shalt  }
0x73: {  	_ =	shalt  }
0x74: {  	_ =	shalt  }
0x75: {  	_ =	shalt  }
0x76: {  	_ =	shalt  }
0x77: {  	_ =	shalt  }
0x78: {  	_ =	shalt  }
0x79: {  	_ =	shalt  }
0x7a: {  	_ =	shalt  }
0x7b: {  	_ =	shalt  }
0x7c: {  	_ =	shalt  }
0x7d: {  	_ =	shalt  }
0x7e: {  	_ =	shalt  }
0x7f: {  	_ =	shalt  }
0x80: {  	_ =	shalt  }
0x81: {  	_ =	shalt  }
0x82: {  	_ =	shalt  }
0x83: {  	_ =	shalt  }
0x84: {  	_ =	shalt  }
0x85: {  	_ =	shalt  }
0x86: {  	_ =	shalt  }
0x87: {  	_ =	shalt  }
.Lfunc_end0:
.L_simem_size_0:
called_computation.1_lowered:
.L_overlay_start_0:
0x88: {  	s2 =	sld [smem:$0x3FD9]  }
0x89: {  	s3 =	sld [smem:$0x3FFE];
	_ =	sdelay $0x1  }
0x8a: {  	s1 =	srdreg.scid  }
0x8b: {  	s0 =	sand.u32 $0x1, s1  }
0x8c: {  	s17 =	sshll.u32 s0, $0xA;
	s2 =	sadd.s32 s3, s2  }
0x8d: {  	s2 =	sadd.s32 s2, s17  }
0x8e: {  	[smem:$0x3FC4] =	sst s2  }
0x8f: {  	_ = 	snop  }
0x90: {  	s2 =	sld [smem:$0x3FD0];
	(tm) =	ssettm $0x1  }
0x91: {  	s18 =	sld [smem:$0x3FFB];
	_ =	sdelay $0x3  }
0x92: {  	_ =	strace s18  }
0x93: {  	s3 =	sld [smem:$0x3FFC];
	_ =	sdelay $0x3  }
0x94: {  	_ =	strace s3  }
0x95: {  	s3 =	sld [smem:$0x3FFD];
	_ =	sdelay $0x3  }
0x96: {  	_ =	strace s3  }
0x97: {  	_ =	strace $0x8FFFFFFF  }
0x98: {  	s19 =	sld [smem:$0x3FDB];
	_ =	sdelay $0x1  }
0x99: {  	s4 =	simm.s32 $_scs_section_size  }
0x9a: {  	s5 =	simm.s32 $_size__tile_overlayer_lowered;
	s6 =	simm.s32 $_tile_overlayer_lowered  }
0x9b: {  	s22 =	simm.s32 $0x1BFF;
	s21 =	sshll.u32 s6, $0x1;
	s3 =	sadd.s32 s4, s19  }
0x9c: {  	s7 =	simm.s32 $0x0;
	s20 =	sshll.u32 s5, $0x1;
	s5 =	sadd.s32 s21, s3  }
0x9d: {  	[timem:s7], [sflag:s22] =	dma.local [hbm:s5], s20  }
0x9e: {  	_ =	swait.ge [sflag:s22], s20  }
0x9f: {  	s4 =	ssub.s32 $0x0, s20;
	[sflag:s22] =	ssyncset.done $0x0  }
0xa0: {  	[sflag:s22] =	ssyncadd.s32 s4;
	_ =	sdelay $0x1  }
0xa1: {  	s23 =	simm.s32 $0x1B8B  }
0xa2: {  	_ =	swait.ge [sflag:s23], $0x1  }
0xa3: {  	[sflag:s23] =	ssyncset.done $0x0  }
0xa4: {  	s25 =	simm.s32 $0x1B8E;
	s24 =	sld [smem:$0x3FFE];
	[sflag:s23] =	ssyncadd.s32 $0xFFFFFFFF  }
0xa5: {  	s26 =	simm.s32 $execute0_lowered;
	[smem:$0x3FD2] =	sst s25  }
0xa6: {  	s5 =	sshll.u32 s26, $0x1;
	_ =	strace $0x80000049;
	[dreg:$0x1] =	wrdreg $0xFFFFFFFF  }
0xa7: {  	s28 =	simm.s32 $_size_execute0_lowered;
	s3 =	sadd.s32 s3, s5;
	[dreg:$0x0] =	wrdreg $0x0  }
0xa8: {  	s5 =	sshll.u32 s28, $0x1;
	[dreg:$0x2] =	wrdreg s3  }
0xa9: {  	[dreg:$0x3] =	wrdreg s5  }
0xaa: {  	[dreg:$0x4] =	wrdreg $0xC0  }
0xab: {  	_ =	task [dreg:s7], $0x5FFFF  }
0xac: {  	[dreg:$0x1] =	wrdreg $0xFFFFFFFF  }
0xad: {  	[dreg:$0x0] =	wrdreg $0x60  }
0xae: {  	[dreg:$0x2] =	wrdreg s24  }
0xaf: {  	[dreg:$0x3] =	wrdreg s2  }
0xb0: {  	[dreg:$0x4] =	wrdreg $0x9  }
0xb1: {  	_ =	task.clear_ibuf [dreg:s7], $0x5FFFF;
	_ =	strace $0x90000049  }
0xb2: {  	s29 =	simm.s32 $0x9;
	_ =	strace $0x8000004B  }
0xb3: {  	_ =	swait.ge [sflag:s29], $0x1  }
0xb4: {  	[sflag:s29] =	ssyncadd.s32 $0xFFFFFFFF  }
0xb5: {  	_ =	strace $0x9000004B  }
0xb6: {  	_ =	sfence  }
0xb7: {  	s30 =	sld [smem:$0x0];
	_ =	sdelay $0x2  }
0xb8: {  	s31 =	sshll.u32 s1, $0xD;
	s1 =	sshrl.u32 s1, $0x2  }
0xb9: {  	s3 =	sand.u32 $0x4000, s31;
	s1 =	sadd.s32 s1, s30  }
0xba: {  	s0 =	sor.u32 s3, s0;
	s1 =	sshll.u32 s1, $0x11  }
0xbb: {  	s0 =	sor.u32 s1, s0  }
0xbc: {  	s0 =	sadd.s32 $0x8F2B, s0  }
0xbd: {  	[sflag:s0] =	ssyncadd.remote.s32 $0x1  }
0xbe: {  	_ =	sfence.sel $0xFFFF  }
0xbf: {  	[dreg:$0x0] =	wrdreg $0xFFFFFFFF;
	(pc) =	sbr.abs _section_cstart, $3  }
0xc0: {  	[dreg:$0x1] =	wrdreg $0xFFFFFFFF  }
0xc1: {  	_ =	task.clear_ibuf [dreg:s7], $0x2FFFF;
	_ =	strace $0x9FFFFFFF  }
0xc2: {  	(tm) =	ssettm $0x7FFFFFFF  }
0xc3: {  	_ =	shalt  }
tec
execute0_lowered:
.L_overlay_start_1:
0x0: {  	(tag) =	ssettag $0x1  }
0x1: {  	v0 =	vimm.s32 $0xFEDCBA98;
	v1 =	vimm.s32 $0x76543210;
	v2 =	vimm.s32 $0x3210FEDC  }
0x2: {  	v3 =	vimm.s32 $0xBA987654;
	v4 =	vimm.s32 $0x10FEDCBA;
	v5 =	vimm.s32 $0x98765432  }
0x3: {  	s5 =	rddreg [dreg:$0x0];
	v6 =	vimm.s32 $0xFEDCBA9;
	v7 =	vimm.s32 $0x87654321;
	v0 =	vunpack.c.l.s4.s8 v0  }
0x4: {  	s0 =	simm.s32 $0x0;
	s7 =	rddreg [dreg:$0x1];
	s3 =	srdreg.scid;
	v1 =	vunpack.c.l.s4.s8 v1;
	v2 =	vunpack.c.l.s4.s8 v2;
	v3 =	vunpack.c.l.s4.s8 v3  }
0x5: {  	s1 =	stileid.u32;
	s2 =	rddreg [dreg:$0x2];
	s11 =	simm.s32 $0x50;
	v4 =	vunpack.c.l.s4.s8 v4;
	v5 =	vunpack.c.l.s4.s8 v5;
	v6 =	vunpack.c.l.s4.s8 v6  }
0x6: {  	s12 =	simm.s32 $0x5000;
	s13 =	simm.s32 $0xA000;
	s14 =	simm.s32 $0x1;
	v7 =	vunpack.c.l.s4.s8 v7;
	v0 =	vunpack.c.0.s8.s32 v0;
	v2 =	vunpack.c.0.s8.s32 v2  }
0x7: {  	s15 =	simm.s32 $0xF010;
	s16 =	simm.s32 $0x2;
	s17 =	simm.s32 $0x4;
	v3 =	vunpack.c.0.s8.s32 v3;
	v4 =	vunpack.c.0.s8.s32 v4;
	v1 =	vunpack.c.0.s8.s32 v1  }
0x8: {  	s18 =	simm.s32 $0xF110;
	s19 =	simm.s32 $0x3;
	s20 =	simm.s32 $0x0;
	v5 =	vunpack.c.0.s8.s32 v5;
	v6 =	vunpack.c.0.s8.s32 v6;
	v0 =	vand.u32 $0xF, v0  }
0x9: {  	[smem:$0x7FF] =	sst s0;
	s3 =	sand.u32 $0x1, s3;
	s4 =	sshll.u32 s1, $0x1;
	v7 =	vunpack.c.0.s8.s32 v7;
	v2 =	vcombine.low v3, v2;
	v0 =	vcombine.low v0, v1  }
.Ltmp0:
0xa: {  	_ =	strace $0x8000004A;
	s8 =	sor.u32 s3, s4;
	v59 =	vcombine.low v5, v4;
	(pc) =	sbr.rel .LBB2_1-.Ltmp0, $4  }
0xb: {  	s6 =	ssub.s32 $0x2, s3;
	s3 =	sadd.s32 $0xE00, s5;
	s10 =	smul.u32 $0xA00, s8;
	v60 =	vcombine.low v7, v6;
	v61 =	vand.u32 $0xF, v2;
	[tilespmem:$0x1FFC0] =	vst v0  }
0xc: {  	s4 =	sadd.s32 $0x30E200, s5;
	s5 =	sadd.s32 $0x30E400, s5;
	s9 =	sshrl.u32 s6, $0x1;
	v62 =	vand.u32 $0xF, v59;
	[tilespmem:$0x1FFD0] =	vst v61  }
0xd: {  	s9 =	ssub.s32 s6, s9;
	s6 =	sshll.u32 s8, $0x8;
	s7 =	sadd.s32 s7, s10;
	v63 =	vand.u32 $0xF, v60;
	[tilespmem:$0x1FFE0] =	vst v62  }
0xe: {  	s8 =	smax.u32 s9, $0x1;
	s9 =	simm.s32 $0x5;
	s10 =	simm.s32 $0xF000;
	[tilespmem:$0x1FFF0] =	vst v63  }
.LBB2_31:
0xf: {  	s20 =	sadd.s32 $0x1, s20  }
0x10: {  	_ =	swait.ge [sflag:s19], $0x100;
	p0 =	sne.s32 s20, s8  }
.Ltmp1:
0x11: {  	[sflag:s19] =	ssyncset.done $0x0;
	(pc) =	sbr.rel @!p0 .LBB2_32-.Ltmp1, $4  }
0x12: {  	[sflag:s19] =	ssyncadd.s32 $0xFFFFFF00  }
0x13: {  	_ =	swait.ge [sflag:s17], $0x100  }
0x14: {  	[sflag:s17] =	ssyncset.done $0x0  }
0x15: {  	[sflag:s17] =	ssyncadd.s32 $0xFFFFFF00  }
.LBB2_1:
0x16: {  	[tilespmem:s0], [sflag:$0x5] =	stream.linear.gather [hbm4b:s7+s0], $0x5000, $0x38;
	[tilespmem:$0xF210] =	vst v63  }
0x17: {  	_ =	swait.ge [sflag:s9], $0x5000  }
0x18: {  	[sflag:s9] =	ssyncset.done $0x0  }
0x19: {  	[sflag:s9] =	ssyncadd.s32 $0xFFFFB000  }
0x1a: {  	[tilespmem:s10], [sflag:$0x5] =	stream.linear.gather [hbm4b:s4+s0], $0x10, $0x38;
	[tilespmem:$0xF210] =	vst v63  }
0x1b: {  	_ =	swait.ge [sflag:s9], $0x10  }
0x1c: {  	[sflag:s9] =	ssyncset.done $0x0  }
0x1d: {  	v3 =	vld [tilespmem:$0x1FFC0];
	[sflag:s9] =	ssyncadd.s32 $0xFFFFFFF0  }
0x1e: {  	v0 =	vld [tilespmem:$0xF000];
	_ =	sdelay $0x2  }
0x1f: {  	v4 =	vld [tilespmem:$0x1FFD0];
	_ =	sdelay $0x1  }
0x20: {  	v1 =	vperm.xlane v0, v3  }
0x21: {  	v5 =	vld [tilespmem:$0x1FFE0]  }
0x22: {  	v1 =	vmax.f32 v0, v1  }
0x23: {  	v2 =	vperm.xlane v1, v4  }
0x24: {  	v6 =	vld [tilespmem:$0x1FFF0]  }
0x25: {  	v1 =	vmax.f32 v1, v2  }
0x26: {  	v2 =	vperm.xlane v1, v5;
	_ =	sdelay $0x1  }
0x27: {  	v1 =	vmax.f32 v1, v2  }
0x28: {  	v2 =	vperm.xlane v1, v6;
	_ =	sdelay $0x1  }
0x29: {  	v1 =	vmax.f32 v1, v2  }
0x2a: {  	v0 =	vsub.f32 v0, v1;
	_ =	sdelay $0x1  }
0x2b: {  	v0 =	vmul.f32 $1.442695020e+00, v0;
	_ =	sdelay $0x1  }
0x2c: {  	(erf) = vpow2.f32 v0;
	_ =	sdelay $0x8  }
0x2d: {  	v0 =	vpop (erf)  }
0x2e: {  	v58 =	vperm.xlane v0, v3;
	_ =	sdelay $0x1  }
0x2f: {  	v1 =	vadd.f32 v0, v58;
	_ =	sdelay $0x1  }
0x30: {  	v59 =	vperm.xlane v1, v4;
	_ =	sdelay $0x1  }
0x31: {  	v1 =	vadd.f32 v1, v59;
	_ =	sdelay $0x1  }
0x32: {  	v2 =	vperm.xlane v1, v5;
	_ =	sdelay $0x1  }
0x33: {  	v1 =	vadd.f32 v1, v2;
	_ =	sdelay $0x1  }
0x34: {  	v2 =	vperm.xlane v1, v6;
	_ =	sdelay $0x1  }
0x35: {  	v1 =	vadd.f32 v1, v2;
	_ =	sdelay $0x1  }
0x36: {  	(erf) = vrcp.f32 v1;
	_ =	sdelay $0x8  }
0x37: {  	v1 =	vpop (erf)  }
0x38: {  	v0 =	vmul.f32 v1, v0  }
0x39: {  	v60 =	vimm.s32 $0x1  }
0x3a: {  	v61 =	vimm.s32 $0x2;
	v62 =	vimm.s32 $0x3;
	v1 =	vperm.xlane v0, v60  }
0x3b: {  	v63 =	vimm.s32 $0x0;
	v2 =	vperm.xlane v0, v61;
	v3 =	vperm.xlane v0, v62  }
0x3c: {  	s21 =	simm.s32 $0x0;
	v8 =	vperm.xlane v0, v63;
	v9 =	vmul.f32 $3.999999910e-02, v1  }
0x3d: {  	[tilespmem:s12], [sflag:$0x1] =	stream.indirect.gather [hbm4b:s3+s11], $0x100, s0, s11, $0xb8;
	v10 =	vmul.f32 $3.999999910e-02, v2;
	v11 =	vmul.f32 $3.999999910e-02, v3;
	[tilespmem:$0xF210] =	vst v63  }
.LBB2_2:
0x3e: {  	s22 =	sshllo.u32 s21, $0x1  }
0x3f: {  	s23 =	smul.u32 $0x140, s22;
	_ =	sdelay $0x1  }
0x40: {  	s23 =	sshra.s32 s23, $0x2  }
0x41: {  	[tilespmem:s13], [sflag:$0x2] =	stream.indirect.gather [hbm4b:s3+s11], $0x100, s23, s11, $0xb8;
	[tilespmem:$0xF210] =	vst v63  }
0x42: {  	_ =	swait.ge [sflag:s14], $0x5000  }
0x43: {  	p0 =	seq.s32 s21, $0x0;
	[sflag:s14] =	ssyncset.done $0x0  }
0x44: {  	s23 =	simm.s32 @!p0 $0x3;
	[sflag:s14] =	ssyncadd.s32 $0xFFFFB000  }
0x45: {  	_ =	swait.ge @!p0 [sflag:s23], $0x100  }
0x46: {  	[sflag:s23] =	ssyncset.done @!p0 $0x0  }
0x47: {  	[sflag:s23] =	ssyncadd.s32 @!p0 $0xFFFFFF00  }
0x48: {  	v0 =	vld [tilespmem:$0x5000];
	_ =	sdelay $0x4  }
0x49: {  	[tilespmem:$0x1FF10] =	vst v0;
	v0 =	vld [tilespmem:$0x5010];
	_ =	sdelay $0x4  }
0x4a: {  	[tilespmem:$0x1FF20] =	vst v0;
	v0 =	vld [tilespmem:$0x5020];
	_ =	sdelay $0x4  }
0x4b: {  	[tilespmem:$0x1FF30] =	vst v0;
	v0 =	vld [tilespmem:$0x5030];
	_ =	sdelay $0x4  }
0x4c: {  	[tilespmem:$0x1FF40] =	vst v0;
	v0 =	vld [tilespmem:$0x5040];
	_ =	sdelay $0x4  }
0x4d: {  	[tilespmem:$0x1FF50] =	vst v0;
	v0 =	vld [tilespmem:$0x5050];
	_ =	sdelay $0x4  }
0x4e: {  	[tilespmem:$0x1FF60] =	vst v0;
	v0 =	vld [tilespmem:$0x5060]  }
0x4f: {  	v27 =	vld [tilespmem:$0x50A0]  }
0x50: {  	v26 =	vld [tilespmem:$0x50B0]  }
0x51: {  	v25 =	vld [tilespmem:$0x50C0]  }
0x52: {  	v24 =	vld [tilespmem:$0x50D0]  }
0x53: {  	[tilespmem:$0x1FF70] =	vst v0;
	v0 =	vld [tilespmem:$0x5070]  }
0x54: {  	s26 =	simm.s32 $0x1F0;
	v23 =	vld [tilespmem:$0x50E0]  }
0x55: {  	v1 =	vld [tilespmem:s26+$0x4F10]  }
0x56: {  	v2 =	vld [tilespmem:s26+$0x4F20]  }
0x57: {  	v3 =	vld [tilespmem:s26+$0x4F30]  }
0x58: {  	[tilespmem:$0x1FF80] =	vst v0;
	v0 =	vld [tilespmem:$0x5080]  }
0x59: {  	v4 =	vld [tilespmem:s26+$0x4F40]  }
0x5a: {  	v5 =	vld [tilespmem:s26+$0x4F50]  }
0x5b: {  	v12 =	vld [tilespmem:s26+$0x4F60]  }
0x5c: {  	v6 =	vld [tilespmem:$0x50F0]  }
0x5d: {  	[tilespmem:$0x1FF90] =	vst v0;
	v0 =	vld [tilespmem:$0x5090]  }
0x5e: {  	v13 =	vld [tilespmem:s26+$0x4F70]  }
0x5f: {  	v14 =	vld [tilespmem:s26+$0x4F80]  }
0x60: {  	v15 =	vld [tilespmem:s26+$0x4F90]  }
0x61: {  	v45 =	vimm.f32 $0.0e+00;
	v16 =	vld [tilespmem:s26+$0x4FA0];
	[tilespmem:$0x1FFB0] =	vst v6  }
0x62: {  	v1 =	vadd.f32 v1, v45;
	v6 =	vadd.f32 v2, v45;
	[tilespmem:$0x1FFA0] =	vst v0;
	v0 =	vld [tilespmem:s26+$0x5000]  }
0x63: {  	v17 =	vld [tilespmem:s26+$0x4FB0];
	v7 =	vadd.f32 v3, v45;
	v2 =	vadd.f32 v4, v45  }
0x64: {  	v30 =	vimm.f32 $0.0e+00;
	v18 =	vld [tilespmem:s26+$0x4FC0];
	v3 =	vadd.f32 v5, v45;
	v4 =	vadd.f32 v12, v45  }
0x65: {  	v28 =	vimm.f32 $0.0e+00;
	v19 =	vld [tilespmem:s26+$0x4FD0];
	v5 =	vadd.f32 v13, v45;
	v12 =	vadd.f32 v14, v45  }
0x66: {  	v20 =	vld [tilespmem:s26+$0x4FE0];
	v13 =	vadd.f32 v15, v45;
	v29 =	vadd.f32 v16, v45;
	v15 =	vimm.f32 $0.0e+00  }
0x67: {  	s24 =	simm.s32 $0x2F0;
	s25 =	simm.s32 $0xFC0;
	s23 =	sshll.u32 s21, $0x1;
	v21 =	vld [tilespmem:s26+$0x4FF0];
	v14 =	vimm.f32 $0.0e+00;
	v16 =	vimm.f32 $0.0e+00;
	v0 =	vadd.f32 v0, v45  }
.LBB2_3:
0x68: {  	p1 =	sne.s32 s25, $0x67C0;
	v31 =	vld [tilespmem:s24+$0x5000];
	v15 =	vadd.f32 v17, v15  }
0x69: {  	v17 =	vld [tilespmem:s24+$0x4F10];
	v14 =	vadd.f32 v18, v14  }
0x6a: {  	v18 =	vld [tilespmem:s24+$0x4F20];
	v30 =	vadd.f32 v19, v30  }
0x6b: {  	v19 =	vld [tilespmem:s24+$0x4F30];
	v16 =	vadd.f32 v20, v16  }
0x6c: {  	v20 =	vld [tilespmem:s24+$0x4F40];
	v28 =	vadd.f32 v21, v28  }
0x6d: {  	v21 =	vld [tilespmem:s24+$0x4F50];
	v0 =	vadd.f32 v31, v0  }
0x6e: {  	v1 =	vadd.f32 v17, v1;
	v17 =	vld [tilespmem:s24+$0x4F60]  }
0x6f: {  	v6 =	vadd.f32 v18, v6;
	v18 =	vld [tilespmem:s24+$0x4F70]  }
0x70: {  	v7 =	vadd.f32 v19, v7;
	v19 =	vld [tilespmem:s24+$0x4F80]  }
0x71: {  	v2 =	vadd.f32 v20, v2;
	v20 =	vld [tilespmem:s24+$0x4F90]  }
0x72: {  	v3 =	vadd.f32 v21, v3;
	v21 =	vld [tilespmem:s24+$0x4FA0]  }
.Ltmp2:
0x73: {  	v4 =	vadd.f32 v17, v4;
	v17 =	vld [tilespmem:s24+$0x4FB0];
	(pc) =	sbr.rel @p1 .LBB2_3-.Ltmp2, $4  }
0x74: {  	v5 =	vadd.f32 v18, v5;
	v18 =	vld [tilespmem:s24+$0x4FC0]  }
0x75: {  	v12 =	vadd.f32 v19, v12;
	v19 =	vld [tilespmem:s24+$0x4FD0]  }
0x76: {  	v13 =	vadd.f32 v20, v13;
	v20 =	vld [tilespmem:s24+$0x4FE0]  }
0x77: {  	v29 =	vadd.f32 v21, v29;
	v21 =	vld [tilespmem:s24+$0x4FF0];
	s24 =	sshra.s32 s25, $0x2;
	s25 =	sadd.s32 $0x400, s25  }
0x78: {  	v31 =	vld [tilespmem:s24+$0x5000]  }
0x79: {  	v32 =	vld [tilespmem:s24+$0x4F10]  }
0x7a: {  	v33 =	vld [tilespmem:s24+$0x4F20]  }
0x7b: {  	v34 =	vld [tilespmem:s24+$0x4F30]  }
0x7c: {  	v35 =	vld [tilespmem:s24+$0x4F40]  }
0x7d: {  	v36 =	vld [tilespmem:s24+$0x4F50]  }
0x7e: {  	v37 =	vld [tilespmem:s24+$0x4F60]  }
0x7f: {  	v44 =	vld [tilespmem:s24+$0x4F70]  }
0x80: {  	v46 =	vld [tilespmem:s24+$0x4F80]  }
0x81: {  	v47 =	vld [tilespmem:s24+$0x4F90];
	v15 =	vadd.f32 v17, v15;
	v14 =	vadd.f32 v18, v14  }
0x82: {  	v17 =	vld [tilespmem:s24+$0x4FA0];
	v18 =	vadd.f32 v19, v30;
	v16 =	vadd.f32 v20, v16  }
0x83: {  	v48 =	vimm.f32 $0.0e+00;
	v19 =	vld [tilespmem:s24+$0x4FB0];
	v20 =	vadd.f32 v21, v28;
	v28 =	vadd.f32 v31, v0  }
0x84: {  	v49 =	vimm.f32 $0.0e+00;
	v21 =	vld [tilespmem:s24+$0x4FC0];
	v40 =	vadd.f32 v32, v1;
	v39 =	vadd.f32 v33, v6  }
0x85: {  	v50 =	vimm.f32 $0.0e+00;
	v0 =	vld [tilespmem:s24+$0x4FD0];
	v33 =	vadd.f32 v34, v7;
	v32 =	vadd.f32 v35, v2  }
0x86: {  	v51 =	vimm.f32 $0.0e+00;
	v1 =	vld [tilespmem:s24+$0x4FE0];
	v31 =	vadd.f32 v36, v3;
	v38 =	vadd.f32 v37, v4  }
0x87: {  	v52 =	vimm.f32 $0.0e+00;
	v2 =	vld [tilespmem:s24+$0x4FF0];
	v37 =	vadd.f32 v44, v5;
	v36 =	vadd.f32 v46, v12  }
0x88: {  	p2 =	por $0x1, $0x1;
	v35 =	vadd.f32 v47, v13;
	v30 =	vadd.f32 v17, v29;
	v5 =	vimm.f32 $0.0e+00  }
.Ltmp3:
0x89: {  	v3 =	vimm.f32 $0.0e+00;
	v6 =	vimm.f32 $0.0e+00;
	v7 =	vimm.f32 $0.0e+00;
	(pc) =	sbr.rel @!p2 .LBB2_8-.Ltmp3, $4  }
0x8a: {  	v44 =	vimm.f32 $0.0e+00;
	v46 =	vimm.f32 $0.0e+00;
	v22 =	vadd.f32 v19, v15  }
0x8b: {  	v47 =	vimm.f32 $0.0e+00;
	v43 =	vadd.f32 v21, v14;
	v41 =	vadd.f32 v0, v18  }
0x8c: {  	p1 =	por $0x0, $0x0;
	v4 =	vimm.f32 $0.0e+00;
	v42 =	vadd.f32 v1, v16;
	v29 =	vadd.f32 v2, v20  }
0x8d: {  	s25 =	simm.s32 $0x0;
	p3 =	por $0x0, $0x0;
	s24 =	simm.s32 $0x0;
	v2 =	vimm.f32 $0.0e+00;
	v0 =	vimm.f32 $0.0e+00;
	v1 =	vimm.f32 $0.0e+00  }
0x8e: {  	v0 =	vld [tilespmem:s24+$0x6AF0]  }
0x8f: {  	v1 =	vld [tilespmem:s24+$0x6A00]  }
0x90: {  	v2 =	vld [tilespmem:s24+$0x6A10]  }
0x91: {  	v3 =	vld [tilespmem:s24+$0x6A20]  }
0x92: {  	v4 =	vld [tilespmem:s24+$0x6A30]  }
0x93: {  	v5 =	vld [tilespmem:s24+$0x6A40]  }
0x94: {  	v6 =	vld [tilespmem:s24+$0x6A50]  }
0x95: {  	v7 =	vld [tilespmem:s24+$0x6A60]  }
0x96: {  	v14 =	vld [tilespmem:s24+$0x6A70]  }
0x97: {  	v15 =	vld [tilespmem:s24+$0x6A80]  }
0x98: {  	v44 =	vadd.f32 v0, v45;
	v46 =	vadd.f32 v1, v45  }
0x99: {  	p4 =	por $0x1, $0x1;
	v1 =	vld [tilespmem:s24+$0x6A90];
	v47 =	vadd.f32 v2, v45;
	v48 =	vadd.f32 v3, v45  }
.Ltmp4:
0x9a: {  	v12 =	vld [tilespmem:s24+$0x6AA0];
	v49 =	vadd.f32 v4, v45;
	v50 =	vadd.f32 v5, v45;
	(pc) =	sbr.rel @!p4 .LBB2_6-.Ltmp4, $4  }
0x9b: {  	v13 =	vld [tilespmem:s24+$0x6AB0];
	v51 =	vadd.f32 v6, v45;
	v52 =	vadd.f32 v7, v45  }
0x9c: {  	v0 =	vadd.f32 v14, v45;
	v14 =	vld [tilespmem:s24+$0x6AC0];
	v4 =	vadd.f32 v15, v45  }
0x9d: {  	v15 =	vld [tilespmem:s24+$0x6AD0];
	v2 =	vimm.f32 $0.0e+00;
	v5 =	vimm.f32 $0.0e+00;
	v3 =	vimm.f32 $0.0e+00  }
0x9e: {  	s25 =	simm.s32 $0x100;
	s26 =	simm.s32 $0x800;
	v16 =	vld [tilespmem:s24+$0x6AE0];
	p3 =	por $0x1, $0x1;
	v6 =	vimm.f32 $0.0e+00;
	v7 =	vimm.f32 $0.0e+00;
	v1 =	vadd.f32 v1, v45  }
.LBB2_7:
0x9f: {  	p4 =	sne.s32 s26, $0x6000;
	v17 =	vld [tilespmem:s25+$0x6AF0];
	v2 =	vadd.f32 v12, v2  }
0xa0: {  	v12 =	vld [tilespmem:s25+$0x6A00];
	v5 =	vadd.f32 v13, v5  }
0xa1: {  	v13 =	vld [tilespmem:s25+$0x6A10];
	v3 =	vadd.f32 v14, v3  }
0xa2: {  	v14 =	vld [tilespmem:s25+$0x6A20];
	v6 =	vadd.f32 v15, v6  }
0xa3: {  	v15 =	vld [tilespmem:s25+$0x6A30];
	v7 =	vadd.f32 v16, v7  }
0xa4: {  	v16 =	vld [tilespmem:s25+$0x6A40];
	v44 =	vadd.f32 v17, v44  }
0xa5: {  	v46 =	vadd.f32 v12, v46;
	v12 =	vld [tilespmem:s25+$0x6A50]  }
0xa6: {  	v47 =	vadd.f32 v13, v47;
	v13 =	vld [tilespmem:s25+$0x6A60]  }
0xa7: {  	v48 =	vadd.f32 v14, v48;
	v14 =	vld [tilespmem:s25+$0x6A70]  }
0xa8: {  	v49 =	vadd.f32 v15, v49;
	v15 =	vld [tilespmem:s25+$0x6A80]  }
0xa9: {  	v50 =	vadd.f32 v16, v50;
	v16 =	vld [tilespmem:s25+$0x6A90]  }
.Ltmp5:
0xaa: {  	v51 =	vadd.f32 v12, v51;
	v12 =	vld [tilespmem:s25+$0x6AA0];
	(pc) =	sbr.rel @p4 .LBB2_7-.Ltmp5, $4  }
0xab: {  	v52 =	vadd.f32 v13, v52;
	v13 =	vld [tilespmem:s25+$0x6AB0]  }
0xac: {  	v0 =	vadd.f32 v14, v0;
	v14 =	vld [tilespmem:s25+$0x6AC0]  }
0xad: {  	v4 =	vadd.f32 v15, v4;
	v15 =	vld [tilespmem:s25+$0x6AD0]  }
0xae: {  	v1 =	vadd.f32 v16, v1;
	v16 =	vld [tilespmem:s25+$0x6AE0];
	s25 =	sshra.s32 s26, $0x2;
	s26 =	sadd.s32 $0x400, s26  }
.LBB2_8:
0xaf: {  	v17 =	vld [tilespmem:s25+$0x6AF0]  }
0xb0: {  	v18 =	vld [tilespmem:s25+$0x6A00]  }
0xb1: {  	v19 =	vld [tilespmem:s25+$0x6A10]  }
0xb2: {  	v20 =	vld [tilespmem:s25+$0x6A20]  }
0xb3: {  	v21 =	vld [tilespmem:s25+$0x6A30]  }
0xb4: {  	v53 =	vld [tilespmem:s25+$0x6A40]  }
0xb5: {  	v58 =	vld [tilespmem:s25+$0x6A50]  }
0xb6: {  	v60 =	vld [tilespmem:s25+$0x6A60]  }
0xb7: {  	v61 =	vld [tilespmem:s25+$0x6A70]  }
0xb8: {  	v5 =	vadd.f32 @p3 v13, v5;
	v13 =	vld [tilespmem:s25+$0x6A90]  }
0xb9: {  	v2 =	vadd.f32 @p3 v12, v2;
	v62 =	vld [tilespmem:s25+$0x6AB0];
	v3 =	vadd.f32 @p3 v14, v3  }
0xba: {  	v63 =	vld [tilespmem:s25+$0x6AC0];
	v6 =	vadd.f32 @p3 v15, v6;
	v7 =	vadd.f32 @p3 v16, v7  }
0xbb: {  	v14 =	vld [tilespmem:s25+$0x6AA0];
	v34 =	vadd.f32 v17, v44;
	v59 =	vadd.f32 v18, v46  }
0xbc: {  	v56 =	vadd.f32 v19, v47;
	v54 =	vadd.f32 v20, v48;
	v44 =	vld [tilespmem:s25+$0x6AD0]  }
0xbd: {  	v57 =	vadd.f32 v21, v49;
	v46 =	vld [tilespmem:s25+$0x6AE0];
	v49 =	vpsel p3, v5, v45;
	v47 =	vadd.f32 v13, v1  }
0xbe: {  	v12 =	vld [tilespmem:s25+$0x6A80];
	v55 =	vadd.f32 v53, v50;
	v50 =	vpsel p3, v3, v45;
	v1 =	vadd.f32 v62, v49;
	[tilespmem:$0x1FF00] =	vst v34  }
0xbf: {  	v53 =	vadd.f32 v60, v52;
	v48 =	vpsel p3, v2, v45;
	v62 =	vadd.f32 v63, v50;
	[tilespmem:$0x1FEA0] =	vst v47  }
.Ltmp6:
0xc0: {  	v52 =	vadd.f32 v61, v0;
	v60 =	vpsel p3, v6, v45;
	v0 =	vadd.f32 v14, v48;
	[tilespmem:$0x1FEC0] =	vst v1;
	(pc) =	sbr.rel @!p2 .LBB2_9-.Ltmp6, $4  }
0xc1: {  	v61 =	vpsel p3, v7, v45;
	[tilespmem:$0x1FED0] =	vst v62;
	v63 =	vadd.f32 v44, v60  }
0xc2: {  	v58 =	vadd.f32 v58, v51;
	[tilespmem:$0x1FEB0] =	vst v0;
	v0 =	vadd.f32 v46, v61  }
0xc3: {  	v51 =	vadd.f32 v12, v4;
	v45 =	vmovc v30;
	v50 =	vmov v40;
	v49 =	vmov v39;
	[tilespmem:$0x1FEE0] =	vst v63  }
0xc4: {  	v48 =	vmovc v33;
	v60 =	vimm.f32 $0.0e+00;
	v47 =	vmovc v32;
	v46 =	vmov v31;
	v44 =	vmov v22;
	[tilespmem:$0x1FEF0] =	vst v0  }
0xc5: {  	v0 =	vld [tilespmem:s24+$0x83F0]  }
0xc6: {  	v1 =	vld [tilespmem:s24+$0x8300]  }
0xc7: {  	v2 =	vld [tilespmem:s24+$0x8310]  }
0xc8: {  	v3 =	vld [tilespmem:s24+$0x8320]  }
0xc9: {  	v5 =	vld [tilespmem:s24+$0x8330]  }
0xca: {  	v6 =	vld [tilespmem:s24+$0x8340]  }
0xcb: {  	v7 =	vld [tilespmem:s24+$0x8350]  }
0xcc: {  	v12 =	vld [tilespmem:s24+$0x8360]  }
0xcd: {  	v13 =	vld [tilespmem:s24+$0x8370]  }
0xce: {  	v14 =	vld [tilespmem:s24+$0x8380]  }
0xcf: {  	v15 =	vld [tilespmem:s24+$0x8390];
	v61 =	vadd.f32 v0, v60  }
0xd0: {  	p2 =	por $0x1, $0x1;
	v62 =	vadd.f32 v1, v60;
	v63 =	vadd.f32 v2, v60  }
.Ltmp7:
0xd1: {  	v17 =	vld [tilespmem:s24+$0x83A0];
	v4 =	vadd.f32 v3, v60;
	v5 =	vadd.f32 v5, v60;
	(pc) =	sbr.rel @!p2 .LBB2_11-.Ltmp7, $4  }
0xd2: {  	v18 =	vld [tilespmem:s24+$0x83B0];
	v6 =	vadd.f32 v6, v60;
	v7 =	vadd.f32 v7, v60  }
0xd3: {  	v19 =	vld [tilespmem:s24+$0x83C0];
	v16 =	vimm.f32 $0.0e+00;
	v0 =	vadd.f32 v12, v60;
	v1 =	vadd.f32 v13, v60  }
0xd4: {  	v20 =	vld [tilespmem:s24+$0x83D0];
	v2 =	vadd.f32 v14, v60;
	v3 =	vadd.f32 v15, v60;
	v12 =	vimm.f32 $0.0e+00  }
0xd5: {  	s25 =	simm.s32 $0x100;
	s26 =	simm.s32 $0x800;
	v21 =	vld [tilespmem:s24+$0x83E0];
	p1 =	por $0x1, $0x1;
	v13 =	vimm.f32 $0.0e+00;
	v14 =	vimm.f32 $0.0e+00;
	v15 =	vimm.f32 $0.0e+00  }
.LBB2_12:
0xd6: {  	p2 =	sne.s32 s26, $0x6000;
	v22 =	vld [tilespmem:s25+$0x83F0];
	v12 =	vadd.f32 v17, v12  }
0xd7: {  	v17 =	vld [tilespmem:s25+$0x8300];
	v13 =	vadd.f32 v18, v13  }
0xd8: {  	v18 =	vld [tilespmem:s25+$0x8310];
	v14 =	vadd.f32 v19, v14  }
0xd9: {  	v19 =	vld [tilespmem:s25+$0x8320];
	v15 =	vadd.f32 v20, v15  }
0xda: {  	v20 =	vld [tilespmem:s25+$0x8330];
	v16 =	vadd.f32 v21, v16  }
0xdb: {  	v21 =	vld [tilespmem:s25+$0x8340];
	v61 =	vadd.f32 v22, v61  }
0xdc: {  	v62 =	vadd.f32 v17, v62;
	v17 =	vld [tilespmem:s25+$0x8350]  }
0xdd: {  	v63 =	vadd.f32 v18, v63;
	v18 =	vld [tilespmem:s25+$0x8360]  }
0xde: {  	v4 =	vadd.f32 v19, v4;
	v19 =	vld [tilespmem:s25+$0x8370]  }
0xdf: {  	v5 =	vadd.f32 v20, v5;
	v20 =	vld [tilespmem:s25+$0x8380]  }
0xe0: {  	v6 =	vadd.f32 v21, v6;
	v21 =	vld [tilespmem:s25+$0x8390]  }
.Ltmp8:
0xe1: {  	v7 =	vadd.f32 v17, v7;
	v17 =	vld [tilespmem:s25+$0x83A0];
	(pc) =	sbr.rel @p2 .LBB2_12-.Ltmp8, $4  }
0xe2: {  	v0 =	vadd.f32 v18, v0;
	v18 =	vld [tilespmem:s25+$0x83B0]  }
0xe3: {  	v1 =	vadd.f32 v19, v1;
	v19 =	vld [tilespmem:s25+$0x83C0]  }
0xe4: {  	v2 =	vadd.f32 v20, v2;
	v20 =	vld [tilespmem:s25+$0x83D0]  }
0xe5: {  	v3 =	vadd.f32 v21, v3;
	v21 =	vld [tilespmem:s25+$0x83E0];
	s25 =	sshra.s32 s26, $0x2;
	s26 =	sadd.s32 $0x400, s26  }
0xe6: {  	v40 =	vmov v29;
	v39 =	vmov v28  }
0xe7: {  	v34 =	vmovc v27;
	v33 =	vmovc v26;
	v32 =	vmov v25;
	v31 =	vmov v24;
	v30 =	vmov v23;
	s24 =	smov.u32 s25  }
.LBB2_14:
0xe8: {  	v22 =	vld [tilespmem:s24+$0x83F0]  }
0xe9: {  	v23 =	vld [tilespmem:s24+$0x8300]  }
0xea: {  	v24 =	vld [tilespmem:s24+$0x8310]  }
0xeb: {  	v25 =	vld [tilespmem:s24+$0x8320]  }
0xec: {  	v26 =	vld [tilespmem:s24+$0x8330]  }
0xed: {  	v27 =	vld [tilespmem:s24+$0x8340]  }
0xee: {  	v28 =	vld [tilespmem:s24+$0x8350]  }
0xef: {  	v29 =	vld [tilespmem:s24+$0x8360];
	v12 =	vadd.f32 @p1 v17, v12  }
0xf0: {  	v13 =	vadd.f32 @p1 v18, v13;
	v17 =	vld [tilespmem:s24+$0x8370];
	v14 =	vadd.f32 @p1 v19, v14  }
0xf1: {  	v18 =	vld [tilespmem:s24+$0x8380];
	v15 =	vadd.f32 @p1 v20, v15;
	v16 =	vadd.f32 @p1 v21, v16  }
0xf2: {  	v19 =	vld [tilespmem:s24+$0x8390];
	v38 =	vmul.f32 v38, v9;
	v12 =	vpsel p1, v12, v60;
	v13 =	vpsel p1, v13, v60  }
0xf3: {  	v14 =	vpsel p1, v14, v60;
	v15 =	vpsel p1, v15, v60;
	v16 =	vpsel p1, v16, v60;
	v60 =	vld [tilespmem:$0x1FF20]  }
0xf4: {  	v37 =	vmul.f32 v37, v9;
	v36 =	vmul.f32 v36, v9;
	v4 =	vadd.f32 v25, v4;
	v25 =	vld [tilespmem:s24+$0x83A0]  }
0xf5: {  	v35 =	vmul.f32 v35, v9;
	v20 =	vadd.f32 v23, v62;
	v5 =	vadd.f32 v26, v5;
	v26 =	vld [tilespmem:s24+$0x83B0]  }
0xf6: {  	v45 =	vmul.f32 v45, v9;
	v21 =	vadd.f32 v24, v63;
	v6 =	vadd.f32 v27, v6;
	v27 =	vld [tilespmem:s24+$0x83C0]  }
0xf7: {  	v7 =	vadd.f32 v28, v7;
	v0 =	vadd.f32 v29, v0;
	v28 =	vld [tilespmem:s24+$0x83D0];
	v20 =	vmul.f32 v20, v11  }
0xf8: {  	v1 =	vadd.f32 v17, v1;
	v29 =	vld [tilespmem:$0x1FF10];
	v21 =	vmul.f32 v21, v11;
	v4 =	vmul.f32 v4, v11  }
0xf9: {  	v2 =	vadd.f32 v18, v2;
	v62 =	vld [tilespmem:$0x1FF30];
	v5 =	vmul.f32 v5, v11;
	v6 =	vmul.f32 v6, v11  }
0xfa: {  	v63 =	vld [tilespmem:$0x1FF40];
	v7 =	vmul.f32 v7, v11;
	v0 =	vmul.f32 v0, v11  }
0xfb: {  	v3 =	vadd.f32 v19, v3;
	v19 =	vld [tilespmem:s24+$0x83E0];
	v1 =	vmul.f32 v1, v11;
	v2 =	vmul.f32 v2, v11  }
0xfc: {  	v61 =	vadd.f32 v22, v61;
	v23 =	vmul.f32 v60, v8;
	v60 =	vmul.f32 v49, v9;
	v49 =	vld [tilespmem:$0x1FF90]  }
0xfd: {  	v3 =	vmul.f32 v3, v11;
	v22 =	vmul.f32 v29, v8;
	v15 =	vadd.f32 v28, v15;
	v28 =	vld [tilespmem:$0x1FF50]  }
0xfe: {  	v12 =	vadd.f32 v25, v12;
	v17 =	vmul.f32 v62, v8;
	v29 =	vmul.f32 v50, v9;
	v50 =	vld [tilespmem:$0x1FF60]  }
0xff: {  	v13 =	vadd.f32 v26, v13;
	v24 =	vmul.f32 v63, v8;
	v62 =	vld [tilespmem:$0x1FF70];
	v63 =	vmul.f32 v48, v9  }
0x100: {  	v14 =	vadd.f32 v27, v14;
	v48 =	vmul.f32 v47, v9;
	v47 =	vmul.f32 v44, v9  }
0x101: {  	v44 =	vmul.f32 v57, v10;
	v23 =	vadd.f32 v60, v23;
	v60 =	vld [tilespmem:$0x1FFA0];
	v22 =	vadd.f32 v29, v22  }
0x102: {  	v17 =	vadd.f32 v63, v17;
	v63 =	vmul.f32 v33, v8;
	v57 =	vmul.f32 v13, v11  }
0x103: {  	v29 =	vld [tilespmem:$0x1FF80];
	v24 =	vadd.f32 v48, v24;
	v27 =	vmul.f32 v49, v8;
	v18 =	vmul.f32 v28, v8  }
0x104: {  	v16 =	vadd.f32 v19, v16;
	v48 =	vld [tilespmem:$0x1FFB0];
	v19 =	vmul.f32 v50, v8;
	v25 =	vmul.f32 v62, v8  }
0x105: {  	v24 =	vadd.f32 v44, v24;
	v50 =	vmul.f32 v46, v9;
	v62 =	vmul.f32 v34, v8  }
0x106: {  	v46 =	vmul.f32 v30, v8;
	v28 =	vmul.f32 v60, v8;
	v27 =	vadd.f32 v35, v27  }
0x107: {  	v60 =	vmul.f32 v41, v9;
	v41 =	vmul.f32 v59, v10;
	v5 =	vadd.f32 v5, v24  }
0x108: {  	v26 =	vmul.f32 v29, v8;
	v25 =	vadd.f32 v37, v25;
	v37 =	vmul.f32 v32, v8  }
0x109: {  	v18 =	vadd.f32 v50, v18;
	v49 =	vmul.f32 v48, v8;
	v50 =	vmul.f32 v43, v9  }
0x10a: {  	v29 =	vadd.f32 v47, v62;
	v62 =	vmul.f32 v42, v9;
	v42 =	vmul.f32 v56, v10  }
0x10b: {  	v19 =	vadd.f32 v38, v19;
	v43 =	vmul.f32 v54, v10;
	v47 =	vmul.f32 v53, v10  }
0x10c: {  	v48 =	vmul.f32 v52, v10;
	v28 =	vadd.f32 v45, v28;
	v22 =	vadd.f32 v41, v22  }
0x10d: {  	v45 =	vmul.f32 v55, v10;
	v26 =	vadd.f32 v36, v26;
	v32 =	vadd.f32 v50, v63  }
0x10e: {  	v36 =	vmul.f32 v31, v8;
	v30 =	vadd.f32 v60, v37;
	v23 =	vadd.f32 v42, v23  }
0x10f: {  	v52 =	vld [tilespmem:$0x1FEB0];
	v63 =	vmul.f32 v40, v9;
	v17 =	vadd.f32 v43, v17;
	v25 =	vadd.f32 v47, v25  }
0x110: {  	v40 =	vmul.f32 v39, v9;
	v50 =	vld [tilespmem:$0x1FEA0];
	v18 =	vadd.f32 v45, v18;
	v20 =	vadd.f32 v20, v22  }
0x111: {  	v53 =	vld [tilespmem:$0x1FEC0];
	v56 =	vmul.f32 v12, v11;
	v31 =	vadd.f32 v62, v36;
	v33 =	vadd.f32 v63, v46  }
0x112: {  	[tilespmem:$0xF040] =	vst v5;
	v55 =	vld [tilespmem:$0x1FED0];
	v34 =	vadd.f32 v40, v49;
	v46 =	vmul.f32 v58, v10;
	v21 =	vadd.f32 v21, v23  }
0x113: {  	v49 =	vmul.f32 v51, v10;
	v26 =	vadd.f32 v48, v26;
	[tilespmem:$0xF010] =	vst v20;
	v6 =	vadd.f32 v6, v18  }
0x114: {  	v4 =	vadd.f32 v4, v17;
	v0 =	vadd.f32 v0, v25;
	v58 =	vld [tilespmem:$0x1FEF0];
	v17 =	vmul.f32 v52, v10;
	[tilespmem:$0xF020] =	vst v21  }
0x115: {  	v19 =	vadd.f32 v46, v19;
	v27 =	vadd.f32 v49, v27;
	v35 =	vmul.f32 v50, v10;
	[tilespmem:$0xF050] =	vst v6;
	v6 =	vld [tilespmem:$0x1FEE0]  }
0x116: {  	v59 =	vld [tilespmem:$0x1FF00];
	v20 =	vmul.f32 v53, v10;
	[tilespmem:$0xF030] =	vst v4;
	v1 =	vadd.f32 v1, v26;
	v17 =	vadd.f32 v17, v29  }
0x117: {  	v5 =	vmul.f32 v55, v10;
	[tilespmem:$0xF070] =	vst v0;
	v2 =	vadd.f32 v2, v27;
	v51 =	vadd.f32 v35, v28  }
0x118: {  	v62 =	vmul.f32 v16, v11;
	v54 =	vadd.f32 v20, v32;
	v7 =	vadd.f32 v7, v19;
	[tilespmem:$0xF080] =	vst v1  }
0x119: {  	v5 =	vadd.f32 v5, v30;
	[tilespmem:$0xF090] =	vst v2;
	v2 =	vmul.f32 v58, v10;
	v3 =	vadd.f32 v3, v51  }
0x11a: {  	v0 =	vadd.f32 v56, v17;
	[tilespmem:$0xF060] =	vst v7;
	v7 =	vmul.f32 v14, v11;
	v6 =	vmul.f32 v6, v10  }
0x11b: {  	v1 =	vadd.f32 v57, v54;
	v2 =	vadd.f32 v2, v33;
	[tilespmem:$0xF0A0] =	vst v3;
	v3 =	vmul.f32 v59, v10  }
0x11c: {  	v60 =	vmul.f32 v15, v11;
	[tilespmem:$0xF0B0] =	vst v0;
	v5 =	vadd.f32 v7, v5;
	v6 =	vadd.f32 v6, v31  }
0x11d: {  	p1 =	sne.s32 s21, $0x7F;
	v63 =	vmul.f32 v61, v11;
	[tilespmem:$0xF0C0] =	vst v1;
	v0 =	vadd.f32 v62, v2;
	v3 =	vadd.f32 v3, v34  }
.Ltmp9:
0x11e: {  	[tilespmem:$0xF0D0] =	vst v5;
	v4 =	vadd.f32 v60, v6;
	(pc) =	sbr.rel @p1 .LBB2_16-.Ltmp9, $4  }
0x11f: {  	s23 =	sadd.s32 s6, s23;
	[tilespmem:$0xF0F0] =	vst v0;
	v1 =	vadd.f32 v63, v3  }
0x120: {  	s23 =	sshll.u32 s23, $0x5;
	[tilespmem:$0xF0E0] =	vst v4  }
0x121: {  	s23 =	sadd.s32 s5, s23;
	[tilespmem:$0xF100] =	vst v1  }
0x122: {  	[hbm4b:s23+s0] =	stream.linear.scatter [tilespmem:s15], [sflag:$0x3], $0x100, $0x38;
	[tilespmem:$0xF210] =	vst v63  }
.Ltmp10:
0x123: {  	(pc) =	sbr.rel .LBB2_17-.Ltmp10, $4  }
0x124: {  	_ = 	snop  }
0x125: {  	_ =	swait.ge [sflag:s16], $0x5000  }
0x126: {  	[sflag:s16] =	ssyncset.done $0x0  }
0x127: {  	[sflag:s16] =	ssyncadd.s32 $0xFFFFB000  }
.LBB2_16:
0x128: {  	s23 =	smul.u32 $0x280, s21;
	_ =	sdelay $0x1  }
0x129: {  	s23 =	sshra.s32 s23, $0x2  }
.Ltmp11:
0x12a: {  	s23 =	sadd.s32 $0xA0, s23;
	(pc) =	sbr.rel @p0 .LBB2_18-.Ltmp11, $4  }
0x12b: {  	[tilespmem:s12], [sflag:$0x1] =	stream.indirect.gather [hbm4b:s3+s11], $0x100, s23, s11, $0xb8;
	[tilespmem:$0xF210] =	vst v63  }
0x12c: {  	_ =	swait.ge [sflag:s16], $0x5000  }
0x12d: {  	[sflag:s16] =	ssyncset.done $0x0  }
0x12e: {  	[sflag:s16] =	ssyncadd.s32 $0xFFFFB000  }
.LBB2_17:
0x12f: {  	_ =	swait.ge [sflag:s17], $0x100  }
0x130: {  	[sflag:s17] =	ssyncset.done $0x0  }
0x131: {  	[sflag:s17] =	ssyncadd.s32 $0xFFFFFF00  }
.LBB2_18:
0x132: {  	v0 =	vld [tilespmem:$0xA000];
	_ =	sdelay $0x4  }
0x133: {  	[tilespmem:$0x1FDF0] =	vst v0;
	v0 =	vld [tilespmem:$0xA010];
	_ =	sdelay $0x4  }
0x134: {  	[tilespmem:$0x1FE00] =	vst v0;
	v0 =	vld [tilespmem:$0xA020];
	_ =	sdelay $0x4  }
0x135: {  	[tilespmem:$0x1FE10] =	vst v0;
	v0 =	vld [tilespmem:$0xA030];
	_ =	sdelay $0x4  }
0x136: {  	[tilespmem:$0x1FE20] =	vst v0;
	v0 =	vld [tilespmem:$0xA040];
	_ =	sdelay $0x4  }
0x137: {  	[tilespmem:$0x1FE30] =	vst v0;
	v0 =	vld [tilespmem:$0xA050];
	_ =	sdelay $0x4  }
0x138: {  	[tilespmem:$0x1FE40] =	vst v0;
	v0 =	vld [tilespmem:$0xA060]  }
0x139: {  	v27 =	vld [tilespmem:$0xA0A0]  }
0x13a: {  	v26 =	vld [tilespmem:$0xA0B0]  }
0x13b: {  	v25 =	vld [tilespmem:$0xA0C0]  }
0x13c: {  	v24 =	vld [tilespmem:$0xA0D0]  }
0x13d: {  	[tilespmem:$0x1FE50] =	vst v0;
	v0 =	vld [tilespmem:$0xA070]  }
0x13e: {  	v23 =	vld [tilespmem:$0xA0E0]  }
0x13f: {  	s25 =	simm.s32 $0x1F0;
	v6 =	vld [tilespmem:$0xA0F0]  }
0x140: {  	v1 =	vld [tilespmem:s25+$0x9F10]  }
0x141: {  	v2 =	vld [tilespmem:s25+$0x9F20]  }
0x142: {  	[tilespmem:$0x1FE60] =	vst v0;
	v0 =	vld [tilespmem:$0xA080]  }
0x143: {  	v3 =	vld [tilespmem:s25+$0x9F30]  }
0x144: {  	v4 =	vld [tilespmem:s25+$0x9F40]  }
0x145: {  	v5 =	vld [tilespmem:s25+$0x9F50]  }
0x146: {  	v12 =	vld [tilespmem:s25+$0x9F60]  }
0x147: {  	[tilespmem:$0x1FE70] =	vst v0;
	v0 =	vld [tilespmem:$0xA090]  }
0x148: {  	v13 =	vld [tilespmem:s25+$0x9F70]  }
0x149: {  	v14 =	vld [tilespmem:s25+$0x9F80]  }
0x14a: {  	v15 =	vld [tilespmem:s25+$0x9F90]  }
0x14b: {  	v45 =	vimm.f32 $0.0e+00;
	v16 =	vld [tilespmem:s25+$0x9FA0];
	[tilespmem:$0x1FE90] =	vst v6  }
0x14c: {  	v1 =	vadd.f32 v1, v45;
	v6 =	vadd.f32 v2, v45;
	[tilespmem:$0x1FE80] =	vst v0;
	v0 =	vld [tilespmem:s25+$0xA000]  }
0x14d: {  	v17 =	vld [tilespmem:s25+$0x9FB0];
	v7 =	vadd.f32 v3, v45;
	v2 =	vadd.f32 v4, v45  }
0x14e: {  	v30 =	vimm.f32 $0.0e+00;
	v18 =	vld [tilespmem:s25+$0x9FC0];
	v3 =	vadd.f32 v5, v45;
	v4 =	vadd.f32 v12, v45  }
0x14f: {  	v28 =	vimm.f32 $0.0e+00;
	v19 =	vld [tilespmem:s25+$0x9FD0];
	v5 =	vadd.f32 v13, v45;
	v12 =	vadd.f32 v14, v45  }
0x150: {  	v20 =	vld [tilespmem:s25+$0x9FE0];
	v13 =	vadd.f32 v15, v45;
	v29 =	vadd.f32 v16, v45;
	v15 =	vimm.f32 $0.0e+00  }
0x151: {  	s23 =	simm.s32 $0x2F0;
	s24 =	simm.s32 $0xFC0;
	v21 =	vld [tilespmem:s25+$0x9FF0];
	v14 =	vimm.f32 $0.0e+00;
	v16 =	vimm.f32 $0.0e+00;
	v0 =	vadd.f32 v0, v45  }
.LBB2_19:
0x152: {  	p0 =	sne.s32 s24, $0x67C0;
	v31 =	vld [tilespmem:s23+$0xA000];
	v15 =	vadd.f32 v17, v15  }
0x153: {  	v17 =	vld [tilespmem:s23+$0x9F10];
	v14 =	vadd.f32 v18, v14  }
0x154: {  	v18 =	vld [tilespmem:s23+$0x9F20];
	v30 =	vadd.f32 v19, v30  }
0x155: {  	v19 =	vld [tilespmem:s23+$0x9F30];
	v16 =	vadd.f32 v20, v16  }
0x156: {  	v20 =	vld [tilespmem:s23+$0x9F40];
	v28 =	vadd.f32 v21, v28  }
0x157: {  	v21 =	vld [tilespmem:s23+$0x9F50];
	v0 =	vadd.f32 v31, v0  }
0x158: {  	v1 =	vadd.f32 v17, v1;
	v17 =	vld [tilespmem:s23+$0x9F60]  }
0x159: {  	v6 =	vadd.f32 v18, v6;
	v18 =	vld [tilespmem:s23+$0x9F70]  }
0x15a: {  	v7 =	vadd.f32 v19, v7;
	v19 =	vld [tilespmem:s23+$0x9F80]  }
0x15b: {  	v2 =	vadd.f32 v20, v2;
	v20 =	vld [tilespmem:s23+$0x9F90]  }
0x15c: {  	v3 =	vadd.f32 v21, v3;
	v21 =	vld [tilespmem:s23+$0x9FA0]  }
.Ltmp12:
0x15d: {  	v4 =	vadd.f32 v17, v4;
	v17 =	vld [tilespmem:s23+$0x9FB0];
	(pc) =	sbr.rel @p0 .LBB2_19-.Ltmp12, $4  }
0x15e: {  	v5 =	vadd.f32 v18, v5;
	v18 =	vld [tilespmem:s23+$0x9FC0]  }
0x15f: {  	v12 =	vadd.f32 v19, v12;
	v19 =	vld [tilespmem:s23+$0x9FD0]  }
0x160: {  	v13 =	vadd.f32 v20, v13;
	v20 =	vld [tilespmem:s23+$0x9FE0]  }
0x161: {  	v29 =	vadd.f32 v21, v29;
	v21 =	vld [tilespmem:s23+$0x9FF0];
	s23 =	sshra.s32 s24, $0x2;
	s24 =	sadd.s32 $0x400, s24  }
0x162: {  	v31 =	vld [tilespmem:s23+$0xA000]  }
0x163: {  	v32 =	vld [tilespmem:s23+$0x9F10]  }
0x164: {  	v33 =	vld [tilespmem:s23+$0x9F20]  }
0x165: {  	v34 =	vld [tilespmem:s23+$0x9F30]  }
0x166: {  	v35 =	vld [tilespmem:s23+$0x9F40]  }
0x167: {  	v36 =	vld [tilespmem:s23+$0x9F50]  }
0x168: {  	v37 =	vld [tilespmem:s23+$0x9F60]  }
0x169: {  	v44 =	vld [tilespmem:s23+$0x9F70]  }
0x16a: {  	v46 =	vld [tilespmem:s23+$0x9F80]  }
0x16b: {  	v47 =	vld [tilespmem:s23+$0x9F90];
	v15 =	vadd.f32 v17, v15;
	v14 =	vadd.f32 v18, v14  }
0x16c: {  	v17 =	vld [tilespmem:s23+$0x9FA0];
	v18 =	vadd.f32 v19, v30;
	v16 =	vadd.f32 v20, v16  }
0x16d: {  	v48 =	vimm.f32 $0.0e+00;
	v19 =	vld [tilespmem:s23+$0x9FB0];
	v20 =	vadd.f32 v21, v28;
	v28 =	vadd.f32 v31, v0  }
0x16e: {  	v49 =	vimm.f32 $0.0e+00;
	v21 =	vld [tilespmem:s23+$0x9FC0];
	v40 =	vadd.f32 v32, v1;
	v39 =	vadd.f32 v33, v6  }
0x16f: {  	v50 =	vimm.f32 $0.0e+00;
	v0 =	vld [tilespmem:s23+$0x9FD0];
	v33 =	vadd.f32 v34, v7;
	v32 =	vadd.f32 v35, v2  }
0x170: {  	v51 =	vimm.f32 $0.0e+00;
	v1 =	vld [tilespmem:s23+$0x9FE0];
	v31 =	vadd.f32 v36, v3;
	v38 =	vadd.f32 v37, v4  }
0x171: {  	v52 =	vimm.f32 $0.0e+00;
	v2 =	vld [tilespmem:s23+$0x9FF0];
	v37 =	vadd.f32 v44, v5;
	v36 =	vadd.f32 v46, v12  }
0x172: {  	p1 =	por $0x1, $0x1;
	v35 =	vadd.f32 v47, v13;
	v30 =	vadd.f32 v17, v29;
	v5 =	vimm.f32 $0.0e+00  }
.Ltmp13:
0x173: {  	v3 =	vimm.f32 $0.0e+00;
	v6 =	vimm.f32 $0.0e+00;
	v7 =	vimm.f32 $0.0e+00;
	(pc) =	sbr.rel @!p1 .LBB2_24-.Ltmp13, $4  }
0x174: {  	v44 =	vimm.f32 $0.0e+00;
	v46 =	vimm.f32 $0.0e+00;
	v22 =	vadd.f32 v19, v15  }
0x175: {  	v47 =	vimm.f32 $0.0e+00;
	v43 =	vadd.f32 v21, v14;
	v41 =	vadd.f32 v0, v18  }
0x176: {  	p0 =	por $0x0, $0x0;
	v4 =	vimm.f32 $0.0e+00;
	v42 =	vadd.f32 v1, v16;
	v29 =	vadd.f32 v2, v20  }
0x177: {  	s24 =	simm.s32 $0x0;
	p2 =	por $0x0, $0x0;
	s23 =	simm.s32 $0x0;
	v2 =	vimm.f32 $0.0e+00;
	v0 =	vimm.f32 $0.0e+00;
	v1 =	vimm.f32 $0.0e+00  }
0x178: {  	v0 =	vld [tilespmem:s23+$0xBAF0]  }
0x179: {  	v1 =	vld [tilespmem:s23+$0xBA00]  }
0x17a: {  	v2 =	vld [tilespmem:s23+$0xBA10]  }
0x17b: {  	v3 =	vld [tilespmem:s23+$0xBA20]  }
0x17c: {  	v4 =	vld [tilespmem:s23+$0xBA30]  }
0x17d: {  	v5 =	vld [tilespmem:s23+$0xBA40]  }
0x17e: {  	v6 =	vld [tilespmem:s23+$0xBA50]  }
0x17f: {  	v7 =	vld [tilespmem:s23+$0xBA60]  }
0x180: {  	v14 =	vld [tilespmem:s23+$0xBA70]  }
0x181: {  	v15 =	vld [tilespmem:s23+$0xBA80]  }
0x182: {  	v44 =	vadd.f32 v0, v45;
	v46 =	vadd.f32 v1, v45  }
0x183: {  	p3 =	por $0x1, $0x1;
	v1 =	vld [tilespmem:s23+$0xBA90];
	v47 =	vadd.f32 v2, v45;
	v48 =	vadd.f32 v3, v45  }
.Ltmp14:
0x184: {  	v12 =	vld [tilespmem:s23+$0xBAA0];
	v49 =	vadd.f32 v4, v45;
	v50 =	vadd.f32 v5, v45;
	(pc) =	sbr.rel @!p3 .LBB2_22-.Ltmp14, $4  }
0x185: {  	v13 =	vld [tilespmem:s23+$0xBAB0];
	v51 =	vadd.f32 v6, v45;
	v52 =	vadd.f32 v7, v45  }
0x186: {  	v0 =	vadd.f32 v14, v45;
	v14 =	vld [tilespmem:s23+$0xBAC0];
	v4 =	vadd.f32 v15, v45  }
0x187: {  	v15 =	vld [tilespmem:s23+$0xBAD0];
	v2 =	vimm.f32 $0.0e+00;
	v5 =	vimm.f32 $0.0e+00;
	v3 =	vimm.f32 $0.0e+00  }
0x188: {  	s24 =	simm.s32 $0x100;
	s25 =	simm.s32 $0x800;
	v16 =	vld [tilespmem:s23+$0xBAE0];
	p2 =	por $0x1, $0x1;
	v6 =	vimm.f32 $0.0e+00;
	v7 =	vimm.f32 $0.0e+00;
	v1 =	vadd.f32 v1, v45  }
.LBB2_23:
0x189: {  	p3 =	sne.s32 s25, $0x6000;
	v17 =	vld [tilespmem:s24+$0xBAF0];
	v2 =	vadd.f32 v12, v2  }
0x18a: {  	v12 =	vld [tilespmem:s24+$0xBA00];
	v5 =	vadd.f32 v13, v5  }
0x18b: {  	v13 =	vld [tilespmem:s24+$0xBA10];
	v3 =	vadd.f32 v14, v3  }
0x18c: {  	v14 =	vld [tilespmem:s24+$0xBA20];
	v6 =	vadd.f32 v15, v6  }
0x18d: {  	v15 =	vld [tilespmem:s24+$0xBA30];
	v7 =	vadd.f32 v16, v7  }
0x18e: {  	v16 =	vld [tilespmem:s24+$0xBA40];
	v44 =	vadd.f32 v17, v44  }
0x18f: {  	v46 =	vadd.f32 v12, v46;
	v12 =	vld [tilespmem:s24+$0xBA50]  }
0x190: {  	v47 =	vadd.f32 v13, v47;
	v13 =	vld [tilespmem:s24+$0xBA60]  }
0x191: {  	v48 =	vadd.f32 v14, v48;
	v14 =	vld [tilespmem:s24+$0xBA70]  }
0x192: {  	v49 =	vadd.f32 v15, v49;
	v15 =	vld [tilespmem:s24+$0xBA80]  }
0x193: {  	v50 =	vadd.f32 v16, v50;
	v16 =	vld [tilespmem:s24+$0xBA90]  }
.Ltmp15:
0x194: {  	v51 =	vadd.f32 v12, v51;
	v12 =	vld [tilespmem:s24+$0xBAA0];
	(pc) =	sbr.rel @p3 .LBB2_23-.Ltmp15, $4  }
0x195: {  	v52 =	vadd.f32 v13, v52;
	v13 =	vld [tilespmem:s24+$0xBAB0]  }
0x196: {  	v0 =	vadd.f32 v14, v0;
	v14 =	vld [tilespmem:s24+$0xBAC0]  }
0x197: {  	v4 =	vadd.f32 v15, v4;
	v15 =	vld [tilespmem:s24+$0xBAD0]  }
0x198: {  	v1 =	vadd.f32 v16, v1;
	v16 =	vld [tilespmem:s24+$0xBAE0];
	s24 =	sshra.s32 s25, $0x2;
	s25 =	sadd.s32 $0x400, s25  }
.LBB2_24:
0x199: {  	v17 =	vld [tilespmem:s24+$0xBAF0]  }
0x19a: {  	v18 =	vld [tilespmem:s24+$0xBA00]  }
0x19b: {  	v19 =	vld [tilespmem:s24+$0xBA10]  }
0x19c: {  	v20 =	vld [tilespmem:s24+$0xBA20]  }
0x19d: {  	v21 =	vld [tilespmem:s24+$0xBA30]  }
0x19e: {  	v53 =	vld [tilespmem:s24+$0xBA40]  }
0x19f: {  	v58 =	vld [tilespmem:s24+$0xBA50]  }
0x1a0: {  	v60 =	vld [tilespmem:s24+$0xBA60]  }
0x1a1: {  	v61 =	vld [tilespmem:s24+$0xBA70]  }
0x1a2: {  	v5 =	vadd.f32 @p2 v13, v5;
	v13 =	vld [tilespmem:s24+$0xBA90]  }
0x1a3: {  	v2 =	vadd.f32 @p2 v12, v2;
	v62 =	vld [tilespmem:s24+$0xBAB0];
	v3 =	vadd.f32 @p2 v14, v3  }
0x1a4: {  	v63 =	vld [tilespmem:s24+$0xBAC0];
	v6 =	vadd.f32 @p2 v15, v6;
	v7 =	vadd.f32 @p2 v16, v7  }
0x1a5: {  	v14 =	vld [tilespmem:s24+$0xBAA0];
	v34 =	vadd.f32 v17, v44;
	v59 =	vadd.f32 v18, v46  }
0x1a6: {  	v56 =	vadd.f32 v19, v47;
	v54 =	vadd.f32 v20, v48;
	v44 =	vld [tilespmem:s24+$0xBAD0]  }
0x1a7: {  	v57 =	vadd.f32 v21, v49;
	v46 =	vld [tilespmem:s24+$0xBAE0];
	v49 =	vpsel p2, v5, v45;
	v47 =	vadd.f32 v13, v1  }
0x1a8: {  	v12 =	vld [tilespmem:s24+$0xBA80];
	v55 =	vadd.f32 v53, v50;
	v50 =	vpsel p2, v3, v45;
	v1 =	vadd.f32 v62, v49;
	[tilespmem:$0x1FDE0] =	vst v34  }
0x1a9: {  	v53 =	vadd.f32 v60, v52;
	v48 =	vpsel p2, v2, v45;
	v62 =	vadd.f32 v63, v50;
	[tilespmem:$0x1FD80] =	vst v47  }
.Ltmp16:
0x1aa: {  	v52 =	vadd.f32 v61, v0;
	v60 =	vpsel p2, v6, v45;
	v0 =	vadd.f32 v14, v48;
	[tilespmem:$0x1FDA0] =	vst v1;
	(pc) =	sbr.rel @!p1 .LBB2_25-.Ltmp16, $4  }
0x1ab: {  	v61 =	vpsel p2, v7, v45;
	[tilespmem:$0x1FDB0] =	vst v62;
	v63 =	vadd.f32 v44, v60  }
0x1ac: {  	v58 =	vadd.f32 v58, v51;
	[tilespmem:$0x1FD90] =	vst v0;
	v0 =	vadd.f32 v46, v61  }
0x1ad: {  	v51 =	vadd.f32 v12, v4;
	v45 =	vmovc v30;
	v50 =	vmov v40;
	v49 =	vmov v39;
	[tilespmem:$0x1FDC0] =	vst v63  }
0x1ae: {  	v48 =	vmovc v33;
	v60 =	vimm.f32 $0.0e+00;
	v47 =	vmovc v32;
	v46 =	vmov v31;
	v44 =	vmov v22;
	[tilespmem:$0x1FDD0] =	vst v0  }
0x1af: {  	v0 =	vld [tilespmem:s23+$0xD3F0]  }
0x1b0: {  	v1 =	vld [tilespmem:s23+$0xD300]  }
0x1b1: {  	v2 =	vld [tilespmem:s23+$0xD310]  }
0x1b2: {  	v3 =	vld [tilespmem:s23+$0xD320]  }
0x1b3: {  	v5 =	vld [tilespmem:s23+$0xD330]  }
0x1b4: {  	v6 =	vld [tilespmem:s23+$0xD340]  }
0x1b5: {  	v7 =	vld [tilespmem:s23+$0xD350]  }
0x1b6: {  	v12 =	vld [tilespmem:s23+$0xD360]  }
0x1b7: {  	v13 =	vld [tilespmem:s23+$0xD370]  }
0x1b8: {  	v14 =	vld [tilespmem:s23+$0xD380]  }
0x1b9: {  	v15 =	vld [tilespmem:s23+$0xD390];
	v61 =	vadd.f32 v0, v60  }
0x1ba: {  	p1 =	por $0x1, $0x1;
	v62 =	vadd.f32 v1, v60;
	v63 =	vadd.f32 v2, v60  }
.Ltmp17:
0x1bb: {  	v17 =	vld [tilespmem:s23+$0xD3A0];
	v4 =	vadd.f32 v3, v60;
	v5 =	vadd.f32 v5, v60;
	(pc) =	sbr.rel @!p1 .LBB2_27-.Ltmp17, $4  }
0x1bc: {  	v18 =	vld [tilespmem:s23+$0xD3B0];
	v6 =	vadd.f32 v6, v60;
	v0 =	vadd.f32 v7, v60  }
0x1bd: {  	v19 =	vld [tilespmem:s23+$0xD3C0];
	v16 =	vimm.f32 $0.0e+00;
	v7 =	vadd.f32 v12, v60;
	v1 =	vadd.f32 v13, v60  }
0x1be: {  	v20 =	vld [tilespmem:s23+$0xD3D0];
	v2 =	vadd.f32 v14, v60;
	v3 =	vadd.f32 v15, v60;
	v12 =	vimm.f32 $0.0e+00  }
0x1bf: {  	s24 =	simm.s32 $0x100;
	s25 =	simm.s32 $0x800;
	v21 =	vld [tilespmem:s23+$0xD3E0];
	p0 =	por $0x1, $0x1;
	v13 =	vimm.f32 $0.0e+00;
	v14 =	vimm.f32 $0.0e+00;
	v15 =	vimm.f32 $0.0e+00  }
.LBB2_28:
0x1c0: {  	p1 =	sne.s32 s25, $0x6000;
	v22 =	vld [tilespmem:s24+$0xD3F0];
	v12 =	vadd.f32 v17, v12  }
0x1c1: {  	v17 =	vld [tilespmem:s24+$0xD300];
	v13 =	vadd.f32 v18, v13  }
0x1c2: {  	v18 =	vld [tilespmem:s24+$0xD310];
	v14 =	vadd.f32 v19, v14  }
0x1c3: {  	v19 =	vld [tilespmem:s24+$0xD320];
	v15 =	vadd.f32 v20, v15  }
0x1c4: {  	v20 =	vld [tilespmem:s24+$0xD330];
	v16 =	vadd.f32 v21, v16  }
0x1c5: {  	v21 =	vld [tilespmem:s24+$0xD340];
	v61 =	vadd.f32 v22, v61  }
0x1c6: {  	v62 =	vadd.f32 v17, v62;
	v17 =	vld [tilespmem:s24+$0xD350]  }
0x1c7: {  	v63 =	vadd.f32 v18, v63;
	v18 =	vld [tilespmem:s24+$0xD360]  }
0x1c8: {  	v4 =	vadd.f32 v19, v4;
	v19 =	vld [tilespmem:s24+$0xD370]  }
0x1c9: {  	v5 =	vadd.f32 v20, v5;
	v20 =	vld [tilespmem:s24+$0xD380]  }
0x1ca: {  	v6 =	vadd.f32 v21, v6;
	v21 =	vld [tilespmem:s24+$0xD390]  }
.Ltmp18:
0x1cb: {  	v0 =	vadd.f32 v17, v0;
	v17 =	vld [tilespmem:s24+$0xD3A0];
	(pc) =	sbr.rel @p1 .LBB2_28-.Ltmp18, $4  }
0x1cc: {  	v7 =	vadd.f32 v18, v7;
	v18 =	vld [tilespmem:s24+$0xD3B0]  }
0x1cd: {  	v1 =	vadd.f32 v19, v1;
	v19 =	vld [tilespmem:s24+$0xD3C0]  }
0x1ce: {  	v2 =	vadd.f32 v20, v2;
	v20 =	vld [tilespmem:s24+$0xD3D0]  }
0x1cf: {  	v3 =	vadd.f32 v21, v3;
	v21 =	vld [tilespmem:s24+$0xD3E0];
	s24 =	sshra.s32 s25, $0x2;
	s25 =	sadd.s32 $0x400, s25  }
0x1d0: {  	v40 =	vmov v29;
	v39 =	vmov v28  }
0x1d1: {  	v34 =	vmovc v27;
	v33 =	vmovc v26;
	v32 =	vmov v25;
	v31 =	vmov v24;
	v30 =	vmov v23;
	s23 =	smov.u32 s24  }
.LBB2_30:
0x1d2: {  	v22 =	vld [tilespmem:s23+$0xD3F0]  }
0x1d3: {  	v23 =	vld [tilespmem:s23+$0xD300]  }
0x1d4: {  	v24 =	vld [tilespmem:s23+$0xD310]  }
0x1d5: {  	v25 =	vld [tilespmem:s23+$0xD320]  }
0x1d6: {  	v26 =	vld [tilespmem:s23+$0xD330]  }
0x1d7: {  	v27 =	vld [tilespmem:s23+$0xD340]  }
0x1d8: {  	v28 =	vld [tilespmem:s23+$0xD350]  }
0x1d9: {  	v29 =	vld [tilespmem:s23+$0xD360];
	v12 =	vadd.f32 @p0 v17, v12  }
0x1da: {  	v13 =	vadd.f32 @p0 v18, v13;
	v17 =	vld [tilespmem:s23+$0xD370];
	v14 =	vadd.f32 @p0 v19, v14  }
0x1db: {  	v18 =	vld [tilespmem:s23+$0xD380];
	v38 =	vmul.f32 v38, v9;
	v15 =	vadd.f32 @p0 v20, v15;
	v16 =	vadd.f32 @p0 v21, v16  }
0x1dc: {  	v19 =	vld [tilespmem:s23+$0xD390];
	v37 =	vmul.f32 v37, v9;
	v12 =	vpsel p0, v12, v60;
	v13 =	vpsel p0, v13, v60  }
0x1dd: {  	v14 =	vpsel p0, v14, v60;
	v15 =	vpsel p0, v15, v60;
	v16 =	vpsel p0, v16, v60;
	v60 =	vld [tilespmem:$0x1FE00]  }
0x1de: {  	v36 =	vmul.f32 v36, v9;
	v20 =	vadd.f32 v23, v62;
	v4 =	vadd.f32 v25, v4;
	v25 =	vld [tilespmem:s23+$0xD3A0]  }
0x1df: {  	v35 =	vmul.f32 v35, v9;
	v21 =	vadd.f32 v24, v63;
	v6 =	vadd.f32 v27, v6;
	v27 =	vld [tilespmem:s23+$0xD3C0]  }
0x1e0: {  	v45 =	vmul.f32 v45, v9;
	v5 =	vadd.f32 v26, v5;
	v0 =	vadd.f32 v28, v0;
	v28 =	vld [tilespmem:s23+$0xD3D0]  }
0x1e1: {  	v7 =	vadd.f32 v29, v7;
	v3 =	vadd.f32 v19, v3;
	v19 =	vld [tilespmem:s23+$0xD3E0];
	v20 =	vmul.f32 v20, v11  }
0x1e2: {  	v1 =	vadd.f32 v17, v1;
	v29 =	vld [tilespmem:$0x1FDF0];
	v21 =	vmul.f32 v21, v11;
	v4 =	vmul.f32 v4, v11  }
0x1e3: {  	v62 =	vld [tilespmem:$0x1FE10];
	v5 =	vmul.f32 v5, v11;
	v6 =	vmul.f32 v6, v11  }
0x1e4: {  	v2 =	vadd.f32 v18, v2;
	v63 =	vld [tilespmem:$0x1FE20];
	v0 =	vmul.f32 v0, v11;
	v1 =	vmul.f32 v1, v11  }
0x1e5: {  	v23 =	vmul.f32 v60, v8;
	v60 =	vmul.f32 v49, v9;
	v49 =	vld [tilespmem:$0x1FE70]  }
0x1e6: {  	v2 =	vmul.f32 v2, v11;
	v3 =	vmul.f32 v3, v11;
	v15 =	vadd.f32 v28, v15;
	v28 =	vld [tilespmem:$0x1FE30]  }
0x1e7: {  	v61 =	vadd.f32 v22, v61;
	v22 =	vmul.f32 v29, v8;
	v29 =	vmul.f32 v50, v9;
	v50 =	vld [tilespmem:$0x1FE40]  }
0x1e8: {  	v12 =	vadd.f32 v25, v12;
	v14 =	vadd.f32 v27, v14;
	v17 =	vmul.f32 v62, v8;
	v62 =	vld [tilespmem:$0x1FE50]  }
0x1e9: {  	v26 =	vld [tilespmem:s23+$0xD3B0];
	v24 =	vmul.f32 v63, v8;
	v16 =	vadd.f32 v19, v16;
	v63 =	vmul.f32 v48, v9  }
0x1ea: {  	v48 =	vmul.f32 v47, v9;
	v47 =	vmul.f32 v44, v9;
	v23 =	vadd.f32 v60, v23;
	v60 =	vld [tilespmem:$0x1FE80]  }
0x1eb: {  	v44 =	vmul.f32 v57, v10;
	v17 =	vadd.f32 v63, v17;
	v63 =	vmul.f32 v33, v8  }
0x1ec: {  	v22 =	vadd.f32 v29, v22;
	v29 =	vld [tilespmem:$0x1FE60];
	v27 =	vmul.f32 v49, v8;
	v18 =	vmul.f32 v28, v8  }
0x1ed: {  	v24 =	vadd.f32 v48, v24;
	v48 =	vld [tilespmem:$0x1FE90];
	v19 =	vmul.f32 v50, v8;
	v25 =	vmul.f32 v62, v8  }
0x1ee: {  	v13 =	vadd.f32 v26, v13;
	v50 =	vmul.f32 v46, v9;
	v62 =	vmul.f32 v34, v8  }
0x1ef: {  	v24 =	vadd.f32 v44, v24;
	v46 =	vmul.f32 v30, v8;
	v28 =	vmul.f32 v60, v8  }
0x1f0: {  	v27 =	vadd.f32 v35, v27;
	v60 =	vmul.f32 v41, v9;
	v41 =	vmul.f32 v59, v10  }
0x1f1: {  	v5 =	vadd.f32 v5, v24;
	v26 =	vmul.f32 v29, v8;
	v18 =	vadd.f32 v50, v18  }
0x1f2: {  	v25 =	vadd.f32 v37, v25;
	v37 =	vmul.f32 v32, v8;
	v49 =	vmul.f32 v48, v8  }
0x1f3: {  	v50 =	vmul.f32 v43, v9;
	v29 =	vadd.f32 v47, v62;
	v62 =	vmul.f32 v42, v9  }
0x1f4: {  	v19 =	vadd.f32 v38, v19;
	v42 =	vmul.f32 v56, v10;
	v43 =	vmul.f32 v54, v10  }
0x1f5: {  	v47 =	vmul.f32 v53, v10;
	v48 =	vmul.f32 v52, v10;
	v28 =	vadd.f32 v45, v28  }
0x1f6: {  	v22 =	vadd.f32 v41, v22;
	v45 =	vmul.f32 v55, v10;
	v26 =	vadd.f32 v36, v26  }
0x1f7: {  	v36 =	vmul.f32 v31, v8;
	v32 =	vadd.f32 v50, v63;
	v30 =	vadd.f32 v60, v37  }
0x1f8: {  	v63 =	vmul.f32 v40, v9;
	v23 =	vadd.f32 v42, v23;
	v17 =	vadd.f32 v43, v17  }
0x1f9: {  	v52 =	vld [tilespmem:$0x1FD90];
	v40 =	vmul.f32 v39, v9;
	v25 =	vadd.f32 v47, v25;
	v18 =	vadd.f32 v45, v18  }
0x1fa: {  	v57 =	vmul.f32 v12, v11;
	v50 =	vld [tilespmem:$0x1FD80];
	v20 =	vadd.f32 v20, v22;
	v31 =	vadd.f32 v62, v36  }
0x1fb: {  	v53 =	vld [tilespmem:$0x1FDA0];
	v54 =	vmul.f32 v7, v11;
	v33 =	vadd.f32 v63, v46;
	v34 =	vadd.f32 v40, v49  }
0x1fc: {  	[tilespmem:$0xF140] =	vst v5;
	v55 =	vld [tilespmem:$0x1FDB0];
	v46 =	vmul.f32 v58, v10;
	v49 =	vmul.f32 v51, v10;
	v21 =	vadd.f32 v21, v23  }
0x1fd: {  	v26 =	vadd.f32 v48, v26;
	v4 =	vadd.f32 v4, v17;
	v58 =	vmul.f32 v13, v11;
	[tilespmem:$0xF110] =	vst v20  }
0x1fe: {  	v56 =	vld [tilespmem:$0x1FDC0];
	v17 =	vmul.f32 v52, v10;
	v6 =	vadd.f32 v6, v18;
	v19 =	vadd.f32 v46, v19;
	[tilespmem:$0xF120] =	vst v21  }
0x1ff: {  	v59 =	vld [tilespmem:$0x1FDD0];
	v27 =	vadd.f32 v49, v27;
	[tilespmem:$0xF130] =	vst v4;
	v4 =	vadd.f32 v54, v25;
	v35 =	vmul.f32 v50, v10  }
0x200: {  	v60 =	vld [tilespmem:$0x1FDE0];
	v20 =	vmul.f32 v53, v10;
	v1 =	vadd.f32 v1, v26;
	v17 =	vadd.f32 v17, v29;
	[tilespmem:$0xF150] =	vst v6  }
0x201: {  	v5 =	vmul.f32 v55, v10;
	v0 =	vadd.f32 v0, v19;
	[tilespmem:$0xF170] =	vst v4;
	v51 =	vadd.f32 v35, v28  }
0x202: {  	v7 =	vadd.f32 v20, v32;
	v6 =	vmul.f32 v14, v11;
	v2 =	vadd.f32 v2, v27;
	[tilespmem:$0xF180] =	vst v1  }
0x203: {  	v5 =	vadd.f32 v5, v30;
	[tilespmem:$0xF160] =	vst v0;
	v0 =	vmul.f32 v56, v10;
	v3 =	vadd.f32 v3, v51  }
0x204: {  	v4 =	vadd.f32 v57, v17;
	v1 =	vadd.f32 v58, v7;
	[tilespmem:$0xF190] =	vst v2;
	v2 =	vmul.f32 v59, v10  }
0x205: {  	v7 =	vmul.f32 v15, v11;
	v0 =	vadd.f32 v0, v31;
	[tilespmem:$0xF1A0] =	vst v3;
	v3 =	vmul.f32 v60, v10  }
0x206: {  	s21 =	sadd.s32 $0x1, s21;
	v62 =	vmul.f32 v16, v11;
	v5 =	vadd.f32 v6, v5;
	[tilespmem:$0xF1B0] =	vst v4;
	v2 =	vadd.f32 v2, v33  }
0x207: {  	p0 =	sne.s32 s21, $0x80;
	v63 =	vmul.f32 v61, v11;
	[tilespmem:$0xF1C0] =	vst v1;
	v0 =	vadd.f32 v7, v0;
	v3 =	vadd.f32 v3, v34  }
.Ltmp19:
0x208: {  	s22 =	sadd.s32 s6, s22;
	[tilespmem:$0xF1D0] =	vst v5;
	v2 =	vadd.f32 v62, v2;
	(pc) =	sbr.rel @p0 .LBB2_2-.Ltmp19, $4  }
.Ltmp20:
0x209: {  	s22 =	sshll.u32 s22, $0x5;
	[tilespmem:$0xF1E0] =	vst v0;
	v1 =	vadd.f32 v63, v3;
	(pc) =	sbr.rel @!p0 .LBB2_31-.Ltmp20, $4  }
0x20a: {  	s22 =	sand.u32 $0x1FFFFFE0, s22;
	[tilespmem:$0xF1F0] =	vst v2  }
0x20b: {  	s22 =	sadd.s32 s5, s22;
	[tilespmem:$0xF200] =	vst v1  }
0x20c: {  	[hbm4b:s22+s0] =	stream.linear.scatter [tilespmem:s18], [sflag:$0x4], $0x100, $0x38;
	[tilespmem:$0xF210] =	vst v63  }
0x20d: {  	_ = 	snop  }
.LBB2_9:
0x20e: {  	v12 =	vimm.f32 $0.0e+00  }
.Ltmp21:
0x20f: {  	v13 =	vimm.f32 $0.0e+00;
	v14 =	vimm.f32 $0.0e+00;
	v15 =	vimm.f32 $0.0e+00;
	(pc) =	sbr.rel .LBB2_14-.Ltmp21, $4  }
0x210: {  	v40 =	vmovc v29;
	v16 =	vimm.f32 $0.0e+00;
	v61 =	vimm.f32 $0.0e+00;
	v62 =	vimm.f32 $0.0e+00  }
0x211: {  	v39 =	vmovc v28;
	v34 =	vmovc v27;
	v63 =	vimm.f32 $0.0e+00;
	v4 =	vimm.f32 $0.0e+00;
	v5 =	vimm.f32 $0.0e+00  }
0x212: {  	v33 =	vmovc v26;
	v32 =	vmovc v25;
	v6 =	vimm.f32 $0.0e+00;
	v7 =	vimm.f32 $0.0e+00;
	v0 =	vimm.f32 $0.0e+00  }
0x213: {  	v31 =	vmovc v24;
	v30 =	vmovc v23;
	v1 =	vimm.f32 $0.0e+00;
	v2 =	vimm.f32 $0.0e+00;
	v3 =	vimm.f32 $0.0e+00  }
.LBB2_25:
0x214: {  	v12 =	vimm.f32 $0.0e+00  }
.Ltmp22:
0x215: {  	v13 =	vimm.f32 $0.0e+00;
	v14 =	vimm.f32 $0.0e+00;
	v15 =	vimm.f32 $0.0e+00;
	(pc) =	sbr.rel .LBB2_30-.Ltmp22, $4  }
0x216: {  	v40 =	vmovc v29;
	v16 =	vimm.f32 $0.0e+00;
	v61 =	vimm.f32 $0.0e+00;
	v62 =	vimm.f32 $0.0e+00  }
0x217: {  	v39 =	vmovc v28;
	v34 =	vmovc v27;
	v63 =	vimm.f32 $0.0e+00;
	v4 =	vimm.f32 $0.0e+00;
	v5 =	vimm.f32 $0.0e+00  }
0x218: {  	v33 =	vmovc v26;
	v32 =	vmovc v25;
	v6 =	vimm.f32 $0.0e+00;
	v0 =	vimm.f32 $0.0e+00;
	v7 =	vimm.f32 $0.0e+00  }
0x219: {  	v31 =	vmovc v24;
	v30 =	vmovc v23;
	v1 =	vimm.f32 $0.0e+00;
	v2 =	vimm.f32 $0.0e+00;
	v3 =	vimm.f32 $0.0e+00  }
.LBB2_6:
.Ltmp23:
0x21a: {  	(pc) =	sbr.rel .LBB2_8-.Ltmp23, $3  }
0x21b: {  	_ =	sdelay $0x1  }
0x21c: {  	v2 =	vimm.f32 $0.0e+00;
	v5 =	vimm.f32 $0.0e+00  }
0x21d: {  	v3 =	vimm.f32 $0.0e+00;
	v6 =	vimm.f32 $0.0e+00;
	v7 =	vimm.f32 $0.0e+00  }
.LBB2_11:
.Ltmp24:
0x21e: {  	(pc) =	sbr.rel .LBB2_14-.Ltmp24, $4  }
0x21f: {  	_ = 	snop  }
0x220: {  	v40 =	vmov v29;
	v39 =	vmov v28  }
0x221: {  	v34 =	vmovc v27;
	v33 =	vmovc v26;
	v32 =	vmov v25;
	v12 =	vimm.f32 $0.0e+00;
	v13 =	vimm.f32 $0.0e+00  }
0x222: {  	v31 =	vmovc v24;
	v30 =	vmovc v23;
	s24 =	simm.s32 $0x100;
	v14 =	vimm.f32 $0.0e+00;
	v15 =	vimm.f32 $0.0e+00;
	v16 =	vimm.f32 $0.0e+00  }
.LBB2_22:
.Ltmp25:
0x223: {  	(pc) =	sbr.rel .LBB2_24-.Ltmp25, $3  }
0x224: {  	_ =	sdelay $0x1  }
0x225: {  	v2 =	vimm.f32 $0.0e+00;
	v5 =	vimm.f32 $0.0e+00  }
0x226: {  	v3 =	vimm.f32 $0.0e+00;
	v6 =	vimm.f32 $0.0e+00;
	v7 =	vimm.f32 $0.0e+00  }
.LBB2_27:
.Ltmp26:
0x227: {  	(pc) =	sbr.rel .LBB2_30-.Ltmp26, $4  }
0x228: {  	_ = 	snop  }
0x229: {  	v40 =	vmov v29;
	v39 =	vmov v28  }
0x22a: {  	v34 =	vmovc v27;
	v33 =	vmovc v26;
	v32 =	vmov v25;
	v12 =	vimm.f32 $0.0e+00;
	v13 =	vimm.f32 $0.0e+00  }
0x22b: {  	v31 =	vmovc v24;
	v30 =	vmovc v23;
	s23 =	simm.s32 $0x100;
	v14 =	vimm.f32 $0.0e+00;
	v15 =	vimm.f32 $0.0e+00;
	v16 =	vimm.f32 $0.0e+00  }
.LBB2_32:
0x22c: {  	_ =	sfence.sel $0x180000  }
0x22d: {  	[bflag:$0x0] =	sbarrier.arrive $0xFFFF  }
0x22e: {  	p0 =	sne.s32 s1, $0x0;
	_ =	strace $0x9000004A  }
0x22f: {  	s0 =	sadd.s32 @!p0 $0x100000, s2;
	[bflag:$0x2] =	sbarrier.arrive $0xFFFF  }
0x230: {  	[sflag:s0] =	ssyncadd.tile.s32 @!p0 $0x1;
	_ =	shalt  }
.Lfunc_end2:
_tile_overlayer_lowered:
.L_overlay_start_2:
0x231: {  	(tag) =	ssettag $0x2  }
0x232: {  	s0 =	rddreg [dreg:$0x0];
	s2 =	stileid.u32  }
0x233: {  	s1 =	rddreg [dreg:$0x1];
	p0 =	sne.s32 s2, $0x0  }
0x234: {  	s3 =	rddreg [dreg:$0x2];
	[bflag:$0x3] =	sbarrier.arrive $0xFFFF;
	s2 =	simm.s32 @!p0 $0x1C05  }
0x235: {  	[timem:s3], [sflag:s2] =	dma.local @!p0 [hbm:s0], s1  }
0x236: {  	s0 =	simm.s32 @!p0 $0x5  }
0x237: {  	_ =	swait.ge @!p0 [sflag:s0], s1  }
0x238: {  	s1 =	ssub.s32 @!p0 $0x0, s1;
	[sflag:s0] =	ssyncset.done @!p0 $0x0  }
0x239: {  	[sflag:s0] =	ssyncadd.s32 @!p0 s1  }
0x23a: {  	[bflag:$0x3] =	sbarrier.arrive $0xFFFF  }
0x23b: {  	_ =	shalt  }

// kernel: sparse-core-data-format-call.cloned.1.call-start
scs
called_computation_lowered:
.L_overlay_start_0:
0x0: {  	s2 =	sld [smem:$0x3FD9]  }
0x1: {  	s3 =	sld [smem:$0x3FFE];
	_ =	sdelay $0x1  }
0x2: {  	s1 =	srdreg.scid  }
0x3: {  	s0 =	sand.u32 $0x1, s1  }
0x4: {  	s18 =	sshll.u32 s0, $0xA;
	s2 =	sadd.s32 s3, s2  }
0x5: {  	s2 =	sadd.s32 s2, s18  }
0x6: {  	[smem:$0x3FC4] =	sst s2  }
0x7: {  	_ = 	snop  }
0x8: {  	s2 =	sld [smem:$0x3FC9];
	(tm) =	ssettm $0x1  }
0x9: {  	s19 =	sld [smem:$0x3FFB];
	_ =	sdelay $0x3  }
0xa: {  	_ =	strace s19  }
0xb: {  	s3 =	sld [smem:$0x3FFC];
	_ =	sdelay $0x3  }
0xc: {  	_ =	strace s3  }
0xd: {  	s3 =	sld [smem:$0x3FFD];
	_ =	sdelay $0x3  }
0xe: {  	_ =	strace s3  }
0xf: {  	_ =	strace $0x8FFFFFFF  }
0x10: {  	s20 =	sld [smem:$0x3FDB];
	_ =	sdelay $0x1  }
0x11: {  	s4 =	simm.s32 $_scs_section_size  }
0x12: {  	s5 =	simm.s32 $_size__tile_overlayer_lowered;
	s6 =	simm.s32 $_tile_overlayer_lowered  }
0x13: {  	s23 =	simm.s32 $0x1BFF;
	s22 =	sshll.u32 s6, $0x1;
	s3 =	sadd.s32 s4, s20  }
0x14: {  	s7 =	simm.s32 $0x0;
	s21 =	sshll.u32 s5, $0x1;
	s5 =	sadd.s32 s22, s3  }
0x15: {  	[timem:s7], [sflag:s23] =	dma.local [hbm:s5], s21  }
0x16: {  	_ =	swait.ge [sflag:s23], s21  }
0x17: {  	s4 =	ssub.s32 $0x0, s21;
	[sflag:s23] =	ssyncset.done $0x0  }
0x18: {  	[sflag:s23] =	ssyncadd.s32 s4;
	_ =	sdelay $0x1  }
0x19: {  	s24 =	simm.s32 $0x1B8B  }
0x1a: {  	_ =	swait.ge [sflag:s24], $0x1  }
0x1b: {  	[sflag:s24] =	ssyncset.done $0x0  }
0x1c: {  	s26 =	simm.s32 $0x1B8E;
	s25 =	sld [smem:$0x3FFE];
	[sflag:s24] =	ssyncadd.s32 $0xFFFFFFFF  }
0x1d: {  	s27 =	simm.s32 $execute0_lowered;
	[smem:$0x3FD2] =	sst s26  }
0x1e: {  	s5 =	sshll.u32 s27, $0x1;
	_ =	strace $0x80000046;
	[dreg:$0x1] =	wrdreg $0xFFFFFFFF  }
0x1f: {  	s28 =	simm.s32 $_size_execute0_lowered;
	s3 =	sadd.s32 s3, s5;
	[dreg:$0x0] =	wrdreg $0x0  }
0x20: {  	s5 =	sshll.u32 s28, $0x1;
	[dreg:$0x2] =	wrdreg s3  }
0x21: {  	[dreg:$0x3] =	wrdreg s5  }
0x22: {  	[dreg:$0x4] =	wrdreg $0xC0  }
0x23: {  	_ =	task [dreg:s7], $0x5FFFF  }
0x24: {  	[dreg:$0x1] =	wrdreg $0xFFFFFFFF  }
0x25: {  	[dreg:$0x0] =	wrdreg $0x60  }
0x26: {  	[dreg:$0x2] =	wrdreg s2  }
0x27: {  	[dreg:$0x3] =	wrdreg s25  }
0x28: {  	[dreg:$0x4] =	wrdreg $0x9  }
0x29: {  	_ =	task.clear_ibuf [dreg:s7], $0x5FFFF;
	_ =	strace $0x90000046  }
0x2a: {  	s29 =	simm.s32 $0x9;
	_ =	strace $0x80000048  }
0x2b: {  	_ =	swait.ge [sflag:s29], $0x1  }
0x2c: {  	[sflag:s29] =	ssyncadd.s32 $0xFFFFFFFF  }
0x2d: {  	_ =	strace $0x90000048  }
0x2e: {  	_ =	sfence  }
0x2f: {  	s30 =	sld [smem:$0x0];
	_ =	sdelay $0x2  }
0x30: {  	s31 =	sshll.u32 s1, $0xD;
	s1 =	sshrl.u32 s1, $0x2  }
0x31: {  	s3 =	sand.u32 $0x4000, s31;
	s1 =	sadd.s32 s1, s30  }
0x32: {  	s0 =	sor.u32 s3, s0;
	s1 =	sshll.u32 s1, $0x11  }
0x33: {  	s0 =	sor.u32 s1, s0  }
0x34: {  	s0 =	sadd.s32 $0x8F2B, s0  }
0x35: {  	[sflag:s0] =	ssyncadd.remote.s32 $0x1  }
0x36: {  	_ =	sfence.sel $0xFFFF  }
0x37: {  	[dreg:$0x0] =	wrdreg $0xFFFFFFFF;
	(pc) =	sbr.abs _section_cstart, $3  }
0x38: {  	[dreg:$0x1] =	wrdreg $0xFFFFFFFF  }
0x39: {  	_ =	task.clear_ibuf [dreg:s7], $0x2FFFF;
	_ =	strace $0x9FFFFFFF  }
0x3a: {  	(tm) =	ssettm $0x7FFFFFFF  }
0x3b: {  	_ =	shalt  }
tec
execute0_lowered:
.L_overlay_start_1:
0x0: {  	(tag) =	ssettag $0x1  }
0x1: {  	s0 =	srdreg.scid;
	s2 =	rddreg [dreg:$0x0]  }
0x2: {  	s5 =	rddreg [dreg:$0x1];
	s1 =	stileid.u32  }
0x3: {  	s4 =	simm.s32 $0x1;
	s6 =	simm.s32 $0x2;
	s0 =	sshll.u32 s0, $0x4  }
0x4: {  	s8 =	simm.s32 $0x0;
	s9 =	simm.s32 $0x0;
	s3 =	sand.u32 $0x10, s0  }
.Ltmp0:
0x5: {  	s13 =	simm.s32 $0x0;
	s3 =	sor.u32 s1, s3;
	(pc) =	sbr.rel .LBB1_1-.Ltmp0, $4  }
0x6: {  	s0 =	rddreg [dreg:$0x2];
	_ =	strace $0x80000047;
	s3 =	sshll.u32 s3, $0x3  }
0x7: {  	s10 =	simm.s32 $0x0;
	[sflag:s4] =	ssyncpa.u1 $0x0;
	s7 =	ssub.s32 $0x30D0, s3  }
0x8: {  	s12 =	simm.s32 $0x0;
	[sflag:s6] =	ssyncpa.u1 $0x0;
	s6 =	sshrl.u32 s7, $0x8  }
0x9: {  	s5 =	sadd.s32 $0xE00, s5;
	s11 =	smov.u32 s3;
	s7 =	sadd.s32 $0x2, s6  }
.LBB1_9:
0xa: {  	s15 =	sshll.u32 s12, $0xE  }
0xb: {  	s16 =	sshll.u32 s10, $0x8;
	s15 =	sand.u32 $0x4000, s15  }
0xc: {  	s16 =	sadd.s32 s5, s16;
	s15 =	sor.u32 $0x8000, s15  }
0xd: {  	[hbm4b:s16+s8] =	stream.linear.scatter [tilespmem:s15], [sflag:$0x2], s14, $0x38;
	[tilespmem:$0x10000] =	vst v63  }
.LBB1_10:
0xe: {  	p0 =	slt.u32 s12, $0x2  }
0xf: {  	p1 =	sgt.s32 @!p0 s13, $0x30CC  }
0x10: {  	s14 =	smov.u32 s13;
	s15 =	sshra.s32 @!p0 s13, $0x1F;
	p1 =	por !p1, p0  }
0x11: {  	s13 =	sand.u32 @!p0 s15, s13;
	s14 =	simm.s32 @p1 $0x30CC  }
0x12: {  	s13 =	ssub.s32 @!p0 s14, s13  }
0x13: {  	s13 =	sadd.s32 @!p0 $0xFFFFCF34, s13  }
0x14: {  	s14 =	sshll.u32 @!p0 s13, $0xD  }
0x15: {  	p1 =	sgt.s32 @!p0 s13, $0x7;
	s13 =	ssub.s32 @!p0 $0x10000, s14  }
0x16: {  	s15 =	sadd.s32 $0x100, s11;
	p1 =	por !p1, p0;
	s13 =	sshrl.u32 @!p0 s13, $0x2  }
0x17: {  	s13 =	simm.s32 @!p1 $0x0;
	p1 =	sgt.s32 s15, $0x30D3  }
0x18: {  	s15 =	smov.u32 @p1 s3;
	p1 =	sne.s32 s12, s7  }
.Ltmp1:
0x19: {  	_ = 	snop;
	(pc) =	sbr.rel @!p1 .LBB1_11-.Ltmp1, $4  }
0x1a: {  	s14 =	simm.s32 @!p0 $0x2  }
0x1b: {  	s9 =	sadd.s32 $0x4000, s9;
	_ =	swait.ge @!p0 [sflag:s14], s13;
	s16 =	ssub.s32 @!p0 $0x0, s13  }
0x1c: {  	s13 =	smov.u32 s10;
	s12 =	sadd.s32 $0x1, s12;
	[sflag:s14] =	ssyncset.done @!p0 $0x0  }
0x1d: {  	s10 =	smov.u32 s11;
	s11 =	smov.u32 s15;
	[sflag:s14] =	ssyncadd.s32 @!p0 s16  }
.LBB1_1:
0x1e: {  	p0 =	sgt.u32 s12, s6  }
0x1f: {  	p1 =	sgt.s32 @!p0 s11, $0x30CC  }
0x20: {  	s14 =	smov.u32 s11;
	s15 =	sshra.s32 @!p0 s11, $0x1F;
	p1 =	por !p1, p0  }
0x21: {  	s15 =	sand.u32 @!p0 s15, s11;
	s14 =	simm.s32 @p1 $0x30CC  }
0x22: {  	s14 =	ssub.s32 @!p0 s14, s15  }
0x23: {  	s14 =	sadd.s32 @!p0 $0xFFFFCF34, s14  }
0x24: {  	s17 =	simm.s32 @!p0 $0x0;
	s15 =	sxor.u32 @!p0 $0xFFFFFFFF, s12;
	s16 =	sshll.u32 @!p0 s14, $0xD  }
0x25: {  	s15 =	sshll.u32 @!p0 s15, $0xE;
	p1 =	sgt.s32 @!p0 s14, $0x7;
	s14 =	ssub.s32 @!p0 $0x10000, s16  }
0x26: {  	p1 =	por !p1, p0;
	s16 =	sshll.u32 @!p0 s11, $0x8;
	s14 =	sshrl.u32 @!p0 s14, $0x2  }
0x27: {  	s15 =	sand.u32 @!p0 $0x4000, s15;
	s16 =	sadd.s32 @!p0 s2, s16;
	s14 =	simm.s32 @!p1 $0x0  }
0x28: {  	[tilespmem:s15], [sflag:$0x1] =	stream.linear.gather @!p0 [hbm4b:s16+s17], s14, $0x38;
	[tilespmem:$0x10000] =	vst v63  }
0x29: {  	p0 =	seq.s32 s12, $0x0  }
0x2a: {  	p1 =	sge.u32 @!p0 s12, s7  }
0x2b: {  	p0 =	por p0, p1  }
.Ltmp2:
0x2c: {  	_ = 	snop;
	(pc) =	sbr.rel @p0 .LBB1_10-.Ltmp2, $1  }
0x2d: {  	_ =	sdelay $0x3  }
0x2e: {  	p0 =	sgt.s32 s10, $0x30CC;
	s14 =	smov.u32 s10;
	s15 =	sshra.s32 s10, $0x1F  }
0x2f: {  	s14 =	simm.s32 @!p0 $0x30CC;
	s15 =	sand.u32 s15, s10  }
0x30: {  	s14 =	ssub.s32 s14, s15  }
0x31: {  	s16 =	sadd.s32 $0x8, s10;
	s14 =	sadd.s32 $0xFFFFCF34, s14  }
0x32: {  	p1 =	slt.s32 s16, $0x30D4;
	s30 =	sshll.u32 s14, $0xD  }
0x33: {  	s16 =	simm.s32 @!p1 $0x30D4;
	s15 =	ssub.s32 $0x10000, s30  }
0x34: {  	p0 =	sgt.s32 s14, $0x7;
	s14 =	sshrl.u32 s15, $0x2;
	s15 =	ssub.s32 s16, s10  }
0x35: {  	s14 =	simm.s32 @p0 $0x0;
	p0 =	slt.s32 s15, $0x1  }
.Ltmp3:
0x36: {  	_ = 	snop;
	(pc) =	sbr.rel @p0 .LBB1_9-.Ltmp3, $4  }
0x37: {  	_ = 	snop  }
0x38: {  	_ =	swait.ge [sflag:s4], s14  }
0x39: {  	s31 =	ssub.s32 $0x0, s14;
	[sflag:s4] =	ssyncset.done $0x0  }
0x3a: {  	[sflag:s4] =	ssyncadd.s32 s31  }
0x3b: {  	s16 =	sshll.u32 s9, $0x2  }
0x3c: {  	s16 =	sand.u32 $0x10000, s16  }
0x3d: {  	s16 =	sshrl.u32 s16, $0x2  }
0x3e: {  	s18 =	simm.s32 $0x0;
	s19 =	simm.s32 $0x0;
	s17 =	sor.u32 $0x8000, s16  }
.LBB1_4:
0x3f: {  	s20 =	sshra.s32 s18, $0x2  }
0x40: {  	v0 =	vmov s20;
	_ =	sdelay $0x3  }
0x41: {  	p1 =	por $0x1, $0x1;
	s20 =	simm.s32 $0x0  }
.LBB1_5:
0x42: {  	_ = 	snop  }
0x43: {  	s21 =	sshll.u32 s20, $0xA  }
0x44: {  	s21 =	sand.u32 $0x3FFFFC00, s21  }
0x45: {  	s21 =	sadd.s32 s21, s16  }
0x46: {  	v5 =	vld.idx.msk [tilespmem:v0+s21+$0x70 ss:$0x1], $0xffff  }
0x47: {  	v6 =	vld.idx.msk [tilespmem:v0+s21+$0x10 ss:$0x1], $0xffff  }
0x48: {  	v7 =	vld.idx.msk [tilespmem:v0+s21+$0x20 ss:$0x1], $0xffff  }
0x49: {  	s31 =	sshll.u32 s20, $0x7;
	v1 =	vld.idx.msk [tilespmem:v0+s21+$0x30 ss:$0x1], $0xffff  }
0x4a: {  	s20 =	sand.u32 $0x3FFFFF80, s31;
	v2 =	vld.idx.msk [tilespmem:v0+s21+$0x40 ss:$0x1], $0xffff  }
0x4b: {  	s20 =	sadd.s32 s20, s17;
	v3 =	vld.idx.msk [tilespmem:v0+s21+$0x50 ss:$0x1], $0xffff  }
0x4c: {  	v4 =	vld.idx.msk [tilespmem:v0+s21+$0x60 ss:$0x1], $0xffff;
	[tilespmem:v0+s20+$0x70 ss:$0x1] =	vst.idx.msk $0xffff, v5  }
0x4d: {  	v5 =	vld.idx.msk [tilespmem:v0+s21+$0x0 ss:$0x1], $0xffff;
	[tilespmem:v0+s20+$0x10 ss:$0x1] =	vst.idx.msk $0xffff, v6;
	s21 =	sadd.s32 $0x80, s21  }
0x4e: {  	p0 =	por p1, p1;
	s22 =	simm.s32 $0x6;
	[tilespmem:v0+s20+$0x20 ss:$0x1] =	vst.idx.msk $0xffff, v7;
	v6 =	vld.idx.msk [tilespmem:v0+s21+$0x70 ss:$0x1], $0xffff  }
.LBB1_6:
0x4f: {  	p1 =	sne.s32 s22, $0x1;
	v7 =	vld.idx.msk [tilespmem:v0+s21+$0x10 ss:$0x1], $0xffff;
	[tilespmem:v0+s20+$0x30 ss:$0x1] =	vst.idx.msk $0xffff, v1  }
0x50: {  	v8 =	vld.idx.msk [tilespmem:v0+s21+$0x20 ss:$0x1], $0xffff;
	[tilespmem:v0+s20+$0x40 ss:$0x1] =	vst.idx.msk $0xffff, v2  }
0x51: {  	v1 =	vld.idx.msk [tilespmem:v0+s21+$0x30 ss:$0x1], $0xffff;
	[tilespmem:v0+s20+$0x50 ss:$0x1] =	vst.idx.msk $0xffff, v3  }
.Ltmp4:
0x52: {  	v2 =	vld.idx.msk [tilespmem:v0+s21+$0x40 ss:$0x1], $0xffff;
	[tilespmem:v0+s20+$0x60 ss:$0x1] =	vst.idx.msk $0xffff, v4;
	(pc) =	sbr.rel @p1 .LBB1_6-.Ltmp4, $4  }
0x53: {  	v3 =	vld.idx.msk [tilespmem:v0+s21+$0x50 ss:$0x1], $0xffff;
	[tilespmem:v0+s20+$0x0 ss:$0x1] =	vst.idx.msk $0xffff, v5;
	s20 =	sadd.s32 $0x100, s20  }
0x54: {  	v4 =	vld.idx.msk [tilespmem:v0+s21+$0x60 ss:$0x1], $0xffff;
	[tilespmem:v0+s20+$0x70 ss:$0x1] =	vst.idx.msk $0xffff, v6  }
0x55: {  	v5 =	vld.idx.msk [tilespmem:v0+s21+$0x0 ss:$0x1], $0xffff;
	[tilespmem:v0+s20+$0x10 ss:$0x1] =	vst.idx.msk $0xffff, v7;
	s21 =	sadd.s32 $0x80, s21  }
0x56: {  	s22 =	sadd.s32 $0xFFFFFFFF, s22;
	v6 =	vld.idx.msk [tilespmem:v0+s21+$0x70 ss:$0x1], $0xffff;
	[tilespmem:v0+s20+$0x20 ss:$0x1] =	vst.idx.msk $0xffff, v8  }
0x57: {  	_ =	sdelay $0x3  }
0x58: {  	[tilespmem:v0+s20+$0x30 ss:$0x1] =	vst.idx.msk $0xffff, v1  }
0x59: {  	v1 =	vld.idx.msk [tilespmem:v0+s21+$0x10 ss:$0x1], $0xffff;
	[tilespmem:v0+s20+$0x40 ss:$0x1] =	vst.idx.msk $0xffff, v2  }
0x5a: {  	v2 =	vld.idx.msk [tilespmem:v0+s21+$0x20 ss:$0x1], $0xffff;
	[tilespmem:v0+s20+$0x50 ss:$0x1] =	vst.idx.msk $0xffff, v3  }
0x5b: {  	v61 =	vld.idx.msk [tilespmem:v0+s21+$0x40 ss:$0x1], $0xffff;
	[tilespmem:v0+s20+$0x60 ss:$0x1] =	vst.idx.msk $0xffff, v4  }
0x5c: {  	s31 =	sadd.s32 $0x100, s20;
	v62 =	vld.idx.msk [tilespmem:v0+s21+$0x50 ss:$0x1], $0xffff;
	[tilespmem:v0+s20+$0x0 ss:$0x1] =	vst.idx.msk $0xffff, v5  }
0x5d: {  	v63 =	vld.idx.msk [tilespmem:v0+s21+$0x60 ss:$0x1], $0xffff;
	[tilespmem:v0+s31+$0x70 ss:$0x1] =	vst.idx.msk $0xffff, v6  }
0x5e: {  	v3 =	vld.idx.msk [tilespmem:v0+s21+$0x30 ss:$0x1], $0xffff;
	[tilespmem:v0+s31+$0x10 ss:$0x1] =	vst.idx.msk $0xffff, v1  }
0x5f: {  	v1 =	vld.idx.msk [tilespmem:v0+s21+$0x0 ss:$0x1], $0xffff;
	[tilespmem:v0+s31+$0x20 ss:$0x1] =	vst.idx.msk $0xffff, v2  }
.Ltmp5:
0x60: {  	[tilespmem:v0+s31+$0x40 ss:$0x1] =	vst.idx.msk $0xffff, v61;
	(pc) =	sbr.rel @p0 .LBB1_5-.Ltmp5, $4  }
0x61: {  	[tilespmem:v0+s31+$0x50 ss:$0x1] =	vst.idx.msk $0xffff, v62  }
0x62: {  	[tilespmem:v0+s31+$0x60 ss:$0x1] =	vst.idx.msk $0xffff, v63  }
0x63: {  	[tilespmem:v0+s31+$0x30 ss:$0x1] =	vst.idx.msk $0xffff, v3  }
0x64: {  	p1 =	por $0x0, $0x0;
	s20 =	simm.s32 $0x1;
	[tilespmem:v0+s31+$0x0 ss:$0x1] =	vst.idx.msk $0xffff, v1  }
0x65: {  	s19 =	sadd.s32 $0x1, s19  }
0x66: {  	p0 =	sne.s32 s19, s15  }
.Ltmp6:
0x67: {  	_ = 	snop;
	(pc) =	sbr.rel @p0 .LBB1_4-.Ltmp6, $4  }
.Ltmp7:
0x68: {  	_ = 	snop;
	(pc) =	sbr.rel @!p0 .LBB1_9-.Ltmp7, $4  }
0x69: {  	_ = 	snop  }
0x6a: {  	_ = 	snop  }
0x6b: {  	s18 =	sadd.s32 $0x2000, s18  }
0x6c: {  	_ = 	snop  }
.LBB1_11:
0x6d: {  	_ =	sfence.sel $0x180000  }
0x6e: {  	s2 =	simm.s32 $0x1;
	[bflag:$0x0] =	sbarrier.arrive $0xFFFF  }
0x6f: {  	s31 =	simm.s32 $0x2;
	[sflag:s2] =	ssyncpa.u1 $0x1  }
0x70: {  	[sflag:s31] =	ssyncpa.u1 $0x1  }
0x71: {  	p0 =	sne.s32 s1, $0x0;
	_ =	strace $0x90000047  }
0x72: {  	s0 =	sadd.s32 @!p0 $0x100000, s0;
	[bflag:$0x2] =	sbarrier.arrive $0xFFFF  }
0x73: {  	[sflag:s0] =	ssyncadd.tile.s32 @!p0 $0x1;
	_ =	shalt  }
.Lfunc_end1:
_tile_overlayer_lowered:
.L_overlay_start_2:
0x74: {  	(tag) =	ssettag $0x2  }
0x75: {  	s0 =	rddreg [dreg:$0x0];
	s2 =	stileid.u32  }
0x76: {  	s1 =	rddreg [dreg:$0x1];
	p0 =	sne.s32 s2, $0x0  }
0x77: {  	s3 =	rddreg [dreg:$0x2];
	[bflag:$0x3] =	sbarrier.arrive $0xFFFF;
	s2 =	simm.s32 @!p0 $0x1C01  }
0x78: {  	[timem:s3], [sflag:s2] =	dma.local @!p0 [hbm:s0], s1  }
0x79: {  	s0 =	simm.s32 @!p0 $0x1  }
0x7a: {  	_ =	swait.ge @!p0 [sflag:s0], s1  }
0x7b: {  	s1 =	ssub.s32 @!p0 $0x0, s1;
	[sflag:s0] =	ssyncset.done @!p0 $0x0  }
0x7c: {  	[sflag:s0] =	ssyncadd.s32 @!p0 s1  }
0x7d: {  	[bflag:$0x3] =	sbarrier.arrive $0xFFFF  }
0x7e: {  	_ =	shalt  }

</sc_bundles>
